<compile_context>
chip_gen: v7x
topology: tpu7x:2x2x1
jax: 0.10.2.dev20260603
libtpu: 0.0.44.dev20260713+nightly
codegen_flags: <defaults>
</compile_context>

<pallas_src>
import jax
import jax.numpy as jnp
from jax import lax
from jax.experimental import pallas as pl
from jax.experimental.pallas import tpu as pltpu
from jax.experimental.pallas import tpu_sc as plsc

BATCH = 1024
SEQ = 200
D = 128
NW = 32
ROWS = BATCH * SEQ
R_PER_W = ROWS // NW
CHUNK = SEQ
N_CHUNK = R_PER_W // CHUNK
SPLIT = 128
REM = CHUNK - SPLIT
NBUF = 3
N_MAIN = (N_CHUNK // NBUF) * NBUF


def _emb_body(ids_hbm, tok_hbm, pos_hbm, out_hbm,
              idx_v, rows0, rows1, rows2, pos_v,
              ga0, ga1, ga2, gb0, gb1, gb2, ssem0, ssem1, ssem2):
    rows = (rows0, rows1, rows2)
    gasems = (ga0, ga1, ga2)
    gbsems = (gb0, gb1, gb2)
    ssems = (ssem0, ssem1, ssem2)
    wid = lax.axis_index("s") * 2 + lax.axis_index("c")
    base = wid * R_PER_W
    pltpu.sync_copy(ids_hbm.at[pl.ds(base, R_PER_W)], idx_v)
    pltpu.sync_copy(pos_hbm.at[pl.ds(0, SEQ)], pos_v)

    def start(j, p):
        loc = j * CHUNK

        pltpu.async_copy(tok_hbm.at[idx_v.at[pl.ds(loc, SPLIT)]],
                         rows[p].at[pl.ds(0, SPLIT)], gasems[p])
        pltpu.async_copy(tok_hbm.at[idx_v.at[pl.ds(loc + SPLIT, REM)]],
                         rows[p].at[pl.ds(SPLIT, REM)], gbsems[p])

    def finish(j, p):
        loc = j * CHUNK
        rv = rows[p]
        pltpu.make_async_copy(tok_hbm.at[idx_v.at[pl.ds(loc, SPLIT)]],
                              rv.at[pl.ds(0, SPLIT)], gasems[p]).wait()

        @plsc.parallel_loop(0, SPLIT, unroll=4)
        def add_a(r):
            for c in range(D // 16):
                sl = pl.ds(c * 16, 16)
                rv[r, sl] = rv[r, sl] + pos_v[r, sl]

        pltpu.make_async_copy(tok_hbm.at[idx_v.at[pl.ds(loc + SPLIT, REM)]],
                              rv.at[pl.ds(SPLIT, REM)], gbsems[p]).wait()

        @plsc.parallel_loop(SPLIT, CHUNK, unroll=4)
        def add_b(r):
            for c in range(D // 16):
                sl = pl.ds(c * 16, 16)
                rv[r, sl] = rv[r, sl] + pos_v[r, sl]


    start(0, 0)

    def body(i, carry):
        for b in range(NBUF):
            j = i * NBUF + b

            @pl.when(j + 1 < N_CHUNK)
            def _():
                start(j + 1, (b + 1) % NBUF)

            finish(j, b)
        return carry

    lax.fori_loop(0, N_MAIN // NBUF, body, 0)
    for j in range(N_MAIN, N_CHUNK):
        if j + 1 < N_CHUNK:
            start(j + 1, (j + 1) % NBUF)
        finish(j, j % NBUF)
    pltpu.sync_copy(rows[0], out_hbm.at[pl.ds(base, CHUNK)])


@jax.jit
def _run(ids_flat, tok, pos):
    f = pl.kernel(
        _emb_body,
        mesh=plsc.VectorSubcoreMesh(core_axis_name="c", subcore_axis_name="s"),
        out_type=jax.ShapeDtypeStruct((ROWS, D), jnp.float32),
        scratch_types=[
            pltpu.VMEM((R_PER_W,), jnp.int32),
            pltpu.VMEM((CHUNK, D), jnp.float32),
            pltpu.VMEM((CHUNK, D), jnp.float32),
            pltpu.VMEM((CHUNK, D), jnp.float32),
            pltpu.VMEM((SEQ, D), jnp.float32),
            pltpu.SemaphoreType.DMA,
            pltpu.SemaphoreType.DMA,
            pltpu.SemaphoreType.DMA,
            pltpu.SemaphoreType.DMA,
            pltpu.SemaphoreType.DMA,
            pltpu.SemaphoreType.DMA,
            pltpu.SemaphoreType.DMA,
            pltpu.SemaphoreType.DMA,
            pltpu.SemaphoreType.DMA,
        ],
    )
    return f(ids_flat, tok, pos)


def kernel(token_ids, token_table, pos_table):
    ids_flat = token_ids.reshape(-1).astype(jnp.int32)
    out = _run(ids_flat, token_table, pos_table)
    return out.reshape(BATCH, SEQ, D)

# --- scband reference (transcript-rebuilt; emitter-appended) ---
"""Pipeline reference for scband-gptembeddings-61529701482669 (READ-ONLY COPY).

The authoritative reference and input builder live on the scoring server;
editing this copy changes nothing except your own understanding.
"""

import jax, jax.numpy as jnp
import numpy as np

VOCAB = 100000
EMBED_DIM = 128
MAX_SEQ_LEN = 2048
BATCH = 1024
SEQ_LEN = 200

def setup_inputs(seed: int = 0) -> dict:
    key = jax.random.key(seed)
    k1, k2, k3 = jax.random.split(key, 3)
    token_ids = jax.random.randint(k1, (BATCH, SEQ_LEN), 0, VOCAB, dtype=jnp.int64 if jax.config.jax_enable_x64 else jnp.int32)
    token_table = jax.random.normal(k2, (VOCAB, EMBED_DIM), dtype=jnp.float32) * 0.02
    pos_table = jax.random.normal(k3, (MAX_SEQ_LEN, EMBED_DIM), dtype=jnp.float32) * 0.02
    return {"token_ids": token_ids, "token_table": token_table, "pos_table": pos_table}

def reference(token_ids, token_table, pos_table):
    # token embedding lookup (gather)
    token_emb = jnp.take(token_table, token_ids, axis=0)  # [B, S, D]
    # positional embedding lookup (offset = 0)
    seq_len = token_ids.shape[1]
    pos_ids = jnp.arange(0, seq_len)
    pos_emb = jnp.take(pos_table, pos_ids, axis=0)  # [S, D]
    return token_emb + pos_emb[None, :, :]

if __name__ == "__main__":
    import jax
    _d = setup_inputs()
    print(jax.jit(kernel)(*tuple(_d.values())))

</pallas_src>

<mosaic_0001>
#map = affine_map<(d0, d1) -> (0)>
#map1 = affine_map<(d0, d1) -> (0, 0)>
module attributes {stable_mosaic.version = 14 : i64} {
  func.func @_emb_body(%arg0: i32, %arg1: i32, %arg2: memref<204800xi32, #tpu.memory_space<hbm>>, %arg3: memref<100000x128xf32, #tpu.memory_space<hbm>>, %arg4: memref<2048x128xf32, #tpu.memory_space<hbm>>, %arg5: memref<204800x128xf32, #tpu.memory_space<hbm>>, %arg6: memref<6400xi32, #tpu.memory_space<vmem>>, %arg7: memref<200x128xf32, #tpu.memory_space<vmem>>, %arg8: memref<200x128xf32, #tpu.memory_space<vmem>>, %arg9: memref<200x128xf32, #tpu.memory_space<vmem>>, %arg10: memref<200x128xf32, #tpu.memory_space<vmem>>, %arg11: memref<!tpu.dma_semaphore, #tpu.memory_space<semaphore_mem>>, %arg12: memref<!tpu.dma_semaphore, #tpu.memory_space<semaphore_mem>>, %arg13: memref<!tpu.dma_semaphore, #tpu.memory_space<semaphore_mem>>, %arg14: memref<!tpu.dma_semaphore, #tpu.memory_space<semaphore_mem>>, %arg15: memref<!tpu.dma_semaphore, #tpu.memory_space<semaphore_mem>>, %arg16: memref<!tpu.dma_semaphore, #tpu.memory_space<semaphore_mem>>, %arg17: memref<!tpu.dma_semaphore, #tpu.memory_space<semaphore_mem>>, %arg18: memref<!tpu.dma_semaphore, #tpu.memory_space<semaphore_mem>>, %arg19: memref<!tpu.dma_semaphore, #tpu.memory_space<semaphore_mem>>) attributes {dimension_semantics = [#tpu.dimension_semantics<core_parallel>, #tpu.dimension_semantics<subcore_parallel>], iteration_bounds = array<i64: 2, 16>, scalar_prefetch = 0 : i64, scratch_operands = 14 : i64, tpu.core_type = #tpu.core_type<sc_vector_subcore>, window_params = [{transform_indices = #map}, {transform_indices = #map1}, {transform_indices = #map1}, {transform_indices = #map1}]} {
    %mul3A = arith.constant 2 : i32
    %mul3A_0 = arith.muli %arg1, %mul3A : i32
    %add3A = arith.addi %mul3A_0, %arg0 : i32
    %mul3A_1 = arith.constant 6400 : i32
    %mul3A_2 = arith.muli %add3A, %mul3A_1 : i32
    "tpu.region"() ({
      %run_scoped3A = tpu.sem_alloc : memref<!tpu.dma_semaphore, #tpu.memory_space<semaphore_mem>>
      %dma_start3A_81 = tpu.memref_slice %arg2[%mul3A_2] : memref<204800xi32, #tpu.memory_space<hbm>> -> memref<6400xi32, #tpu.memory_space<hbm>>
      %dma_start3A_82 = tpu.memref_slice %arg2[%mul3A_2] : memref<204800xi32, #tpu.memory_space<hbm>> -> memref<6400xi32, #tpu.memory_space<hbm>>
      tpu.enqueue_dma source(%dma_start3A_82 : memref<6400xi32, #tpu.memory_space<hbm>>) target(%arg6 : memref<6400xi32, #tpu.memory_space<vmem>>) target_semaphore(%run_scoped3A : memref<!tpu.dma_semaphore, #tpu.memory_space<semaphore_mem>>)
      %dma_wait3A_83 = tpu.memref_slice %arg2[%mul3A_2] : memref<204800xi32, #tpu.memory_space<hbm>> -> memref<6400xi32, #tpu.memory_space<hbm>>
      %dma_wait3A_84 = tpu.memref_slice %arg2[%mul3A_2] : memref<204800xi32, #tpu.memory_space<hbm>> -> memref<6400xi32, #tpu.memory_space<hbm>>
      tpu.wait_dma2 semaphore(%run_scoped3A : memref<!tpu.dma_semaphore, #tpu.memory_space<semaphore_mem>>) src(%dma_wait3A_84 : memref<6400xi32, #tpu.memory_space<hbm>>) dst(%arg6 : memref<6400xi32, #tpu.memory_space<vmem>>)
      tpu.yield
    }) : () -> ()
    "tpu.region"() ({
      %run_scoped3A = tpu.sem_alloc : memref<!tpu.dma_semaphore, #tpu.memory_space<semaphore_mem>>
      %dma_start3A_81 = arith.constant 0 : i32
      %dma_start3A_82 = arith.constant 0 : i32
      %dma_start3A_83 = tpu.memref_slice %arg4[%dma_start3A_81, %dma_start3A_82] : memref<2048x128xf32, #tpu.memory_space<hbm>> -> memref<200x128xf32, #tpu.memory_space<hbm>>
      %dma_start3A_84 = arith.constant 0 : i32
      %dma_start3A_85 = arith.constant 0 : i32
      %dma_start3A_86 = tpu.memref_slice %arg4[%dma_start3A_84, %dma_start3A_85] : memref<2048x128xf32, #tpu.memory_space<hbm>> -> memref<200x128xf32, #tpu.memory_space<hbm>>
      tpu.enqueue_dma source(%dma_start3A_86 : memref<200x128xf32, #tpu.memory_space<hbm>>) target(%arg10 : memref<200x128xf32, #tpu.memory_space<vmem>>) target_semaphore(%run_scoped3A : memref<!tpu.dma_semaphore, #tpu.memory_space<semaphore_mem>>)
      %dma_wait3A_87 = arith.constant 0 : i32
      %dma_wait3A_88 = arith.constant 0 : i32
      %dma_wait3A_89 = tpu.memref_slice %arg4[%dma_wait3A_87, %dma_wait3A_88] : memref<2048x128xf32, #tpu.memory_space<hbm>> -> memref<200x128xf32, #tpu.memory_space<hbm>>
      %dma_wait3A_90 = arith.constant 0 : i32
      %dma_wait3A_91 = arith.constant 0 : i32
      %dma_wait3A_92 = tpu.memref_slice %arg4[%dma_wait3A_90, %dma_wait3A_91] : memref<2048x128xf32, #tpu.memory_space<hbm>> -> memref<200x128xf32, #tpu.memory_space<hbm>>
      tpu.wait_dma2 semaphore(%run_scoped3A : memref<!tpu.dma_semaphore, #tpu.memory_space<semaphore_mem>>) src(%dma_wait3A_92 : memref<200x128xf32, #tpu.memory_space<hbm>>) dst(%arg10 : memref<200x128xf32, #tpu.memory_space<vmem>>)
      tpu.yield
    }) : () -> ()
    %dma_start3A = arith.constant 0 : i32
    %dma_start3A_3 = arith.constant 0 : i32
    %dma_start3A_4 = tpu.memref_slice %arg7[%dma_start3A, %dma_start3A_3] : memref<200x128xf32, #tpu.memory_space<vmem>> -> memref<128x128xf32, #tpu.memory_space<vmem>>
    %dma_start3A_5 = arith.constant 0 : i32
    %dma_start3A_6 = tpu.memref_slice %arg6[%dma_start3A_5] : memref<6400xi32, #tpu.memory_space<vmem>> -> memref<128xi32, #tpu.memory_space<vmem>>
    %dma_start3A_7 = arith.constant 0 : i32
    %dma_start3A_8 = arith.constant 0 : i32
    %dma_start3A_9 = tpu.memref_slice %arg3[%dma_start3A_7, %dma_start3A_8] : memref<100000x128xf32, #tpu.memory_space<hbm>> -> memref<100000x128xf32, #tpu.memory_space<hbm>>
    tpu.enqueue_indirect_dma source(%dma_start3A_9 : memref<100000x128xf32, #tpu.memory_space<hbm>>) target(%dma_start3A_4 : memref<128x128xf32, #tpu.memory_space<vmem>>) offsets(%dma_start3A_6 : memref<128xi32, #tpu.memory_space<vmem>>) semaphore(%arg11 : memref<!tpu.dma_semaphore, #tpu.memory_space<semaphore_mem>>)
    %dma_start3A_10 = arith.constant 128 : i32
    %dma_start3A_11 = arith.constant 0 : i32
    %dma_start3A_12 = tpu.memref_slice %arg7[%dma_start3A_10, %dma_start3A_11] : memref<200x128xf32, #tpu.memory_space<vmem>> -> memref<72x128xf32, #tpu.memory_space<vmem>>
    %dma_start3A_13 = arith.constant 128 : i32
    %dma_start3A_14 = tpu.memref_slice %arg6[%dma_start3A_13] : memref<6400xi32, #tpu.memory_space<vmem>> -> memref<72xi32, #tpu.memory_space<vmem>>
    %dma_start3A_15 = arith.constant 0 : i32
    %dma_start3A_16 = arith.constant 0 : i32
    %dma_start3A_17 = tpu.memref_slice %arg3[%dma_start3A_15, %dma_start3A_16] : memref<100000x128xf32, #tpu.memory_space<hbm>> -> memref<100000x128xf32, #tpu.memory_space<hbm>>
    tpu.enqueue_indirect_dma source(%dma_start3A_17 : memref<100000x128xf32, #tpu.memory_space<hbm>>) target(%dma_start3A_12 : memref<72x128xf32, #tpu.memory_space<vmem>>) offsets(%dma_start3A_14 : memref<72xi32, #tpu.memory_space<vmem>>) semaphore(%arg14 : memref<!tpu.dma_semaphore, #tpu.memory_space<semaphore_mem>>)
    %scan3A = arith.constant 0 : i32
    %scan3A_18 = arith.constant 0 : i32
    %scan3A_19 = arith.constant 10 : i32
    %scan3A_20 = arith.addi %scan3A_18, %scan3A_19 : i32
    %scan3A_21 = arith.constant 1 : i32
    scf.for %scan3A_81 = %scan3A_18 to %scan3A_20 step %scan3A_21  : i32 {
      %mul3A_82 = arith.constant 3 : i32
      %mul3A_83 = arith.muli %scan3A_81, %mul3A_82 : i32
      %add3A_84 = arith.constant 0 : i32
      %add3A_85 = arith.addi %mul3A_83, %add3A_84 : i32
      %add3A_86 = arith.constant 1 : i32
      %add3A_87 = arith.addi %add3A_85, %add3A_86 : i32
      %lt3A = arith.constant 32 : i32
      %lt3A_88 = arith.cmpi slt, %add3A_87, %lt3A : i32
      %convert_element_type3A = arith.extui %lt3A_88 : i1 to i32
      %cond3A = arith.constant 0 : i32
      %cond3A_89 = arith.cmpi ne, %convert_element_type3A, %cond3A : i32
      scf.if %cond3A_89 {
        %add3A_184 = arith.constant 1 : i32
        %add3A_185 = arith.addi %add3A_85, %add3A_184 : i32
        %mul3A_186 = arith.constant 200 : i32
        %mul3A_187 = arith.muli %add3A_185, %mul3A_186 : i32
        %dma_start3A_188 = arith.constant 0 : i32
        %dma_start3A_189 = arith.constant 0 : i32
        %dma_start3A_190 = tpu.memref_slice %arg8[%dma_start3A_188, %dma_start3A_189] : memref<200x128xf32, #tpu.memory_space<vmem>> -> memref<128x128xf32, #tpu.memory_space<vmem>>
        %dma_start3A_191 = tpu.memref_slice %arg6[%mul3A_187] : memref<6400xi32, #tpu.memory_space<vmem>> -> memref<128xi32, #tpu.memory_space<vmem>>
        %dma_start3A_192 = arith.constant 0 : i32
        %dma_start3A_193 = arith.constant 0 : i32
        %dma_start3A_194 = tpu.memref_slice %arg3[%dma_start3A_192, %dma_start3A_193] : memref<100000x128xf32, #tpu.memory_space<hbm>> -> memref<100000x128xf32, #tpu.memory_space<hbm>>
        tpu.enqueue_indirect_dma source(%dma_start3A_194 : memref<100000x128xf32, #tpu.memory_space<hbm>>) target(%dma_start3A_190 : memref<128x128xf32, #tpu.memory_space<vmem>>) offsets(%dma_start3A_191 : memref<128xi32, #tpu.memory_space<vmem>>) semaphore(%arg12 : memref<!tpu.dma_semaphore, #tpu.memory_space<semaphore_mem>>)
        %add3A_195 = arith.constant 128 : i32
        %add3A_196 = arith.addi %mul3A_187, %add3A_195 : i32
        %dma_start3A_197 = arith.constant 128 : i32
        %dma_start3A_198 = arith.constant 0 : i32
        %dma_start3A_199 = tpu.memref_slice %arg8[%dma_start3A_197, %dma_start3A_198] : memref<200x128xf32, #tpu.memory_space<vmem>> -> memref<72x128xf32, #tpu.memory_space<vmem>>
        %dma_start3A_200 = tpu.memref_slice %arg6[%add3A_196] : memref<6400xi32, #tpu.memory_space<vmem>> -> memref<72xi32, #tpu.memory_space<vmem>>
        %dma_start3A_201 = arith.constant 0 : i32
        %dma_start3A_202 = arith.constant 0 : i32
        %dma_start3A_203 = tpu.memref_slice %arg3[%dma_start3A_201, %dma_start3A_202] : memref<100000x128xf32, #tpu.memory_space<hbm>> -> memref<100000x128xf32, #tpu.memory_space<hbm>>
        tpu.enqueue_indirect_dma source(%dma_start3A_203 : memref<100000x128xf32, #tpu.memory_space<hbm>>) target(%dma_start3A_199 : memref<72x128xf32, #tpu.memory_space<vmem>>) offsets(%dma_start3A_200 : memref<72xi32, #tpu.memory_space<vmem>>) semaphore(%arg15 : memref<!tpu.dma_semaphore, #tpu.memory_space<semaphore_mem>>)
      } else {
      }
      %mul3A_90 = arith.constant 200 : i32
      %mul3A_91 = arith.muli %add3A_85, %mul3A_90 : i32
      %dma_wait3A_92 = arith.constant 0 : i32
      %dma_wait3A_93 = arith.constant 0 : i32
      %dma_wait3A_94 = tpu.memref_slice %arg7[%dma_wait3A_92, %dma_wait3A_93] : memref<200x128xf32, #tpu.memory_space<vmem>> -> memref<128x128xf32, #tpu.memory_space<vmem>>
      %dma_wait3A_95 = tpu.memref_slice %arg6[%mul3A_91] : memref<6400xi32, #tpu.memory_space<vmem>> -> memref<128xi32, #tpu.memory_space<vmem>>
      %dma_wait3A_96 = arith.constant 0 : i32
      %dma_wait3A_97 = arith.constant 0 : i32
      %dma_wait3A_98 = tpu.memref_slice %arg3[%dma_wait3A_96, %dma_wait3A_97] : memref<100000x128xf32, #tpu.memory_space<hbm>> -> memref<100000x128xf32, #tpu.memory_space<hbm>>
      tpu.wait_indirect_dma semaphore(%arg11 : memref<!tpu.dma_semaphore, #tpu.memory_space<semaphore_mem>>) src(%dma_wait3A_98 : memref<100000x128xf32, #tpu.memory_space<hbm>>) dst(%dma_wait3A_94 : memref<128x128xf32, #tpu.memory_space<vmem>>)
      %parallel_loop3A_99 = arith.constant 0 : i32
      %parallel_loop3A_100 = arith.constant 128 : i32
      %parallel_loop3A_101 = arith.constant 1 : i32
      scf.for %parallel_loop3A_184 = %parallel_loop3A_99 to %parallel_loop3A_100 step %parallel_loop3A_101  : i32 {
        %parallel_loop3A_185 = arith.index_cast %parallel_loop3A_184 : i32 to index
        %parallel_loop3A_186 = arith.constant 0 : index
        %parallel_loop3A_187 = tpu.vector_load %arg7[%parallel_loop3A_185, %parallel_loop3A_186] {strides = array<i32>} : memref<200x128xf32, #tpu.memory_space<vmem>>, vector<1x16xf32>,
        %parallel_loop3A_188 = vector.shape_cast %parallel_loop3A_187 : vector<1x16xf32> to vector<16xf32>
        %parallel_loop3A_189 = arith.index_cast %parallel_loop3A_184 : i32 to index
        %parallel_loop3A_190 = arith.constant 0 : index
        %parallel_loop3A_191 = tpu.vector_load %arg10[%parallel_loop3A_189, %parallel_loop3A_190] {strides = array<i32>} : memref<200x128xf32, #tpu.memory_space<vmem>>, vector<1x16xf32>,
        %parallel_loop3A_192 = vector.shape_cast %parallel_loop3A_191 : vector<1x16xf32> to vector<16xf32>
        %parallel_loop3A_193 = arith.addf %parallel_loop3A_188, %parallel_loop3A_192 : vector<16xf32>
        %parallel_loop3A_194 = arith.index_cast %parallel_loop3A_184 : i32 to index
        %parallel_loop3A_195 = arith.constant 0 : index
        %parallel_loop3A_196 = tpu.vector_load %arg7[%parallel_loop3A_194, %parallel_loop3A_195] {strides = array<i32>} : memref<200x128xf32, #tpu.memory_space<vmem>>, vector<1x16xf32>,
        %parallel_loop3A_197 = vector.shape_cast %parallel_loop3A_196 : vector<1x16xf32> to vector<16xf32>
        %parallel_loop3A_198 = vector.shape_cast %parallel_loop3A_193 : vector<16xf32> to vector<1x16xf32>
        tpu.vector_store %arg7[%parallel_loop3A_194, %parallel_loop3A_195], %parallel_loop3A_198 {strides = array<i32>} : memref<200x128xf32, #tpu.memory_space<vmem>>, vector<1x16xf32>,
        %parallel_loop3A_199 = arith.index_cast %parallel_loop3A_184 : i32 to index
        %parallel_loop3A_200 = arith.constant 16 : index
        %parallel_loop3A_201 = tpu.vector_load %arg7[%parallel_loop3A_199, %parallel_loop3A_200] {strides = array<i32>} : memref<200x128xf32, #tpu.memory_space<vmem>>, vector<1x16xf32>,
        %parallel_loop3A_202 = vector.shape_cast %parallel_loop3A_201 : vector<1x16xf32> to vector<16xf32>
        %parallel_loop3A_203 = arith.index_cast %parallel_loop3A_184 : i32 to index
        %parallel_loop3A_204 = arith.constant 16 : index
        %parallel_loop3A_205 = tpu.vector_load %arg10[%parallel_loop3A_203, %parallel_loop3A_204] {strides = array<i32>} : memref<200x128xf32, #tpu.memory_space<vmem>>, vector<1x16xf32>,
        %parallel_loop3A_206 = vector.shape_cast %parallel_loop3A_205 : vector<1x16xf32> to vector<16xf32>
        %parallel_loop3A_207 = arith.addf %parallel_loop3A_202, %parallel_loop3A_206 : vector<16xf32>
        %parallel_loop3A_208 = arith.index_cast %parallel_loop3A_184 : i32 to index
        %parallel_loop3A_209 = arith.constant 16 : index
        %parallel_loop3A_210 = tpu.vector_load %arg7[%parallel_loop3A_208, %parallel_loop3A_209] {strides = array<i32>} : memref<200x128xf32, #tpu.memory_space<vmem>>, vector<1x16xf32>,
        %parallel_loop3A_211 = vector.shape_cast %parallel_loop3A_210 : vector<1x16xf32> to vector<16xf32>
        %parallel_loop3A_212 = vector.shape_cast %parallel_loop3A_207 : vector<16xf32> to vector<1x16xf32>
        tpu.vector_store %arg7[%parallel_loop3A_208, %parallel_loop3A_209], %parallel_loop3A_212 {strides = array<i32>} : memref<200x128xf32, #tpu.memory_space<vmem>>, vector<1x16xf32>,
        %parallel_loop3A_213 = arith.index_cast %parallel_loop3A_184 : i32 to index
        %parallel_loop3A_214 = arith.constant 32 : index
        %parallel_loop3A_215 = tpu.vector_load %arg7[%parallel_loop3A_213, %parallel_loop3A_214] {strides = array<i32>} : memref<200x128xf32, #tpu.memory_space<vmem>>, vector<1x16xf32>,
        %parallel_loop3A_216 = vector.shape_cast %parallel_loop3A_215 : vector<1x16xf32> to vector<16xf32>
        %parallel_loop3A_217 = arith.index_cast %parallel_loop3A_184 : i32 to index
        %parallel_loop3A_218 = arith.constant 32 : index
        %parallel_loop3A_219 = tpu.vector_load %arg10[%parallel_loop3A_217, %parallel_loop3A_218] {strides = array<i32>} : memref<200x128xf32, #tpu.memory_space<vmem>>, vector<1x16xf32>,
        %parallel_loop3A_220 = vector.shape_cast %parallel_loop3A_219 : vector<1x16xf32> to vector<16xf32>
        %parallel_loop3A_221 = arith.addf %parallel_loop3A_216, %parallel_loop3A_220 : vector<16xf32>
        %parallel_loop3A_222 = arith.index_cast %parallel_loop3A_184 : i32 to index
        %parallel_loop3A_223 = arith.constant 32 : index
        %parallel_loop3A_224 = tpu.vector_load %arg7[%parallel_loop3A_222, %parallel_loop3A_223] {strides = array<i32>} : memref<200x128xf32, #tpu.memory_space<vmem>>, vector<1x16xf32>,
        %parallel_loop3A_225 = vector.shape_cast %parallel_loop3A_224 : vector<1x16xf32> to vector<16xf32>
        %parallel_loop3A_226 = vector.shape_cast %parallel_loop3A_221 : vector<16xf32> to vector<1x16xf32>
        tpu.vector_store %arg7[%parallel_loop3A_222, %parallel_loop3A_223], %parallel_loop3A_226 {strides = array<i32>} : memref<200x128xf32, #tpu.memory_space<vmem>>, vector<1x16xf32>,
        %parallel_loop3A_227 = arith.index_cast %parallel_loop3A_184 : i32 to index
        %parallel_loop3A_228 = arith.constant 48 : index
        %parallel_loop3A_229 = tpu.vector_load %arg7[%parallel_loop3A_227, %parallel_loop3A_228] {strides = array<i32>} : memref<200x128xf32, #tpu.memory_space<vmem>>, vector<1x16xf32>,
        %parallel_loop3A_230 = vector.shape_cast %parallel_loop3A_229 : vector<1x16xf32> to vector<16xf32>
        %parallel_loop3A_231 = arith.index_cast %parallel_loop3A_184 : i32 to index
        %parallel_loop3A_232 = arith.constant 48 : index
        %parallel_loop3A_233 = tpu.vector_load %arg10[%parallel_loop3A_231, %parallel_loop3A_232] {strides = array<i32>} : memref<200x128xf32, #tpu.memory_space<vmem>>, vector<1x16xf32>,
        %parallel_loop3A_234 = vector.shape_cast %parallel_loop3A_233 : vector<1x16xf32> to vector<16xf32>
        %parallel_loop3A_235 = arith.addf %parallel_loop3A_230, %parallel_loop3A_234 : vector<16xf32>
        %parallel_loop3A_236 = arith.index_cast %parallel_loop3A_184 : i32 to index
        %parallel_loop3A_237 = arith.constant 48 : index
        %parallel_loop3A_238 = tpu.vector_load %arg7[%parallel_loop3A_236, %parallel_loop3A_237] {strides = array<i32>} : memref<200x128xf32, #tpu.memory_space<vmem>>, vector<1x16xf32>,
        %parallel_loop3A_239 = vector.shape_cast %parallel_loop3A_238 : vector<1x16xf32> to vector<16xf32>
        %parallel_loop3A_240 = vector.shape_cast %parallel_loop3A_235 : vector<16xf32> to vector<1x16xf32>
        tpu.vector_store %arg7[%parallel_loop3A_236, %parallel_loop3A_237], %parallel_loop3A_240 {strides = array<i32>} : memref<200x128xf32, #tpu.memory_space<vmem>>, vector<1x16xf32>,
        %parallel_loop3A_241 = arith.index_cast %parallel_loop3A_184 : i32 to index
        %parallel_loop3A_242 = arith.constant 64 : index
        %parallel_loop3A_243 = tpu.vector_load %arg7[%parallel_loop3A_241, %parallel_loop3A_242] {strides = array<i32>} : memref<200x128xf32, #tpu.memory_space<vmem>>, vector<1x16xf32>,
        %parallel_loop3A_244 = vector.shape_cast %parallel_loop3A_243 : vector<1x16xf32> to vector<16xf32>
        %parallel_loop3A_245 = arith.index_cast %parallel_loop3A_184 : i32 to index
        %parallel_loop3A_246 = arith.constant 64 : index
        %parallel_loop3A_247 = tpu.vector_load %arg10[%parallel_loop3A_245, %parallel_loop3A_246] {strides = array<i32>} : memref<200x128xf32, #tpu.memory_space<vmem>>, vector<1x16xf32>,
        %parallel_loop3A_248 = vector.shape_cast %parallel_loop3A_247 : vector<1x16xf32> to vector<16xf32>
        %parallel_loop3A_249 = arith.addf %parallel_loop3A_244, %parallel_loop3A_248 : vector<16xf32>
        %parallel_loop3A_250 = arith.index_cast %parallel_loop3A_184 : i32 to index
        %parallel_loop3A_251 = arith.constant 64 : index
        %parallel_loop3A_252 = tpu.vector_load %arg7[%parallel_loop3A_250, %parallel_loop3A_251] {strides = array<i32>} : memref<200x128xf32, #tpu.memory_space<vmem>>, vector<1x16xf32>,
        %parallel_loop3A_253 = vector.shape_cast %parallel_loop3A_252 : vector<1x16xf32> to vector<16xf32>
        %parallel_loop3A_254 = vector.shape_cast %parallel_loop3A_249 : vector<16xf32> to vector<1x16xf32>
        tpu.vector_store %arg7[%parallel_loop3A_250, %parallel_loop3A_251], %parallel_loop3A_254 {strides = array<i32>} : memref<200x128xf32, #tpu.memory_space<vmem>>, vector<1x16xf32>,
        %parallel_loop3A_255 = arith.index_cast %parallel_loop3A_184 : i32 to index
        %parallel_loop3A_256 = arith.constant 80 : index
        %parallel_loop3A_257 = tpu.vector_load %arg7[%parallel_loop3A_255, %parallel_loop3A_256] {strides = array<i32>} : memref<200x128xf32, #tpu.memory_space<vmem>>, vector<1x16xf32>,
        %parallel_loop3A_258 = vector.shape_cast %parallel_loop3A_257 : vector<1x16xf32> to vector<16xf32>
        %parallel_loop3A_259 = arith.index_cast %parallel_loop3A_184 : i32 to index
        %parallel_loop3A_260 = arith.constant 80 : index
        %parallel_loop3A_261 = tpu.vector_load %arg10[%parallel_loop3A_259, %parallel_loop3A_260] {strides = array<i32>} : memref<200x128xf32, #tpu.memory_space<vmem>>, vector<1x16xf32>,
        %parallel_loop3A_262 = vector.shape_cast %parallel_loop3A_261 : vector<1x16xf32> to vector<16xf32>
        %parallel_loop3A_263 = arith.addf %parallel_loop3A_258, %parallel_loop3A_262 : vector<16xf32>
        %parallel_loop3A_264 = arith.index_cast %parallel_loop3A_184 : i32 to index
        %parallel_loop3A_265 = arith.constant 80 : index
        %parallel_loop3A_266 = tpu.vector_load %arg7[%parallel_loop3A_264, %parallel_loop3A_265] {strides = array<i32>} : memref<200x128xf32, #tpu.memory_space<vmem>>, vector<1x16xf32>,
        %parallel_loop3A_267 = vector.shape_cast %parallel_loop3A_266 : vector<1x16xf32> to vector<16xf32>
        %parallel_loop3A_268 = vector.shape_cast %parallel_loop3A_263 : vector<16xf32> to vector<1x16xf32>
        tpu.vector_store %arg7[%parallel_loop3A_264, %parallel_loop3A_265], %parallel_loop3A_268 {strides = array<i32>} : memref<200x128xf32, #tpu.memory_space<vmem>>, vector<1x16xf32>,
        %parallel_loop3A_269 = arith.index_cast %parallel_loop3A_184 : i32 to index
        %parallel_loop3A_270 = arith.constant 96 : index
        %parallel_loop3A_271 = tpu.vector_load %arg7[%parallel_loop3A_269, %parallel_loop3A_270] {strides = array<i32>} : memref<200x128xf32, #tpu.memory_space<vmem>>, vector<1x16xf32>,
        %parallel_loop3A_272 = vector.shape_cast %parallel_loop3A_271 : vector<1x16xf32> to vector<16xf32>
        %parallel_loop3A_273 = arith.index_cast %parallel_loop3A_184 : i32 to index
        %parallel_loop3A_274 = arith.constant 96 : index
        %parallel_loop3A_275 = tpu.vector_load %arg10[%parallel_loop3A_273, %parallel_loop3A_274] {strides = array<i32>} : memref<200x128xf32, #tpu.memory_space<vmem>>, vector<1x16xf32>,
        %parallel_loop3A_276 = vector.shape_cast %parallel_loop3A_275 : vector<1x16xf32> to vector<16xf32>
        %parallel_loop3A_277 = arith.addf %parallel_loop3A_272, %parallel_loop3A_276 : vector<16xf32>
        %parallel_loop3A_278 = arith.index_cast %parallel_loop3A_184 : i32 to index
        %parallel_loop3A_279 = arith.constant 96 : index
        %parallel_loop3A_280 = tpu.vector_load %arg7[%parallel_loop3A_278, %parallel_loop3A_279] {strides = array<i32>} : memref<200x128xf32, #tpu.memory_space<vmem>>, vector<1x16xf32>,
        %parallel_loop3A_281 = vector.shape_cast %parallel_loop3A_280 : vector<1x16xf32> to vector<16xf32>
        %parallel_loop3A_282 = vector.shape_cast %parallel_loop3A_277 : vector<16xf32> to vector<1x16xf32>
        tpu.vector_store %arg7[%parallel_loop3A_278, %parallel_loop3A_279], %parallel_loop3A_282 {strides = array<i32>} : memref<200x128xf32, #tpu.memory_space<vmem>>, vector<1x16xf32>,
        %parallel_loop3A_283 = arith.index_cast %parallel_loop3A_184 : i32 to index
        %parallel_loop3A_284 = arith.constant 112 : index
        %parallel_loop3A_285 = tpu.vector_load %arg7[%parallel_loop3A_283, %parallel_loop3A_284] {strides = array<i32>} : memref<200x128xf32, #tpu.memory_space<vmem>>, vector<1x16xf32>,
        %parallel_loop3A_286 = vector.shape_cast %parallel_loop3A_285 : vector<1x16xf32> to vector<16xf32>
        %parallel_loop3A_287 = arith.index_cast %parallel_loop3A_184 : i32 to index
        %parallel_loop3A_288 = arith.constant 112 : index
        %parallel_loop3A_289 = tpu.vector_load %arg10[%parallel_loop3A_287, %parallel_loop3A_288] {strides = array<i32>} : memref<200x128xf32, #tpu.memory_space<vmem>>, vector<1x16xf32>,
        %parallel_loop3A_290 = vector.shape_cast %parallel_loop3A_289 : vector<1x16xf32> to vector<16xf32>
        %parallel_loop3A_291 = arith.addf %parallel_loop3A_286, %parallel_loop3A_290 : vector<16xf32>
        %parallel_loop3A_292 = arith.index_cast %parallel_loop3A_184 : i32 to index
        %parallel_loop3A_293 = arith.constant 112 : index
        %parallel_loop3A_294 = tpu.vector_load %arg7[%parallel_loop3A_292, %parallel_loop3A_293] {strides = array<i32>} : memref<200x128xf32, #tpu.memory_space<vmem>>, vector<1x16xf32>,
        %parallel_loop3A_295 = vector.shape_cast %parallel_loop3A_294 : vector<1x16xf32> to vector<16xf32>
        %parallel_loop3A_296 = vector.shape_cast %parallel_loop3A_291 : vector<16xf32> to vector<1x16xf32>
        tpu.vector_store %arg7[%parallel_loop3A_292, %parallel_loop3A_293], %parallel_loop3A_296 {strides = array<i32>} : memref<200x128xf32, #tpu.memory_space<vmem>>, vector<1x16xf32>,
      } {sc.loop_unroll_factor = 4 : i64, sc.parallel_access}
      %add3A_102 = arith.constant 128 : i32
      %add3A_103 = arith.addi %mul3A_91, %add3A_102 : i32
      %dma_wait3A_104 = arith.constant 128 : i32
      %dma_wait3A_105 = arith.constant 0 : i32
      %dma_wait3A_106 = tpu.memref_slice %arg7[%dma_wait3A_104, %dma_wait3A_105] : memref<200x128xf32, #tpu.memory_space<vmem>> -> memref<72x128xf32, #tpu.memory_space<vmem>>
      %dma_wait3A_107 = tpu.memref_slice %arg6[%add3A_103] : memref<6400xi32, #tpu.memory_space<vmem>> -> memref<72xi32, #tpu.memory_space<vmem>>
      %dma_wait3A_108 = arith.constant 0 : i32
      %dma_wait3A_109 = arith.constant 0 : i32
      %dma_wait3A_110 = tpu.memref_slice %arg3[%dma_wait3A_108, %dma_wait3A_109] : memref<100000x128xf32, #tpu.memory_space<hbm>> -> memref<100000x128xf32, #tpu.memory_space<hbm>>
      tpu.wait_indirect_dma semaphore(%arg14 : memref<!tpu.dma_semaphore, #tpu.memory_space<semaphore_mem>>) src(%dma_wait3A_110 : memref<100000x128xf32, #tpu.memory_space<hbm>>) dst(%dma_wait3A_106 : memref<72x128xf32, #tpu.memory_space<vmem>>)
      %parallel_loop3A_111 = arith.constant 128 : i32
      %parallel_loop3A_112 = arith.constant 200 : i32
      %parallel_loop3A_113 = arith.constant 1 : i32
      scf.for %parallel_loop3A_184 = %parallel_loop3A_111 to %parallel_loop3A_112 step %parallel_loop3A_113  : i32 {
        %parallel_loop3A_185 = arith.index_cast %parallel_loop3A_184 : i32 to index
        %parallel_loop3A_186 = arith.constant 0 : index
        %parallel_loop3A_187 = tpu.vector_load %arg7[%parallel_loop3A_185, %parallel_loop3A_186] {strides = array<i32>} : memref<200x128xf32, #tpu.memory_space<vmem>>, vector<1x16xf32>,
        %parallel_loop3A_188 = vector.shape_cast %parallel_loop3A_187 : vector<1x16xf32> to vector<16xf32>
        %parallel_loop3A_189 = arith.index_cast %parallel_loop3A_184 : i32 to index
        %parallel_loop3A_190 = arith.constant 0 : index
        %parallel_loop3A_191 = tpu.vector_load %arg10[%parallel_loop3A_189, %parallel_loop3A_190] {strides = array<i32>} : memref<200x128xf32, #tpu.memory_space<vmem>>, vector<1x16xf32>,
        %parallel_loop3A_192 = vector.shape_cast %parallel_loop3A_191 : vector<1x16xf32> to vector<16xf32>
        %parallel_loop3A_193 = arith.addf %parallel_loop3A_188, %parallel_loop3A_192 : vector<16xf32>
        %parallel_loop3A_194 = arith.index_cast %parallel_loop3A_184 : i32 to index
        %parallel_loop3A_195 = arith.constant 0 : index
        %parallel_loop3A_196 = tpu.vector_load %arg7[%parallel_loop3A_194, %parallel_loop3A_195] {strides = array<i32>} : memref<200x128xf32, #tpu.memory_space<vmem>>, vector<1x16xf32>,
        %parallel_loop3A_197 = vector.shape_cast %parallel_loop3A_196 : vector<1x16xf32> to vector<16xf32>
        %parallel_loop3A_198 = vector.shape_cast %parallel_loop3A_193 : vector<16xf32> to vector<1x16xf32>
        tpu.vector_store %arg7[%parallel_loop3A_194, %parallel_loop3A_195], %parallel_loop3A_198 {strides = array<i32>} : memref<200x128xf32, #tpu.memory_space<vmem>>, vector<1x16xf32>,
        %parallel_loop3A_199 = arith.index_cast %parallel_loop3A_184 : i32 to index
        %parallel_loop3A_200 = arith.constant 16 : index
        %parallel_loop3A_201 = tpu.vector_load %arg7[%parallel_loop3A_199, %parallel_loop3A_200] {strides = array<i32>} : memref<200x128xf32, #tpu.memory_space<vmem>>, vector<1x16xf32>,
        %parallel_loop3A_202 = vector.shape_cast %parallel_loop3A_201 : vector<1x16xf32> to vector<16xf32>
        %parallel_loop3A_203 = arith.index_cast %parallel_loop3A_184 : i32 to index
        %parallel_loop3A_204 = arith.constant 16 : index
        %parallel_loop3A_205 = tpu.vector_load %arg10[%parallel_loop3A_203, %parallel_loop3A_204] {strides = array<i32>} : memref<200x128xf32, #tpu.memory_space<vmem>>, vector<1x16xf32>,
        %parallel_loop3A_206 = vector.shape_cast %parallel_loop3A_205 : vector<1x16xf32> to vector<16xf32>
        %parallel_loop3A_207 = arith.addf %parallel_loop3A_202, %parallel_loop3A_206 : vector<16xf32>
        %parallel_loop3A_208 = arith.index_cast %parallel_loop3A_184 : i32 to index
        %parallel_loop3A_209 = arith.constant 16 : index
        %parallel_loop3A_210 = tpu.vector_load %arg7[%parallel_loop3A_208, %parallel_loop3A_209] {strides = array<i32>} : memref<200x128xf32, #tpu.memory_space<vmem>>, vector<1x16xf32>,
        %parallel_loop3A_211 = vector.shape_cast %parallel_loop3A_210 : vector<1x16xf32> to vector<16xf32>
        %parallel_loop3A_212 = vector.shape_cast %parallel_loop3A_207 : vector<16xf32> to vector<1x16xf32>
        tpu.vector_store %arg7[%parallel_loop3A_208, %parallel_loop3A_209], %parallel_loop3A_212 {strides = array<i32>} : memref<200x128xf32, #tpu.memory_space<vmem>>, vector<1x16xf32>,
        %parallel_loop3A_213 = arith.index_cast %parallel_loop3A_184 : i32 to index
        %parallel_loop3A_214 = arith.constant 32 : index
        %parallel_loop3A_215 = tpu.vector_load %arg7[%parallel_loop3A_213, %parallel_loop3A_214] {strides = array<i32>} : memref<200x128xf32, #tpu.memory_space<vmem>>, vector<1x16xf32>,
        %parallel_loop3A_216 = vector.shape_cast %parallel_loop3A_215 : vector<1x16xf32> to vector<16xf32>
        %parallel_loop3A_217 = arith.index_cast %parallel_loop3A_184 : i32 to index
        %parallel_loop3A_218 = arith.constant 32 : index
        %parallel_loop3A_219 = tpu.vector_load %arg10[%parallel_loop3A_217, %parallel_loop3A_218] {strides = array<i32>} : memref<200x128xf32, #tpu.memory_space<vmem>>, vector<1x16xf32>,
        %parallel_loop3A_220 = vector.shape_cast %parallel_loop3A_219 : vector<1x16xf32> to vector<16xf32>
        %parallel_loop3A_221 = arith.addf %parallel_loop3A_216, %parallel_loop3A_220 : vector<16xf32>
        %parallel_loop3A_222 = arith.index_cast %parallel_loop3A_184 : i32 to index
        %parallel_loop3A_223 = arith.constant 32 : index
        %parallel_loop3A_224 = tpu.vector_load %arg7[%parallel_loop3A_222, %parallel_loop3A_223] {strides = array<i32>} : memref<200x128xf32, #tpu.memory_space<vmem>>, vector<1x16xf32>,
        %parallel_loop3A_225 = vector.shape_cast %parallel_loop3A_224 : vector<1x16xf32> to vector<16xf32>
        %parallel_loop3A_226 = vector.shape_cast %parallel_loop3A_221 : vector<16xf32> to vector<1x16xf32>
        tpu.vector_store %arg7[%parallel_loop3A_222, %parallel_loop3A_223], %parallel_loop3A_226 {strides = array<i32>} : memref<200x128xf32, #tpu.memory_space<vmem>>, vector<1x16xf32>,
        %parallel_loop3A_227 = arith.index_cast %parallel_loop3A_184 : i32 to index
        %parallel_loop3A_228 = arith.constant 48 : index
        %parallel_loop3A_229 = tpu.vector_load %arg7[%parallel_loop3A_227, %parallel_loop3A_228] {strides = array<i32>} : memref<200x128xf32, #tpu.memory_space<vmem>>, vector<1x16xf32>,
        %parallel_loop3A_230 = vector.shape_cast %parallel_loop3A_229 : vector<1x16xf32> to vector<16xf32>
        %parallel_loop3A_231 = arith.index_cast %parallel_loop3A_184 : i32 to index
        %parallel_loop3A_232 = arith.constant 48 : index
        %parallel_loop3A_233 = tpu.vector_load %arg10[%parallel_loop3A_231, %parallel_loop3A_232] {strides = array<i32>} : memref<200x128xf32, #tpu.memory_space<vmem>>, vector<1x16xf32>,
        %parallel_loop3A_234 = vector.shape_cast %parallel_loop3A_233 : vector<1x16xf32> to vector<16xf32>
        %parallel_loop3A_235 = arith.addf %parallel_loop3A_230, %parallel_loop3A_234 : vector<16xf32>
        %parallel_loop3A_236 = arith.index_cast %parallel_loop3A_184 : i32 to index
        %parallel_loop3A_237 = arith.constant 48 : index
        %parallel_loop3A_238 = tpu.vector_load %arg7[%parallel_loop3A_236, %parallel_loop3A_237] {strides = array<i32>} : memref<200x128xf32, #tpu.memory_space<vmem>>, vector<1x16xf32>,
        %parallel_loop3A_239 = vector.shape_cast %parallel_loop3A_238 : vector<1x16xf32> to vector<16xf32>
        %parallel_loop3A_240 = vector.shape_cast %parallel_loop3A_235 : vector<16xf32> to vector<1x16xf32>
        tpu.vector_store %arg7[%parallel_loop3A_236, %parallel_loop3A_237], %parallel_loop3A_240 {strides = array<i32>} : memref<200x128xf32, #tpu.memory_space<vmem>>, vector<1x16xf32>,
        %parallel_loop3A_241 = arith.index_cast %parallel_loop3A_184 : i32 to index
        %parallel_loop3A_242 = arith.constant 64 : index
        %parallel_loop3A_243 = tpu.vector_load %arg7[%parallel_loop3A_241, %parallel_loop3A_242] {strides = array<i32>} : memref<200x128xf32, #tpu.memory_space<vmem>>, vector<1x16xf32>,
        %parallel_loop3A_244 = vector.shape_cast %parallel_loop3A_243 : vector<1x16xf32> to vector<16xf32>
        %parallel_loop3A_245 = arith.index_cast %parallel_loop3A_184 : i32 to index
        %parallel_loop3A_246 = arith.constant 64 : index
        %parallel_loop3A_247 = tpu.vector_load %arg10[%parallel_loop3A_245, %parallel_loop3A_246] {strides = array<i32>} : memref<200x128xf32, #tpu.memory_space<vmem>>, vector<1x16xf32>,
        %parallel_loop3A_248 = vector.shape_cast %parallel_loop3A_247 : vector<1x16xf32> to vector<16xf32>
        %parallel_loop3A_249 = arith.addf %parallel_loop3A_244, %parallel_loop3A_248 : vector<16xf32>
        %parallel_loop3A_250 = arith.index_cast %parallel_loop3A_184 : i32 to index
        %parallel_loop3A_251 = arith.constant 64 : index
        %parallel_loop3A_252 = tpu.vector_load %arg7[%parallel_loop3A_250, %parallel_loop3A_251] {strides = array<i32>} : memref<200x128xf32, #tpu.memory_space<vmem>>, vector<1x16xf32>,
        %parallel_loop3A_253 = vector.shape_cast %parallel_loop3A_252 : vector<1x16xf32> to vector<16xf32>
        %parallel_loop3A_254 = vector.shape_cast %parallel_loop3A_249 : vector<16xf32> to vector<1x16xf32>
        tpu.vector_store %arg7[%parallel_loop3A_250, %parallel_loop3A_251], %parallel_loop3A_254 {strides = array<i32>} : memref<200x128xf32, #tpu.memory_space<vmem>>, vector<1x16xf32>,
        %parallel_loop3A_255 = arith.index_cast %parallel_loop3A_184 : i32 to index
        %parallel_loop3A_256 = arith.constant 80 : index
        %parallel_loop3A_257 = tpu.vector_load %arg7[%parallel_loop3A_255, %parallel_loop3A_256] {strides = array<i32>} : memref<200x128xf32, #tpu.memory_space<vmem>>, vector<1x16xf32>,
        %parallel_loop3A_258 = vector.shape_cast %parallel_loop3A_257 : vector<1x16xf32> to vector<16xf32>
        %parallel_loop3A_259 = arith.index_cast %parallel_loop3A_184 : i32 to index
        %parallel_loop3A_260 = arith.constant 80 : index
        %parallel_loop3A_261 = tpu.vector_load %arg10[%parallel_loop3A_259, %parallel_loop3A_260] {strides = array<i32>} : memref<200x128xf32, #tpu.memory_space<vmem>>, vector<1x16xf32>,
        %parallel_loop3A_262 = vector.shape_cast %parallel_loop3A_261 : vector<1x16xf32> to vector<16xf32>
        %parallel_loop3A_263 = arith.addf %parallel_loop3A_258, %parallel_loop3A_262 : vector<16xf32>
        %parallel_loop3A_264 = arith.index_cast %parallel_loop3A_184 : i32 to index
        %parallel_loop3A_265 = arith.constant 80 : index
        %parallel_loop3A_266 = tpu.vector_load %arg7[%parallel_loop3A_264, %parallel_loop3A_265] {strides = array<i32>} : memref<200x128xf32, #tpu.memory_space<vmem>>, vector<1x16xf32>,
        %parallel_loop3A_267 = vector.shape_cast %parallel_loop3A_266 : vector<1x16xf32> to vector<16xf32>
        %parallel_loop3A_268 = vector.shape_cast %parallel_loop3A_263 : vector<16xf32> to vector<1x16xf32>
        tpu.vector_store %arg7[%parallel_loop3A_264, %parallel_loop3A_265], %parallel_loop3A_268 {strides = array<i32>} : memref<200x128xf32, #tpu.memory_space<vmem>>, vector<1x16xf32>,
        %parallel_loop3A_269 = arith.index_cast %parallel_loop3A_184 : i32 to index
        %parallel_loop3A_270 = arith.constant 96 : index
        %parallel_loop3A_271 = tpu.vector_load %arg7[%parallel_loop3A_269, %parallel_loop3A_270] {strides = array<i32>} : memref<200x128xf32, #tpu.memory_space<vmem>>, vector<1x16xf32>,
        %parallel_loop3A_272 = vector.shape_cast %parallel_loop3A_271 : vector<1x16xf32> to vector<16xf32>
        %parallel_loop3A_273 = arith.index_cast %parallel_loop3A_184 : i32 to index
        %parallel_loop3A_274 = arith.constant 96 : index
        %parallel_loop3A_275 = tpu.vector_load %arg10[%parallel_loop3A_273, %parallel_loop3A_274] {strides = array<i32>} : memref<200x128xf32, #tpu.memory_space<vmem>>, vector<1x16xf32>,
        %parallel_loop3A_276 = vector.shape_cast %parallel_loop3A_275 : vector<1x16xf32> to vector<16xf32>
        %parallel_loop3A_277 = arith.addf %parallel_loop3A_272, %parallel_loop3A_276 : vector<16xf32>
        %parallel_loop3A_278 = arith.index_cast %parallel_loop3A_184 : i32 to index
        %parallel_loop3A_279 = arith.constant 96 : index
        %parallel_loop3A_280 = tpu.vector_load %arg7[%parallel_loop3A_278, %parallel_loop3A_279] {strides = array<i32>} : memref<200x128xf32, #tpu.memory_space<vmem>>, vector<1x16xf32>,
        %parallel_loop3A_281 = vector.shape_cast %parallel_loop3A_280 : vector<1x16xf32> to vector<16xf32>
        %parallel_loop3A_282 = vector.shape_cast %parallel_loop3A_277 : vector<16xf32> to vector<1x16xf32>
        tpu.vector_store %arg7[%parallel_loop3A_278, %parallel_loop3A_279], %parallel_loop3A_282 {strides = array<i32>} : memref<200x128xf32, #tpu.memory_space<vmem>>, vector<1x16xf32>,
        %parallel_loop3A_283 = arith.index_cast %parallel_loop3A_184 : i32 to index
        %parallel_loop3A_284 = arith.constant 112 : index
        %parallel_loop3A_285 = tpu.vector_load %arg7[%parallel_loop3A_283, %parallel_loop3A_284] {strides = array<i32>} : memref<200x128xf32, #tpu.memory_space<vmem>>, vector<1x16xf32>,
        %parallel_loop3A_286 = vector.shape_cast %parallel_loop3A_285 : vector<1x16xf32> to vector<16xf32>
        %parallel_loop3A_287 = arith.index_cast %parallel_loop3A_184 : i32 to index
        %parallel_loop3A_288 = arith.constant 112 : index
        %parallel_loop3A_289 = tpu.vector_load %arg10[%parallel_loop3A_287, %parallel_loop3A_288] {strides = array<i32>} : memref<200x128xf32, #tpu.memory_space<vmem>>, vector<1x16xf32>,
        %parallel_loop3A_290 = vector.shape_cast %parallel_loop3A_289 : vector<1x16xf32> to vector<16xf32>
        %parallel_loop3A_291 = arith.addf %parallel_loop3A_286, %parallel_loop3A_290 : vector<16xf32>
        %parallel_loop3A_292 = arith.index_cast %parallel_loop3A_184 : i32 to index
        %parallel_loop3A_293 = arith.constant 112 : index
        %parallel_loop3A_294 = tpu.vector_load %arg7[%parallel_loop3A_292, %parallel_loop3A_293] {strides = array<i32>} : memref<200x128xf32, #tpu.memory_space<vmem>>, vector<1x16xf32>,
        %parallel_loop3A_295 = vector.shape_cast %parallel_loop3A_294 : vector<1x16xf32> to vector<16xf32>
        %parallel_loop3A_296 = vector.shape_cast %parallel_loop3A_291 : vector<16xf32> to vector<1x16xf32>
        tpu.vector_store %arg7[%parallel_loop3A_292, %parallel_loop3A_293], %parallel_loop3A_296 {strides = array<i32>} : memref<200x128xf32, #tpu.memory_space<vmem>>, vector<1x16xf32>,
      } {sc.loop_unroll_factor = 4 : i64, sc.parallel_access}
      %mul3A_114 = arith.constant 3 : i32
      %mul3A_115 = arith.muli %scan3A_81, %mul3A_114 : i32
      %add3A_116 = arith.constant 1 : i32
      %add3A_117 = arith.addi %mul3A_115, %add3A_116 : i32
      %add3A_118 = arith.constant 1 : i32
      %add3A_119 = arith.addi %add3A_117, %add3A_118 : i32
      %lt3A_120 = arith.constant 32 : i32
      %lt3A_121 = arith.cmpi slt, %add3A_119, %lt3A_120 : i32
      %convert_element_type3A_122 = arith.extui %lt3A_121 : i1 to i32
      %cond3A_123 = arith.constant 0 : i32
      %cond3A_124 = arith.cmpi ne, %convert_element_type3A_122, %cond3A_123 : i32
      scf.if %cond3A_124 {
        %add3A_184 = arith.constant 1 : i32
        %add3A_185 = arith.addi %add3A_117, %add3A_184 : i32
        %mul3A_186 = arith.constant 200 : i32
        %mul3A_187 = arith.muli %add3A_185, %mul3A_186 : i32
        %dma_start3A_188 = arith.constant 0 : i32
        %dma_start3A_189 = arith.constant 0 : i32
        %dma_start3A_190 = tpu.memref_slice %arg9[%dma_start3A_188, %dma_start3A_189] : memref<200x128xf32, #tpu.memory_space<vmem>> -> memref<128x128xf32, #tpu.memory_space<vmem>>
        %dma_start3A_191 = tpu.memref_slice %arg6[%mul3A_187] : memref<6400xi32, #tpu.memory_space<vmem>> -> memref<128xi32, #tpu.memory_space<vmem>>
        %dma_start3A_192 = arith.constant 0 : i32
        %dma_start3A_193 = arith.constant 0 : i32
        %dma_start3A_194 = tpu.memref_slice %arg3[%dma_start3A_192, %dma_start3A_193] : memref<100000x128xf32, #tpu.memory_space<hbm>> -> memref<100000x128xf32, #tpu.memory_space<hbm>>
        tpu.enqueue_indirect_dma source(%dma_start3A_194 : memref<100000x128xf32, #tpu.memory_space<hbm>>) target(%dma_start3A_190 : memref<128x128xf32, #tpu.memory_space<vmem>>) offsets(%dma_start3A_191 : memref<128xi32, #tpu.memory_space<vmem>>) semaphore(%arg13 : memref<!tpu.dma_semaphore, #tpu.memory_space<semaphore_mem>>)
        %add3A_195 = arith.constant 128 : i32
        %add3A_196 = arith.addi %mul3A_187, %add3A_195 : i32
        %dma_start3A_197 = arith.constant 128 : i32
        %dma_start3A_198 = arith.constant 0 : i32
        %dma_start3A_199 = tpu.memref_slice %arg9[%dma_start3A_197, %dma_start3A_198] : memref<200x128xf32, #tpu.memory_space<vmem>> -> memref<72x128xf32, #tpu.memory_space<vmem>>
        %dma_start3A_200 = tpu.memref_slice %arg6[%add3A_196] : memref<6400xi32, #tpu.memory_space<vmem>> -> memref<72xi32, #tpu.memory_space<vmem>>
        %dma_start3A_201 = arith.constant 0 : i32
        %dma_start3A_202 = arith.constant 0 : i32
        %dma_start3A_203 = tpu.memref_slice %arg3[%dma_start3A_201, %dma_start3A_202] : memref<100000x128xf32, #tpu.memory_space<hbm>> -> memref<100000x128xf32, #tpu.memory_space<hbm>>
        tpu.enqueue_indirect_dma source(%dma_start3A_203 : memref<100000x128xf32, #tpu.memory_space<hbm>>) target(%dma_start3A_199 : memref<72x128xf32, #tpu.memory_space<vmem>>) offsets(%dma_start3A_200 : memref<72xi32, #tpu.memory_space<vmem>>) semaphore(%arg16 : memref<!tpu.dma_semaphore, #tpu.memory_space<semaphore_mem>>)
      } else {
      }
      %mul3A_125 = arith.constant 200 : i32
      %mul3A_126 = arith.muli %add3A_117, %mul3A_125 : i32
      %dma_wait3A_127 = arith.constant 0 : i32
      %dma_wait3A_128 = arith.constant 0 : i32
      %dma_wait3A_129 = tpu.memref_slice %arg8[%dma_wait3A_127, %dma_wait3A_128] : memref<200x128xf32, #tpu.memory_space<vmem>> -> memref<128x128xf32, #tpu.memory_space<vmem>>
      %dma_wait3A_130 = tpu.memref_slice %arg6[%mul3A_126] : memref<6400xi32, #tpu.memory_space<vmem>> -> memref<128xi32, #tpu.memory_space<vmem>>
      %dma_wait3A_131 = arith.constant 0 : i32
      %dma_wait3A_132 = arith.constant 0 : i32
      %dma_wait3A_133 = tpu.memref_slice %arg3[%dma_wait3A_131, %dma_wait3A_132] : memref<100000x128xf32, #tpu.memory_space<hbm>> -> memref<100000x128xf32, #tpu.memory_space<hbm>>
      tpu.wait_indirect_dma semaphore(%arg12 : memref<!tpu.dma_semaphore, #tpu.memory_space<semaphore_mem>>) src(%dma_wait3A_133 : memref<100000x128xf32, #tpu.memory_space<hbm>>) dst(%dma_wait3A_129 : memref<128x128xf32, #tpu.memory_space<vmem>>)
      %parallel_loop3A_134 = arith.constant 0 : i32
      %parallel_loop3A_135 = arith.constant 128 : i32
      %parallel_loop3A_136 = arith.constant 1 : i32
      scf.for %parallel_loop3A_184 = %parallel_loop3A_134 to %parallel_loop3A_135 step %parallel_loop3A_136  : i32 {
        %parallel_loop3A_185 = arith.index_cast %parallel_loop3A_184 : i32 to index
        %parallel_loop3A_186 = arith.constant 0 : index
        %parallel_loop3A_187 = tpu.vector_load %arg8[%parallel_loop3A_185, %parallel_loop3A_186] {strides = array<i32>} : memref<200x128xf32, #tpu.memory_space<vmem>>, vector<1x16xf32>,
        %parallel_loop3A_188 = vector.shape_cast %parallel_loop3A_187 : vector<1x16xf32> to vector<16xf32>
        %parallel_loop3A_189 = arith.index_cast %parallel_loop3A_184 : i32 to index
        %parallel_loop3A_190 = arith.constant 0 : index
        %parallel_loop3A_191 = tpu.vector_load %arg10[%parallel_loop3A_189, %parallel_loop3A_190] {strides = array<i32>} : memref<200x128xf32, #tpu.memory_space<vmem>>, vector<1x16xf32>,
        %parallel_loop3A_192 = vector.shape_cast %parallel_loop3A_191 : vector<1x16xf32> to vector<16xf32>
        %parallel_loop3A_193 = arith.addf %parallel_loop3A_188, %parallel_loop3A_192 : vector<16xf32>
        %parallel_loop3A_194 = arith.index_cast %parallel_loop3A_184 : i32 to index
        %parallel_loop3A_195 = arith.constant 0 : index
        %parallel_loop3A_196 = tpu.vector_load %arg8[%parallel_loop3A_194, %parallel_loop3A_195] {strides = array<i32>} : memref<200x128xf32, #tpu.memory_space<vmem>>, vector<1x16xf32>,
        %parallel_loop3A_197 = vector.shape_cast %parallel_loop3A_196 : vector<1x16xf32> to vector<16xf32>
        %parallel_loop3A_198 = vector.shape_cast %parallel_loop3A_193 : vector<16xf32> to vector<1x16xf32>
        tpu.vector_store %arg8[%parallel_loop3A_194, %parallel_loop3A_195], %parallel_loop3A_198 {strides = array<i32>} : memref<200x128xf32, #tpu.memory_space<vmem>>, vector<1x16xf32>,
        %parallel_loop3A_199 = arith.index_cast %parallel_loop3A_184 : i32 to index
        %parallel_loop3A_200 = arith.constant 16 : index
        %parallel_loop3A_201 = tpu.vector_load %arg8[%parallel_loop3A_199, %parallel_loop3A_200] {strides = array<i32>} : memref<200x128xf32, #tpu.memory_space<vmem>>, vector<1x16xf32>,
        %parallel_loop3A_202 = vector.shape_cast %parallel_loop3A_201 : vector<1x16xf32> to vector<16xf32>
        %parallel_loop3A_203 = arith.index_cast %parallel_loop3A_184 : i32 to index
        %parallel_loop3A_204 = arith.constant 16 : index
        %parallel_loop3A_205 = tpu.vector_load %arg10[%parallel_loop3A_203, %parallel_loop3A_204] {strides = array<i32>} : memref<200x128xf32, #tpu.memory_space<vmem>>, vector<1x16xf32>,
        %parallel_loop3A_206 = vector.shape_cast %parallel_loop3A_205 : vector<1x16xf32> to vector<16xf32>
        %parallel_loop3A_207 = arith.addf %parallel_loop3A_202, %parallel_loop3A_206 : vector<16xf32>
        %parallel_loop3A_208 = arith.index_cast %parallel_loop3A_184 : i32 to index
        %parallel_loop3A_209 = arith.constant 16 : index
        %parallel_loop3A_210 = tpu.vector_load %arg8[%parallel_loop3A_208, %parallel_loop3A_209] {strides = array<i32>} : memref<200x128xf32, #tpu.memory_space<vmem>>, vector<1x16xf32>,
        %parallel_loop3A_211 = vector.shape_cast %parallel_loop3A_210 : vector<1x16xf32> to vector<16xf32>
        %parallel_loop3A_212 = vector.shape_cast %parallel_loop3A_207 : vector<16xf32> to vector<1x16xf32>
        tpu.vector_store %arg8[%parallel_loop3A_208, %parallel_loop3A_209], %parallel_loop3A_212 {strides = array<i32>} : memref<200x128xf32, #tpu.memory_space<vmem>>, vector<1x16xf32>,
        %parallel_loop3A_213 = arith.index_cast %parallel_loop3A_184 : i32 to index
        %parallel_loop3A_214 = arith.constant 32 : index
        %parallel_loop3A_215 = tpu.vector_load %arg8[%parallel_loop3A_213, %parallel_loop3A_214] {strides = array<i32>} : memref<200x128xf32, #tpu.memory_space<vmem>>, vector<1x16xf32>,
        %parallel_loop3A_216 = vector.shape_cast %parallel_loop3A_215 : vector<1x16xf32> to vector<16xf32>
        %parallel_loop3A_217 = arith.index_cast %parallel_loop3A_184 : i32 to index
        %parallel_loop3A_218 = arith.constant 32 : index
        %parallel_loop3A_219 = tpu.vector_load %arg10[%parallel_loop3A_217, %parallel_loop3A_218] {strides = array<i32>} : memref<200x128xf32, #tpu.memory_space<vmem>>, vector<1x16xf32>,
        %parallel_loop3A_220 = vector.shape_cast %parallel_loop3A_219 : vector<1x16xf32> to vector<16xf32>
        %parallel_loop3A_221 = arith.addf %parallel_loop3A_216, %parallel_loop3A_220 : vector<16xf32>
        %parallel_loop3A_222 = arith.index_cast %parallel_loop3A_184 : i32 to index
        %parallel_loop3A_223 = arith.constant 32 : index
        %parallel_loop3A_224 = tpu.vector_load %arg8[%parallel_loop3A_222, %parallel_loop3A_223] {strides = array<i32>} : memref<200x128xf32, #tpu.memory_space<vmem>>, vector<1x16xf32>,
        %parallel_loop3A_225 = vector.shape_cast %parallel_loop3A_224 : vector<1x16xf32> to vector<16xf32>
        %parallel_loop3A_226 = vector.shape_cast %parallel_loop3A_221 : vector<16xf32> to vector<1x16xf32>
        tpu.vector_store %arg8[%parallel_loop3A_222, %parallel_loop3A_223], %parallel_loop3A_226 {strides = array<i32>} : memref<200x128xf32, #tpu.memory_space<vmem>>, vector<1x16xf32>,
        %parallel_loop3A_227 = arith.index_cast %parallel_loop3A_184 : i32 to index
        %parallel_loop3A_228 = arith.constant 48 : index
        %parallel_loop3A_229 = tpu.vector_load %arg8[%parallel_loop3A_227, %parallel_loop3A_228] {strides = array<i32>} : memref<200x128xf32, #tpu.memory_space<vmem>>, vector<1x16xf32>,
        %parallel_loop3A_230 = vector.shape_cast %parallel_loop3A_229 : vector<1x16xf32> to vector<16xf32>
        %parallel_loop3A_231 = arith.index_cast %parallel_loop3A_184 : i32 to index
        %parallel_loop3A_232 = arith.constant 48 : index
        %parallel_loop3A_233 = tpu.vector_load %arg10[%parallel_loop3A_231, %parallel_loop3A_232] {strides = array<i32>} : memref<200x128xf32, #tpu.memory_space<vmem>>, vector<1x16xf32>,
        %parallel_loop3A_234 = vector.shape_cast %parallel_loop3A_233 : vector<1x16xf32> to vector<16xf32>
        %parallel_loop3A_235 = arith.addf %parallel_loop3A_230, %parallel_loop3A_234 : vector<16xf32>
        %parallel_loop3A_236 = arith.index_cast %parallel_loop3A_184 : i32 to index
        %parallel_loop3A_237 = arith.constant 48 : index
        %parallel_loop3A_238 = tpu.vector_load %arg8[%parallel_loop3A_236, %parallel_loop3A_237] {strides = array<i32>} : memref<200x128xf32, #tpu.memory_space<vmem>>, vector<1x16xf32>,
        %parallel_loop3A_239 = vector.shape_cast %parallel_loop3A_238 : vector<1x16xf32> to vector<16xf32>
        %parallel_loop3A_240 = vector.shape_cast %parallel_loop3A_235 : vector<16xf32> to vector<1x16xf32>
        tpu.vector_store %arg8[%parallel_loop3A_236, %parallel_loop3A_237], %parallel_loop3A_240 {strides = array<i32>} : memref<200x128xf32, #tpu.memory_space<vmem>>, vector<1x16xf32>,
        %parallel_loop3A_241 = arith.index_cast %parallel_loop3A_184 : i32 to index
        %parallel_loop3A_242 = arith.constant 64 : index
        %parallel_loop3A_243 = tpu.vector_load %arg8[%parallel_loop3A_241, %parallel_loop3A_242] {strides = array<i32>} : memref<200x128xf32, #tpu.memory_space<vmem>>, vector<1x16xf32>,
        %parallel_loop3A_244 = vector.shape_cast %parallel_loop3A_243 : vector<1x16xf32> to vector<16xf32>
        %parallel_loop3A_245 = arith.index_cast %parallel_loop3A_184 : i32 to index
        %parallel_loop3A_246 = arith.constant 64 : index
        %parallel_loop3A_247 = tpu.vector_load %arg10[%parallel_loop3A_245, %parallel_loop3A_246] {strides = array<i32>} : memref<200x128xf32, #tpu.memory_space<vmem>>, vector<1x16xf32>,
        %parallel_loop3A_248 = vector.shape_cast %parallel_loop3A_247 : vector<1x16xf32> to vector<16xf32>
        %parallel_loop3A_249 = arith.addf %parallel_loop3A_244, %parallel_loop3A_248 : vector<16xf32>
        %parallel_loop3A_250 = arith.index_cast %parallel_loop3A_184 : i32 to index
        %parallel_loop3A_251 = arith.constant 64 : index
        %parallel_loop3A_252 = tpu.vector_load %arg8[%parallel_loop3A_250, %parallel_loop3A_251] {strides = array<i32>} : memref<200x128xf32, #tpu.memory_space<vmem>>, vector<1x16xf32>,
        %parallel_loop3A_253 = vector.shape_cast %parallel_loop3A_252 : vector<1x16xf32> to vector<16xf32>
        %parallel_loop3A_254 = vector.shape_cast %parallel_loop3A_249 : vector<16xf32> to vector<1x16xf32>
        tpu.vector_store %arg8[%parallel_loop3A_250, %parallel_loop3A_251], %parallel_loop3A_254 {strides = array<i32>} : memref<200x128xf32, #tpu.memory_space<vmem>>, vector<1x16xf32>,
        %parallel_loop3A_255 = arith.index_cast %parallel_loop3A_184 : i32 to index
        %parallel_loop3A_256 = arith.constant 80 : index
        %parallel_loop3A_257 = tpu.vector_load %arg8[%parallel_loop3A_255, %parallel_loop3A_256] {strides = array<i32>} : memref<200x128xf32, #tpu.memory_space<vmem>>, vector<1x16xf32>,
        %parallel_loop3A_258 = vector.shape_cast %parallel_loop3A_257 : vector<1x16xf32> to vector<16xf32>
        %parallel_loop3A_259 = arith.index_cast %parallel_loop3A_184 : i32 to index
        %parallel_loop3A_260 = arith.constant 80 : index
        %parallel_loop3A_261 = tpu.vector_load %arg10[%parallel_loop3A_259, %parallel_loop3A_260] {strides = array<i32>} : memref<200x128xf32, #tpu.memory_space<vmem>>, vector<1x16xf32>,
        %parallel_loop3A_262 = vector.shape_cast %parallel_loop3A_261 : vector<1x16xf32> to vector<16xf32>
        %parallel_loop3A_263 = arith.addf %parallel_loop3A_258, %parallel_loop3A_262 : vector<16xf32>
        %parallel_loop3A_264 = arith.index_cast %parallel_loop3A_184 : i32 to index
        %parallel_loop3A_265 = arith.constant 80 : index
        %parallel_loop3A_266 = tpu.vector_load %arg8[%parallel_loop3A_264, %parallel_loop3A_265] {strides = array<i32>} : memref<200x128xf32, #tpu.memory_space<vmem>>, vector<1x16xf32>,
        %parallel_loop3A_267 = vector.shape_cast %parallel_loop3A_266 : vector<1x16xf32> to vector<16xf32>
        %parallel_loop3A_268 = vector.shape_cast %parallel_loop3A_263 : vector<16xf32> to vector<1x16xf32>
        tpu.vector_store %arg8[%parallel_loop3A_264, %parallel_loop3A_265], %parallel_loop3A_268 {strides = array<i32>} : memref<200x128xf32, #tpu.memory_space<vmem>>, vector<1x16xf32>,
        %parallel_loop3A_269 = arith.index_cast %parallel_loop3A_184 : i32 to index
        %parallel_loop3A_270 = arith.constant 96 : index
        %parallel_loop3A_271 = tpu.vector_load %arg8[%parallel_loop3A_269, %parallel_loop3A_270] {strides = array<i32>} : memref<200x128xf32, #tpu.memory_space<vmem>>, vector<1x16xf32>,
        %parallel_loop3A_272 = vector.shape_cast %parallel_loop3A_271 : vector<1x16xf32> to vector<16xf32>
        %parallel_loop3A_273 = arith.index_cast %parallel_loop3A_184 : i32 to index
        %parallel_loop3A_274 = arith.constant 96 : index
        %parallel_loop3A_275 = tpu.vector_load %arg10[%parallel_loop3A_273, %parallel_loop3A_274] {strides = array<i32>} : memref<200x128xf32, #tpu.memory_space<vmem>>, vector<1x16xf32>,
        %parallel_loop3A_276 = vector.shape_cast %parallel_loop3A_275 : vector<1x16xf32> to vector<16xf32>
        %parallel_loop3A_277 = arith.addf %parallel_loop3A_272, %parallel_loop3A_276 : vector<16xf32>
        %parallel_loop3A_278 = arith.index_cast %parallel_loop3A_184 : i32 to index
        %parallel_loop3A_279 = arith.constant 96 : index
        %parallel_loop3A_280 = tpu.vector_load %arg8[%parallel_loop3A_278, %parallel_loop3A_279] {strides = array<i32>} : memref<200x128xf32, #tpu.memory_space<vmem>>, vector<1x16xf32>,
        %parallel_loop3A_281 = vector.shape_cast %parallel_loop3A_280 : vector<1x16xf32> to vector<16xf32>
        %parallel_loop3A_282 = vector.shape_cast %parallel_loop3A_277 : vector<16xf32> to vector<1x16xf32>
        tpu.vector_store %arg8[%parallel_loop3A_278, %parallel_loop3A_279], %parallel_loop3A_282 {strides = array<i32>} : memref<200x128xf32, #tpu.memory_space<vmem>>, vector<1x16xf32>,
        %parallel_loop3A_283 = arith.index_cast %parallel_loop3A_184 : i32 to index
        %parallel_loop3A_284 = arith.constant 112 : index
        %parallel_loop3A_285 = tpu.vector_load %arg8[%parallel_loop3A_283, %parallel_loop3A_284] {strides = array<i32>} : memref<200x128xf32, #tpu.memory_space<vmem>>, vector<1x16xf32>,
        %parallel_loop3A_286 = vector.shape_cast %parallel_loop3A_285 : vector<1x16xf32> to vector<16xf32>
        %parallel_loop3A_287 = arith.index_cast %parallel_loop3A_184 : i32 to index
        %parallel_loop3A_288 = arith.constant 112 : index
        %parallel_loop3A_289 = tpu.vector_load %arg10[%parallel_loop3A_287, %parallel_loop3A_288] {strides = array<i32>} : memref<200x128xf32, #tpu.memory_space<vmem>>, vector<1x16xf32>,
        %parallel_loop3A_290 = vector.shape_cast %parallel_loop3A_289 : vector<1x16xf32> to vector<16xf32>
        %parallel_loop3A_291 = arith.addf %parallel_loop3A_286, %parallel_loop3A_290 : vector<16xf32>
        %parallel_loop3A_292 = arith.index_cast %parallel_loop3A_184 : i32 to index
        %parallel_loop3A_293 = arith.constant 112 : index
        %parallel_loop3A_294 = tpu.vector_load %arg8[%parallel_loop3A_292, %parallel_loop3A_293] {strides = array<i32>} : memref<200x128xf32, #tpu.memory_space<vmem>>, vector<1x16xf32>,
        %parallel_loop3A_295 = vector.shape_cast %parallel_loop3A_294 : vector<1x16xf32> to vector<16xf32>
        %parallel_loop3A_296 = vector.shape_cast %parallel_loop3A_291 : vector<16xf32> to vector<1x16xf32>
        tpu.vector_store %arg8[%parallel_loop3A_292, %parallel_loop3A_293], %parallel_loop3A_296 {strides = array<i32>} : memref<200x128xf32, #tpu.memory_space<vmem>>, vector<1x16xf32>,
      } {sc.loop_unroll_factor = 4 : i64, sc.parallel_access}
      %add3A_137 = arith.constant 128 : i32
      %add3A_138 = arith.addi %mul3A_126, %add3A_137 : i32
      %dma_wait3A_139 = arith.constant 128 : i32
      %dma_wait3A_140 = arith.constant 0 : i32
      %dma_wait3A_141 = tpu.memref_slice %arg8[%dma_wait3A_139, %dma_wait3A_140] : memref<200x128xf32, #tpu.memory_space<vmem>> -> memref<72x128xf32, #tpu.memory_space<vmem>>
      %dma_wait3A_142 = tpu.memref_slice %arg6[%add3A_138] : memref<6400xi32, #tpu.memory_space<vmem>> -> memref<72xi32, #tpu.memory_space<vmem>>
      %dma_wait3A_143 = arith.constant 0 : i32
      %dma_wait3A_144 = arith.constant 0 : i32
      %dma_wait3A_145 = tpu.memref_slice %arg3[%dma_wait3A_143, %dma_wait3A_144] : memref<100000x128xf32, #tpu.memory_space<hbm>> -> memref<100000x128xf32, #tpu.memory_space<hbm>>
      tpu.wait_indirect_dma semaphore(%arg15 : memref<!tpu.dma_semaphore, #tpu.memory_space<semaphore_mem>>) src(%dma_wait3A_145 : memref<100000x128xf32, #tpu.memory_space<hbm>>) dst(%dma_wait3A_141 : memref<72x128xf32, #tpu.memory_space<vmem>>)
      %parallel_loop3A_146 = arith.constant 128 : i32
      %parallel_loop3A_147 = arith.constant 200 : i32
      %parallel_loop3A_148 = arith.constant 1 : i32
      scf.for %parallel_loop3A_184 = %parallel_loop3A_146 to %parallel_loop3A_147 step %parallel_loop3A_148  : i32 {
        %parallel_loop3A_185 = arith.index_cast %parallel_loop3A_184 : i32 to index
        %parallel_loop3A_186 = arith.constant 0 : index
        %parallel_loop3A_187 = tpu.vector_load %arg8[%parallel_loop3A_185, %parallel_loop3A_186] {strides = array<i32>} : memref<200x128xf32, #tpu.memory_space<vmem>>, vector<1x16xf32>,
        %parallel_loop3A_188 = vector.shape_cast %parallel_loop3A_187 : vector<1x16xf32> to vector<16xf32>
        %parallel_loop3A_189 = arith.index_cast %parallel_loop3A_184 : i32 to index
        %parallel_loop3A_190 = arith.constant 0 : index
        %parallel_loop3A_191 = tpu.vector_load %arg10[%parallel_loop3A_189, %parallel_loop3A_190] {strides = array<i32>} : memref<200x128xf32, #tpu.memory_space<vmem>>, vector<1x16xf32>,
        %parallel_loop3A_192 = vector.shape_cast %parallel_loop3A_191 : vector<1x16xf32> to vector<16xf32>
        %parallel_loop3A_193 = arith.addf %parallel_loop3A_188, %parallel_loop3A_192 : vector<16xf32>
        %parallel_loop3A_194 = arith.index_cast %parallel_loop3A_184 : i32 to index
        %parallel_loop3A_195 = arith.constant 0 : index
        %parallel_loop3A_196 = tpu.vector_load %arg8[%parallel_loop3A_194, %parallel_loop3A_195] {strides = array<i32>} : memref<200x128xf32, #tpu.memory_space<vmem>>, vector<1x16xf32>,
        %parallel_loop3A_197 = vector.shape_cast %parallel_loop3A_196 : vector<1x16xf32> to vector<16xf32>
        %parallel_loop3A_198 = vector.shape_cast %parallel_loop3A_193 : vector<16xf32> to vector<1x16xf32>
        tpu.vector_store %arg8[%parallel_loop3A_194, %parallel_loop3A_195], %parallel_loop3A_198 {strides = array<i32>} : memref<200x128xf32, #tpu.memory_space<vmem>>, vector<1x16xf32>,
        %parallel_loop3A_199 = arith.index_cast %parallel_loop3A_184 : i32 to index
        %parallel_loop3A_200 = arith.constant 16 : index
        %parallel_loop3A_201 = tpu.vector_load %arg8[%parallel_loop3A_199, %parallel_loop3A_200] {strides = array<i32>} : memref<200x128xf32, #tpu.memory_space<vmem>>, vector<1x16xf32>,
        %parallel_loop3A_202 = vector.shape_cast %parallel_loop3A_201 : vector<1x16xf32> to vector<16xf32>
        %parallel_loop3A_203 = arith.index_cast %parallel_loop3A_184 : i32 to index
        %parallel_loop3A_204 = arith.constant 16 : index
        %parallel_loop3A_205 = tpu.vector_load %arg10[%parallel_loop3A_203, %parallel_loop3A_204] {strides = array<i32>} : memref<200x128xf32, #tpu.memory_space<vmem>>, vector<1x16xf32>,
        %parallel_loop3A_206 = vector.shape_cast %parallel_loop3A_205 : vector<1x16xf32> to vector<16xf32>
        %parallel_loop3A_207 = arith.addf %parallel_loop3A_202, %parallel_loop3A_206 : vector<16xf32>
        %parallel_loop3A_208 = arith.index_cast %parallel_loop3A_184 : i32 to index
        %parallel_loop3A_209 = arith.constant 16 : index
        %parallel_loop3A_210 = tpu.vector_load %arg8[%parallel_loop3A_208, %parallel_loop3A_209] {strides = array<i32>} : memref<200x128xf32, #tpu.memory_space<vmem>>, vector<1x16xf32>,
        %parallel_loop3A_211 = vector.shape_cast %parallel_loop3A_210 : vector<1x16xf32> to vector<16xf32>
        %parallel_loop3A_212 = vector.shape_cast %parallel_loop3A_207 : vector<16xf32> to vector<1x16xf32>
        tpu.vector_store %arg8[%parallel_loop3A_208, %parallel_loop3A_209], %parallel_loop3A_212 {strides = array<i32>} : memref<200x128xf32, #tpu.memory_space<vmem>>, vector<1x16xf32>,
        %parallel_loop3A_213 = arith.index_cast %parallel_loop3A_184 : i32 to index
        %parallel_loop3A_214 = arith.constant 32 : index
        %parallel_loop3A_215 = tpu.vector_load %arg8[%parallel_loop3A_213, %parallel_loop3A_214] {strides = array<i32>} : memref<200x128xf32, #tpu.memory_space<vmem>>, vector<1x16xf32>,
        %parallel_loop3A_216 = vector.shape_cast %parallel_loop3A_215 : vector<1x16xf32> to vector<16xf32>
        %parallel_loop3A_217 = arith.index_cast %parallel_loop3A_184 : i32 to index
        %parallel_loop3A_218 = arith.constant 32 : index
        %parallel_loop3A_219 = tpu.vector_load %arg10[%parallel_loop3A_217, %parallel_loop3A_218] {strides = array<i32>} : memref<200x128xf32, #tpu.memory_space<vmem>>, vector<1x16xf32>,
        %parallel_loop3A_220 = vector.shape_cast %parallel_loop3A_219 : vector<1x16xf32> to vector<16xf32>
        %parallel_loop3A_221 = arith.addf %parallel_loop3A_216, %parallel_loop3A_220 : vector<16xf32>
        %parallel_loop3A_222 = arith.index_cast %parallel_loop3A_184 : i32 to index
        %parallel_loop3A_223 = arith.constant 32 : index
        %parallel_loop3A_224 = tpu.vector_load %arg8[%parallel_loop3A_222, %parallel_loop3A_223] {strides = array<i32>} : memref<200x128xf32, #tpu.memory_space<vmem>>, vector<1x16xf32>,
        %parallel_loop3A_225 = vector.shape_cast %parallel_loop3A_224 : vector<1x16xf32> to vector<16xf32>
        %parallel_loop3A_226 = vector.shape_cast %parallel_loop3A_221 : vector<16xf32> to vector<1x16xf32>
        tpu.vector_store %arg8[%parallel_loop3A_222, %parallel_loop3A_223], %parallel_loop3A_226 {strides = array<i32>} : memref<200x128xf32, #tpu.memory_space<vmem>>, vector<1x16xf32>,
        %parallel_loop3A_227 = arith.index_cast %parallel_loop3A_184 : i32 to index
        %parallel_loop3A_228 = arith.constant 48 : index
        %parallel_loop3A_229 = tpu.vector_load %arg8[%parallel_loop3A_227, %parallel_loop3A_228] {strides = array<i32>} : memref<200x128xf32, #tpu.memory_space<vmem>>, vector<1x16xf32>,
        %parallel_loop3A_230 = vector.shape_cast %parallel_loop3A_229 : vector<1x16xf32> to vector<16xf32>
        %parallel_loop3A_231 = arith.index_cast %parallel_loop3A_184 : i32 to index
        %parallel_loop3A_232 = arith.constant 48 : index
        %parallel_loop3A_233 = tpu.vector_load %arg10[%parallel_loop3A_231, %parallel_loop3A_232] {strides = array<i32>} : memref<200x128xf32, #tpu.memory_space<vmem>>, vector<1x16xf32>,
        %parallel_loop3A_234 = vector.shape_cast %parallel_loop3A_233 : vector<1x16xf32> to vector<16xf32>
        %parallel_loop3A_235 = arith.addf %parallel_loop3A_230, %parallel_loop3A_234 : vector<16xf32>
        %parallel_loop3A_236 = arith.index_cast %parallel_loop3A_184 : i32 to index
        %parallel_loop3A_237 = arith.constant 48 : index
        %parallel_loop3A_238 = tpu.vector_load %arg8[%parallel_loop3A_236, %parallel_loop3A_237] {strides = array<i32>} : memref<200x128xf32, #tpu.memory_space<vmem>>, vector<1x16xf32>,
        %parallel_loop3A_239 = vector.shape_cast %parallel_loop3A_238 : vector<1x16xf32> to vector<16xf32>
        %parallel_loop3A_240 = vector.shape_cast %parallel_loop3A_235 : vector<16xf32> to vector<1x16xf32>
        tpu.vector_store %arg8[%parallel_loop3A_236, %parallel_loop3A_237], %parallel_loop3A_240 {strides = array<i32>} : memref<200x128xf32, #tpu.memory_space<vmem>>, vector<1x16xf32>,
        %parallel_loop3A_241 = arith.index_cast %parallel_loop3A_184 : i32 to index
        %parallel_loop3A_242 = arith.constant 64 : index
        %parallel_loop3A_243 = tpu.vector_load %arg8[%parallel_loop3A_241, %parallel_loop3A_242] {strides = array<i32>} : memref<200x128xf32, #tpu.memory_space<vmem>>, vector<1x16xf32>,
        %parallel_loop3A_244 = vector.shape_cast %parallel_loop3A_243 : vector<1x16xf32> to vector<16xf32>
        %parallel_loop3A_245 = arith.index_cast %parallel_loop3A_184 : i32 to index
        %parallel_loop3A_246 = arith.constant 64 : index
        %parallel_loop3A_247 = tpu.vector_load %arg10[%parallel_loop3A_245, %parallel_loop3A_246] {strides = array<i32>} : memref<200x128xf32, #tpu.memory_space<vmem>>, vector<1x16xf32>,
        %parallel_loop3A_248 = vector.shape_cast %parallel_loop3A_247 : vector<1x16xf32> to vector<16xf32>
        %parallel_loop3A_249 = arith.addf %parallel_loop3A_244, %parallel_loop3A_248 : vector<16xf32>
        %parallel_loop3A_250 = arith.index_cast %parallel_loop3A_184 : i32 to index
        %parallel_loop3A_251 = arith.constant 64 : index
        %parallel_loop3A_252 = tpu.vector_load %arg8[%parallel_loop3A_250, %parallel_loop3A_251] {strides = array<i32>} : memref<200x128xf32, #tpu.memory_space<vmem>>, vector<1x16xf32>,
        %parallel_loop3A_253 = vector.shape_cast %parallel_loop3A_252 : vector<1x16xf32> to vector<16xf32>
        %parallel_loop3A_254 = vector.shape_cast %parallel_loop3A_249 : vector<16xf32> to vector<1x16xf32>
        tpu.vector_store %arg8[%parallel_loop3A_250, %parallel_loop3A_251], %parallel_loop3A_254 {strides = array<i32>} : memref<200x128xf32, #tpu.memory_space<vmem>>, vector<1x16xf32>,
        %parallel_loop3A_255 = arith.index_cast %parallel_loop3A_184 : i32 to index
        %parallel_loop3A_256 = arith.constant 80 : index
        %parallel_loop3A_257 = tpu.vector_load %arg8[%parallel_loop3A_255, %parallel_loop3A_256] {strides = array<i32>} : memref<200x128xf32, #tpu.memory_space<vmem>>, vector<1x16xf32>,
        %parallel_loop3A_258 = vector.shape_cast %parallel_loop3A_257 : vector<1x16xf32> to vector<16xf32>
        %parallel_loop3A_259 = arith.index_cast %parallel_loop3A_184 : i32 to index
        %parallel_loop3A_260 = arith.constant 80 : index
        %parallel_loop3A_261 = tpu.vector_load %arg10[%parallel_loop3A_259, %parallel_loop3A_260] {strides = array<i32>} : memref<200x128xf32, #tpu.memory_space<vmem>>, vector<1x16xf32>,
        %parallel_loop3A_262 = vector.shape_cast %parallel_loop3A_261 : vector<1x16xf32> to vector<16xf32>
        %parallel_loop3A_263 = arith.addf %parallel_loop3A_258, %parallel_loop3A_262 : vector<16xf32>
        %parallel_loop3A_264 = arith.index_cast %parallel_loop3A_184 : i32 to index
        %parallel_loop3A_265 = arith.constant 80 : index
        %parallel_loop3A_266 = tpu.vector_load %arg8[%parallel_loop3A_264, %parallel_loop3A_265] {strides = array<i32>} : memref<200x128xf32, #tpu.memory_space<vmem>>, vector<1x16xf32>,
        %parallel_loop3A_267 = vector.shape_cast %parallel_loop3A_266 : vector<1x16xf32> to vector<16xf32>
        %parallel_loop3A_268 = vector.shape_cast %parallel_loop3A_263 : vector<16xf32> to vector<1x16xf32>
        tpu.vector_store %arg8[%parallel_loop3A_264, %parallel_loop3A_265], %parallel_loop3A_268 {strides = array<i32>} : memref<200x128xf32, #tpu.memory_space<vmem>>, vector<1x16xf32>,
        %parallel_loop3A_269 = arith.index_cast %parallel_loop3A_184 : i32 to index
        %parallel_loop3A_270 = arith.constant 96 : index
        %parallel_loop3A_271 = tpu.vector_load %arg8[%parallel_loop3A_269, %parallel_loop3A_270] {strides = array<i32>} : memref<200x128xf32, #tpu.memory_space<vmem>>, vector<1x16xf32>,
        %parallel_loop3A_272 = vector.shape_cast %parallel_loop3A_271 : vector<1x16xf32> to vector<16xf32>
        %parallel_loop3A_273 = arith.index_cast %parallel_loop3A_184 : i32 to index
        %parallel_loop3A_274 = arith.constant 96 : index
        %parallel_loop3A_275 = tpu.vector_load %arg10[%parallel_loop3A_273, %parallel_loop3A_274] {strides = array<i32>} : memref<200x128xf32, #tpu.memory_space<vmem>>, vector<1x16xf32>,
        %parallel_loop3A_276 = vector.shape_cast %parallel_loop3A_275 : vector<1x16xf32> to vector<16xf32>
        %parallel_loop3A_277 = arith.addf %parallel_loop3A_272, %parallel_loop3A_276 : vector<16xf32>
        %parallel_loop3A_278 = arith.index_cast %parallel_loop3A_184 : i32 to index
        %parallel_loop3A_279 = arith.constant 96 : index
        %parallel_loop3A_280 = tpu.vector_load %arg8[%parallel_loop3A_278, %parallel_loop3A_279] {strides = array<i32>} : memref<200x128xf32, #tpu.memory_space<vmem>>, vector<1x16xf32>,
        %parallel_loop3A_281 = vector.shape_cast %parallel_loop3A_280 : vector<1x16xf32> to vector<16xf32>
        %parallel_loop3A_282 = vector.shape_cast %parallel_loop3A_277 : vector<16xf32> to vector<1x16xf32>
        tpu.vector_store %arg8[%parallel_loop3A_278, %parallel_loop3A_279], %parallel_loop3A_282 {strides = array<i32>} : memref<200x128xf32, #tpu.memory_space<vmem>>, vector<1x16xf32>,
        %parallel_loop3A_283 = arith.index_cast %parallel_loop3A_184 : i32 to index
        %parallel_loop3A_284 = arith.constant 112 : index
        %parallel_loop3A_285 = tpu.vector_load %arg8[%parallel_loop3A_283, %parallel_loop3A_284] {strides = array<i32>} : memref<200x128xf32, #tpu.memory_space<vmem>>, vector<1x16xf32>,
        %parallel_loop3A_286 = vector.shape_cast %parallel_loop3A_285 : vector<1x16xf32> to vector<16xf32>
        %parallel_loop3A_287 = arith.index_cast %parallel_loop3A_184 : i32 to index
        %parallel_loop3A_288 = arith.constant 112 : index
        %parallel_loop3A_289 = tpu.vector_load %arg10[%parallel_loop3A_287, %parallel_loop3A_288] {strides = array<i32>} : memref<200x128xf32, #tpu.memory_space<vmem>>, vector<1x16xf32>,
        %parallel_loop3A_290 = vector.shape_cast %parallel_loop3A_289 : vector<1x16xf32> to vector<16xf32>
        %parallel_loop3A_291 = arith.addf %parallel_loop3A_286, %parallel_loop3A_290 : vector<16xf32>
        %parallel_loop3A_292 = arith.index_cast %parallel_loop3A_184 : i32 to index
        %parallel_loop3A_293 = arith.constant 112 : index
        %parallel_loop3A_294 = tpu.vector_load %arg8[%parallel_loop3A_292, %parallel_loop3A_293] {strides = array<i32>} : memref<200x128xf32, #tpu.memory_space<vmem>>, vector<1x16xf32>,
        %parallel_loop3A_295 = vector.shape_cast %parallel_loop3A_294 : vector<1x16xf32> to vector<16xf32>
        %parallel_loop3A_296 = vector.shape_cast %parallel_loop3A_291 : vector<16xf32> to vector<1x16xf32>
        tpu.vector_store %arg8[%parallel_loop3A_292, %parallel_loop3A_293], %parallel_loop3A_296 {strides = array<i32>} : memref<200x128xf32, #tpu.memory_space<vmem>>, vector<1x16xf32>,
      } {sc.loop_unroll_factor = 4 : i64, sc.parallel_access}
      %mul3A_149 = arith.constant 3 : i32
      %mul3A_150 = arith.muli %scan3A_81, %mul3A_149 : i32
      %add3A_151 = arith.constant 2 : i32
      %add3A_152 = arith.addi %mul3A_150, %add3A_151 : i32
      %add3A_153 = arith.constant 1 : i32
      %add3A_154 = arith.addi %add3A_152, %add3A_153 : i32
      %lt3A_155 = arith.constant 32 : i32
      %lt3A_156 = arith.cmpi slt, %add3A_154, %lt3A_155 : i32
      %convert_element_type3A_157 = arith.extui %lt3A_156 : i1 to i32
      %cond3A_158 = arith.constant 0 : i32
      %cond3A_159 = arith.cmpi ne, %convert_element_type3A_157, %cond3A_158 : i32
      scf.if %cond3A_159 {
        %add3A_184 = arith.constant 1 : i32
        %add3A_185 = arith.addi %add3A_152, %add3A_184 : i32
        %mul3A_186 = arith.constant 200 : i32
        %mul3A_187 = arith.muli %add3A_185, %mul3A_186 : i32
        %dma_start3A_188 = arith.constant 0 : i32
        %dma_start3A_189 = arith.constant 0 : i32
        %dma_start3A_190 = tpu.memref_slice %arg7[%dma_start3A_188, %dma_start3A_189] : memref<200x128xf32, #tpu.memory_space<vmem>> -> memref<128x128xf32, #tpu.memory_space<vmem>>
        %dma_start3A_191 = tpu.memref_slice %arg6[%mul3A_187] : memref<6400xi32, #tpu.memory_space<vmem>> -> memref<128xi32, #tpu.memory_space<vmem>>
        %dma_start3A_192 = arith.constant 0 : i32
        %dma_start3A_193 = arith.constant 0 : i32
        %dma_start3A_194 = tpu.memref_slice %arg3[%dma_start3A_192, %dma_start3A_193] : memref<100000x128xf32, #tpu.memory_space<hbm>> -> memref<100000x128xf32, #tpu.memory_space<hbm>>
        tpu.enqueue_indirect_dma source(%dma_start3A_194 : memref<100000x128xf32, #tpu.memory_space<hbm>>) target(%dma_start3A_190 : memref<128x128xf32, #tpu.memory_space<vmem>>) offsets(%dma_start3A_191 : memref<128xi32, #tpu.memory_space<vmem>>) semaphore(%arg11 : memref<!tpu.dma_semaphore, #tpu.memory_space<semaphore_mem>>)
        %add3A_195 = arith.constant 128 : i32
        %add3A_196 = arith.addi %mul3A_187, %add3A_195 : i32
        %dma_start3A_197 = arith.constant 128 : i32
        %dma_start3A_198 = arith.constant 0 : i32
        %dma_start3A_199 = tpu.memref_slice %arg7[%dma_start3A_197, %dma_start3A_198] : memref<200x128xf32, #tpu.memory_space<vmem>> -> memref<72x128xf32, #tpu.memory_space<vmem>>
        %dma_start3A_200 = tpu.memref_slice %arg6[%add3A_196] : memref<6400xi32, #tpu.memory_space<vmem>> -> memref<72xi32, #tpu.memory_space<vmem>>
        %dma_start3A_201 = arith.constant 0 : i32
        %dma_start3A_202 = arith.constant 0 : i32
        %dma_start3A_203 = tpu.memref_slice %arg3[%dma_start3A_201, %dma_start3A_202] : memref<100000x128xf32, #tpu.memory_space<hbm>> -> memref<100000x128xf32, #tpu.memory_space<hbm>>
        tpu.enqueue_indirect_dma source(%dma_start3A_203 : memref<100000x128xf32, #tpu.memory_space<hbm>>) target(%dma_start3A_199 : memref<72x128xf32, #tpu.memory_space<vmem>>) offsets(%dma_start3A_200 : memref<72xi32, #tpu.memory_space<vmem>>) semaphore(%arg14 : memref<!tpu.dma_semaphore, #tpu.memory_space<semaphore_mem>>)
      } else {
      }
      %mul3A_160 = arith.constant 200 : i32
      %mul3A_161 = arith.muli %add3A_152, %mul3A_160 : i32
      %dma_wait3A_162 = arith.constant 0 : i32
      %dma_wait3A_163 = arith.constant 0 : i32
      %dma_wait3A_164 = tpu.memref_slice %arg9[%dma_wait3A_162, %dma_wait3A_163] : memref<200x128xf32, #tpu.memory_space<vmem>> -> memref<128x128xf32, #tpu.memory_space<vmem>>
      %dma_wait3A_165 = tpu.memref_slice %arg6[%mul3A_161] : memref<6400xi32, #tpu.memory_space<vmem>> -> memref<128xi32, #tpu.memory_space<vmem>>
      %dma_wait3A_166 = arith.constant 0 : i32
      %dma_wait3A_167 = arith.constant 0 : i32
      %dma_wait3A_168 = tpu.memref_slice %arg3[%dma_wait3A_166, %dma_wait3A_167] : memref<100000x128xf32, #tpu.memory_space<hbm>> -> memref<100000x128xf32, #tpu.memory_space<hbm>>
      tpu.wait_indirect_dma semaphore(%arg13 : memref<!tpu.dma_semaphore, #tpu.memory_space<semaphore_mem>>) src(%dma_wait3A_168 : memref<100000x128xf32, #tpu.memory_space<hbm>>) dst(%dma_wait3A_164 : memref<128x128xf32, #tpu.memory_space<vmem>>)
      %parallel_loop3A_169 = arith.constant 0 : i32
      %parallel_loop3A_170 = arith.constant 128 : i32
      %parallel_loop3A_171 = arith.constant 1 : i32
      scf.for %parallel_loop3A_184 = %parallel_loop3A_169 to %parallel_loop3A_170 step %parallel_loop3A_171  : i32 {
        %parallel_loop3A_185 = arith.index_cast %parallel_loop3A_184 : i32 to index
        %parallel_loop3A_186 = arith.constant 0 : index
        %parallel_loop3A_187 = tpu.vector_load %arg9[%parallel_loop3A_185, %parallel_loop3A_186] {strides = array<i32>} : memref<200x128xf32, #tpu.memory_space<vmem>>, vector<1x16xf32>,
        %parallel_loop3A_188 = vector.shape_cast %parallel_loop3A_187 : vector<1x16xf32> to vector<16xf32>
        %parallel_loop3A_189 = arith.index_cast %parallel_loop3A_184 : i32 to index
        %parallel_loop3A_190 = arith.constant 0 : index
        %parallel_loop3A_191 = tpu.vector_load %arg10[%parallel_loop3A_189, %parallel_loop3A_190] {strides = array<i32>} : memref<200x128xf32, #tpu.memory_space<vmem>>, vector<1x16xf32>,
        %parallel_loop3A_192 = vector.shape_cast %parallel_loop3A_191 : vector<1x16xf32> to vector<16xf32>
        %parallel_loop3A_193 = arith.addf %parallel_loop3A_188, %parallel_loop3A_192 : vector<16xf32>
        %parallel_loop3A_194 = arith.index_cast %parallel_loop3A_184 : i32 to index
        %parallel_loop3A_195 = arith.constant 0 : index
        %parallel_loop3A_196 = tpu.vector_load %arg9[%parallel_loop3A_194, %parallel_loop3A_195] {strides = array<i32>} : memref<200x128xf32, #tpu.memory_space<vmem>>, vector<1x16xf32>,
        %parallel_loop3A_197 = vector.shape_cast %parallel_loop3A_196 : vector<1x16xf32> to vector<16xf32>
        %parallel_loop3A_198 = vector.shape_cast %parallel_loop3A_193 : vector<16xf32> to vector<1x16xf32>
        tpu.vector_store %arg9[%parallel_loop3A_194, %parallel_loop3A_195], %parallel_loop3A_198 {strides = array<i32>} : memref<200x128xf32, #tpu.memory_space<vmem>>, vector<1x16xf32>,
        %parallel_loop3A_199 = arith.index_cast %parallel_loop3A_184 : i32 to index
        %parallel_loop3A_200 = arith.constant 16 : index
        %parallel_loop3A_201 = tpu.vector_load %arg9[%parallel_loop3A_199, %parallel_loop3A_200] {strides = array<i32>} : memref<200x128xf32, #tpu.memory_space<vmem>>, vector<1x16xf32>,
        %parallel_loop3A_202 = vector.shape_cast %parallel_loop3A_201 : vector<1x16xf32> to vector<16xf32>
        %parallel_loop3A_203 = arith.index_cast %parallel_loop3A_184 : i32 to index
        %parallel_loop3A_204 = arith.constant 16 : index
        %parallel_loop3A_205 = tpu.vector_load %arg10[%parallel_loop3A_203, %parallel_loop3A_204] {strides = array<i32>} : memref<200x128xf32, #tpu.memory_space<vmem>>, vector<1x16xf32>,
        %parallel_loop3A_206 = vector.shape_cast %parallel_loop3A_205 : vector<1x16xf32> to vector<16xf32>
        %parallel_loop3A_207 = arith.addf %parallel_loop3A_202, %parallel_loop3A_206 : vector<16xf32>
        %parallel_loop3A_208 = arith.index_cast %parallel_loop3A_184 : i32 to index
        %parallel_loop3A_209 = arith.constant 16 : index
        %parallel_loop3A_210 = tpu.vector_load %arg9[%parallel_loop3A_208, %parallel_loop3A_209] {strides = array<i32>} : memref<200x128xf32, #tpu.memory_space<vmem>>, vector<1x16xf32>,
        %parallel_loop3A_211 = vector.shape_cast %parallel_loop3A_210 : vector<1x16xf32> to vector<16xf32>
        %parallel_loop3A_212 = vector.shape_cast %parallel_loop3A_207 : vector<16xf32> to vector<1x16xf32>
        tpu.vector_store %arg9[%parallel_loop3A_208, %parallel_loop3A_209], %parallel_loop3A_212 {strides = array<i32>} : memref<200x128xf32, #tpu.memory_space<vmem>>, vector<1x16xf32>,
        %parallel_loop3A_213 = arith.index_cast %parallel_loop3A_184 : i32 to index
        %parallel_loop3A_214 = arith.constant 32 : index
        %parallel_loop3A_215 = tpu.vector_load %arg9[%parallel_loop3A_213, %parallel_loop3A_214] {strides = array<i32>} : memref<200x128xf32, #tpu.memory_space<vmem>>, vector<1x16xf32>,
        %parallel_loop3A_216 = vector.shape_cast %parallel_loop3A_215 : vector<1x16xf32> to vector<16xf32>
        %parallel_loop3A_217 = arith.index_cast %parallel_loop3A_184 : i32 to index
        %parallel_loop3A_218 = arith.constant 32 : index
        %parallel_loop3A_219 = tpu.vector_load %arg10[%parallel_loop3A_217, %parallel_loop3A_218] {strides = array<i32>} : memref<200x128xf32, #tpu.memory_space<vmem>>, vector<1x16xf32>,
        %parallel_loop3A_220 = vector.shape_cast %parallel_loop3A_219 : vector<1x16xf32> to vector<16xf32>
        %parallel_loop3A_221 = arith.addf %parallel_loop3A_216, %parallel_loop3A_220 : vector<16xf32>
        %parallel_loop3A_222 = arith.index_cast %parallel_loop3A_184 : i32 to index
        %parallel_loop3A_223 = arith.constant 32 : index
        %parallel_loop3A_224 = tpu.vector_load %arg9[%parallel_loop3A_222, %parallel_loop3A_223] {strides = array<i32>} : memref<200x128xf32, #tpu.memory_space<vmem>>, vector<1x16xf32>,
        %parallel_loop3A_225 = vector.shape_cast %parallel_loop3A_224 : vector<1x16xf32> to vector<16xf32>
        %parallel_loop3A_226 = vector.shape_cast %parallel_loop3A_221 : vector<16xf32> to vector<1x16xf32>
        tpu.vector_store %arg9[%parallel_loop3A_222, %parallel_loop3A_223], %parallel_loop3A_226 {strides = array<i32>} : memref<200x128xf32, #tpu.memory_space<vmem>>, vector<1x16xf32>,
        %parallel_loop3A_227 = arith.index_cast %parallel_loop3A_184 : i32 to index
        %parallel_loop3A_228 = arith.constant 48 : index
        %parallel_loop3A_229 = tpu.vector_load %arg9[%parallel_loop3A_227, %parallel_loop3A_228] {strides = array<i32>} : memref<200x128xf32, #tpu.memory_space<vmem>>, vector<1x16xf32>,
        %parallel_loop3A_230 = vector.shape_cast %parallel_loop3A_229 : vector<1x16xf32> to vector<16xf32>
        %parallel_loop3A_231 = arith.index_cast %parallel_loop3A_184 : i32 to index
        %parallel_loop3A_232 = arith.constant 48 : index
        %parallel_loop3A_233 = tpu.vector_load %arg10[%parallel_loop3A_231, %parallel_loop3A_232] {strides = array<i32>} : memref<200x128xf32, #tpu.memory_space<vmem>>, vector<1x16xf32>,
        %parallel_loop3A_234 = vector.shape_cast %parallel_loop3A_233 : vector<1x16xf32> to vector<16xf32>
        %parallel_loop3A_235 = arith.addf %parallel_loop3A_230, %parallel_loop3A_234 : vector<16xf32>
        %parallel_loop3A_236 = arith.index_cast %parallel_loop3A_184 : i32 to index
        %parallel_loop3A_237 = arith.constant 48 : index
        %parallel_loop3A_238 = tpu.vector_load %arg9[%parallel_loop3A_236, %parallel_loop3A_237] {strides = array<i32>} : memref<200x128xf32, #tpu.memory_space<vmem>>, vector<1x16xf32>,
        %parallel_loop3A_239 = vector.shape_cast %parallel_loop3A_238 : vector<1x16xf32> to vector<16xf32>
        %parallel_loop3A_240 = vector.shape_cast %parallel_loop3A_235 : vector<16xf32> to vector<1x16xf32>
        tpu.vector_store %arg9[%parallel_loop3A_236, %parallel_loop3A_237], %parallel_loop3A_240 {strides = array<i32>} : memref<200x128xf32, #tpu.memory_space<vmem>>, vector<1x16xf32>,
        %parallel_loop3A_241 = arith.index_cast %parallel_loop3A_184 : i32 to index
        %parallel_loop3A_242 = arith.constant 64 : index
        %parallel_loop3A_243 = tpu.vector_load %arg9[%parallel_loop3A_241, %parallel_loop3A_242] {strides = array<i32>} : memref<200x128xf32, #tpu.memory_space<vmem>>, vector<1x16xf32>,
        %parallel_loop3A_244 = vector.shape_cast %parallel_loop3A_243 : vector<1x16xf32> to vector<16xf32>
        %parallel_loop3A_245 = arith.index_cast %parallel_loop3A_184 : i32 to index
        %parallel_loop3A_246 = arith.constant 64 : index
        %parallel_loop3A_247 = tpu.vector_load %arg10[%parallel_loop3A_245, %parallel_loop3A_246] {strides = array<i32>} : memref<200x128xf32, #tpu.memory_space<vmem>>, vector<1x16xf32>,
        %parallel_loop3A_248 = vector.shape_cast %parallel_loop3A_247 : vector<1x16xf32> to vector<16xf32>
        %parallel_loop3A_249 = arith.addf %parallel_loop3A_244, %parallel_loop3A_248 : vector<16xf32>
        %parallel_loop3A_250 = arith.index_cast %parallel_loop3A_184 : i32 to index
        %parallel_loop3A_251 = arith.constant 64 : index
        %parallel_loop3A_252 = tpu.vector_load %arg9[%parallel_loop3A_250, %parallel_loop3A_251] {strides = array<i32>} : memref<200x128xf32, #tpu.memory_space<vmem>>, vector<1x16xf32>,
        %parallel_loop3A_253 = vector.shape_cast %parallel_loop3A_252 : vector<1x16xf32> to vector<16xf32>
        %parallel_loop3A_254 = vector.shape_cast %parallel_loop3A_249 : vector<16xf32> to vector<1x16xf32>
        tpu.vector_store %arg9[%parallel_loop3A_250, %parallel_loop3A_251], %parallel_loop3A_254 {strides = array<i32>} : memref<200x128xf32, #tpu.memory_space<vmem>>, vector<1x16xf32>,
        %parallel_loop3A_255 = arith.index_cast %parallel_loop3A_184 : i32 to index
        %parallel_loop3A_256 = arith.constant 80 : index
        %parallel_loop3A_257 = tpu.vector_load %arg9[%parallel_loop3A_255, %parallel_loop3A_256] {strides = array<i32>} : memref<200x128xf32, #tpu.memory_space<vmem>>, vector<1x16xf32>,
        %parallel_loop3A_258 = vector.shape_cast %parallel_loop3A_257 : vector<1x16xf32> to vector<16xf32>
        %parallel_loop3A_259 = arith.index_cast %parallel_loop3A_184 : i32 to index
        %parallel_loop3A_260 = arith.constant 80 : index
        %parallel_loop3A_261 = tpu.vector_load %arg10[%parallel_loop3A_259, %parallel_loop3A_260] {strides = array<i32>} : memref<200x128xf32, #tpu.memory_space<vmem>>, vector<1x16xf32>,
        %parallel_loop3A_262 = vector.shape_cast %parallel_loop3A_261 : vector<1x16xf32> to vector<16xf32>
        %parallel_loop3A_263 = arith.addf %parallel_loop3A_258, %parallel_loop3A_262 : vector<16xf32>
        %parallel_loop3A_264 = arith.index_cast %parallel_loop3A_184 : i32 to index
        %parallel_loop3A_265 = arith.constant 80 : index
        %parallel_loop3A_266 = tpu.vector_load %arg9[%parallel_loop3A_264, %parallel_loop3A_265] {strides = array<i32>} : memref<200x128xf32, #tpu.memory_space<vmem>>, vector<1x16xf32>,
        %parallel_loop3A_267 = vector.shape_cast %parallel_loop3A_266 : vector<1x16xf32> to vector<16xf32>
        %parallel_loop3A_268 = vector.shape_cast %parallel_loop3A_263 : vector<16xf32> to vector<1x16xf32>
        tpu.vector_store %arg9[%parallel_loop3A_264, %parallel_loop3A_265], %parallel_loop3A_268 {strides = array<i32>} : memref<200x128xf32, #tpu.memory_space<vmem>>, vector<1x16xf32>,
        %parallel_loop3A_269 = arith.index_cast %parallel_loop3A_184 : i32 to index
        %parallel_loop3A_270 = arith.constant 96 : index
        %parallel_loop3A_271 = tpu.vector_load %arg9[%parallel_loop3A_269, %parallel_loop3A_270] {strides = array<i32>} : memref<200x128xf32, #tpu.memory_space<vmem>>, vector<1x16xf32>,
        %parallel_loop3A_272 = vector.shape_cast %parallel_loop3A_271 : vector<1x16xf32> to vector<16xf32>
        %parallel_loop3A_273 = arith.index_cast %parallel_loop3A_184 : i32 to index
        %parallel_loop3A_274 = arith.constant 96 : index
        %parallel_loop3A_275 = tpu.vector_load %arg10[%parallel_loop3A_273, %parallel_loop3A_274] {strides = array<i32>} : memref<200x128xf32, #tpu.memory_space<vmem>>, vector<1x16xf32>,
        %parallel_loop3A_276 = vector.shape_cast %parallel_loop3A_275 : vector<1x16xf32> to vector<16xf32>
        %parallel_loop3A_277 = arith.addf %parallel_loop3A_272, %parallel_loop3A_276 : vector<16xf32>
        %parallel_loop3A_278 = arith.index_cast %parallel_loop3A_184 : i32 to index
        %parallel_loop3A_279 = arith.constant 96 : index
        %parallel_loop3A_280 = tpu.vector_load %arg9[%parallel_loop3A_278, %parallel_loop3A_279] {strides = array<i32>} : memref<200x128xf32, #tpu.memory_space<vmem>>, vector<1x16xf32>,
        %parallel_loop3A_281 = vector.shape_cast %parallel_loop3A_280 : vector<1x16xf32> to vector<16xf32>
        %parallel_loop3A_282 = vector.shape_cast %parallel_loop3A_277 : vector<16xf32> to vector<1x16xf32>
        tpu.vector_store %arg9[%parallel_loop3A_278, %parallel_loop3A_279], %parallel_loop3A_282 {strides = array<i32>} : memref<200x128xf32, #tpu.memory_space<vmem>>, vector<1x16xf32>,
        %parallel_loop3A_283 = arith.index_cast %parallel_loop3A_184 : i32 to index
        %parallel_loop3A_284 = arith.constant 112 : index
        %parallel_loop3A_285 = tpu.vector_load %arg9[%parallel_loop3A_283, %parallel_loop3A_284] {strides = array<i32>} : memref<200x128xf32, #tpu.memory_space<vmem>>, vector<1x16xf32>,
        %parallel_loop3A_286 = vector.shape_cast %parallel_loop3A_285 : vector<1x16xf32> to vector<16xf32>
        %parallel_loop3A_287 = arith.index_cast %parallel_loop3A_184 : i32 to index
        %parallel_loop3A_288 = arith.constant 112 : index
        %parallel_loop3A_289 = tpu.vector_load %arg10[%parallel_loop3A_287, %parallel_loop3A_288] {strides = array<i32>} : memref<200x128xf32, #tpu.memory_space<vmem>>, vector<1x16xf32>,
        %parallel_loop3A_290 = vector.shape_cast %parallel_loop3A_289 : vector<1x16xf32> to vector<16xf32>
        %parallel_loop3A_291 = arith.addf %parallel_loop3A_286, %parallel_loop3A_290 : vector<16xf32>
        %parallel_loop3A_292 = arith.index_cast %parallel_loop3A_184 : i32 to index
        %parallel_loop3A_293 = arith.constant 112 : index
        %parallel_loop3A_294 = tpu.vector_load %arg9[%parallel_loop3A_292, %parallel_loop3A_293] {strides = array<i32>} : memref<200x128xf32, #tpu.memory_space<vmem>>, vector<1x16xf32>,
        %parallel_loop3A_295 = vector.shape_cast %parallel_loop3A_294 : vector<1x16xf32> to vector<16xf32>
        %parallel_loop3A_296 = vector.shape_cast %parallel_loop3A_291 : vector<16xf32> to vector<1x16xf32>
        tpu.vector_store %arg9[%parallel_loop3A_292, %parallel_loop3A_293], %parallel_loop3A_296 {strides = array<i32>} : memref<200x128xf32, #tpu.memory_space<vmem>>, vector<1x16xf32>,
      } {sc.loop_unroll_factor = 4 : i64, sc.parallel_access}
      %add3A_172 = arith.constant 128 : i32
      %add3A_173 = arith.addi %mul3A_161, %add3A_172 : i32
      %dma_wait3A_174 = arith.constant 128 : i32
      %dma_wait3A_175 = arith.constant 0 : i32
      %dma_wait3A_176 = tpu.memref_slice %arg9[%dma_wait3A_174, %dma_wait3A_175] : memref<200x128xf32, #tpu.memory_space<vmem>> -> memref<72x128xf32, #tpu.memory_space<vmem>>
      %dma_wait3A_177 = tpu.memref_slice %arg6[%add3A_173] : memref<6400xi32, #tpu.memory_space<vmem>> -> memref<72xi32, #tpu.memory_space<vmem>>
      %dma_wait3A_178 = arith.constant 0 : i32
      %dma_wait3A_179 = arith.constant 0 : i32
      %dma_wait3A_180 = tpu.memref_slice %arg3[%dma_wait3A_178, %dma_wait3A_179] : memref<100000x128xf32, #tpu.memory_space<hbm>> -> memref<100000x128xf32, #tpu.memory_space<hbm>>
      tpu.wait_indirect_dma semaphore(%arg16 : memref<!tpu.dma_semaphore, #tpu.memory_space<semaphore_mem>>) src(%dma_wait3A_180 : memref<100000x128xf32, #tpu.memory_space<hbm>>) dst(%dma_wait3A_176 : memref<72x128xf32, #tpu.memory_space<vmem>>)
      %parallel_loop3A_181 = arith.constant 128 : i32
      %parallel_loop3A_182 = arith.constant 200 : i32
      %parallel_loop3A_183 = arith.constant 1 : i32
      scf.for %parallel_loop3A_184 = %parallel_loop3A_181 to %parallel_loop3A_182 step %parallel_loop3A_183  : i32 {
        %parallel_loop3A_185 = arith.index_cast %parallel_loop3A_184 : i32 to index
        %parallel_loop3A_186 = arith.constant 0 : index
        %parallel_loop3A_187 = tpu.vector_load %arg9[%parallel_loop3A_185, %parallel_loop3A_186] {strides = array<i32>} : memref<200x128xf32, #tpu.memory_space<vmem>>, vector<1x16xf32>,
        %parallel_loop3A_188 = vector.shape_cast %parallel_loop3A_187 : vector<1x16xf32> to vector<16xf32>
        %parallel_loop3A_189 = arith.index_cast %parallel_loop3A_184 : i32 to index
        %parallel_loop3A_190 = arith.constant 0 : index
        %parallel_loop3A_191 = tpu.vector_load %arg10[%parallel_loop3A_189, %parallel_loop3A_190] {strides = array<i32>} : memref<200x128xf32, #tpu.memory_space<vmem>>, vector<1x16xf32>,
        %parallel_loop3A_192 = vector.shape_cast %parallel_loop3A_191 : vector<1x16xf32> to vector<16xf32>
        %parallel_loop3A_193 = arith.addf %parallel_loop3A_188, %parallel_loop3A_192 : vector<16xf32>
        %parallel_loop3A_194 = arith.index_cast %parallel_loop3A_184 : i32 to index
        %parallel_loop3A_195 = arith.constant 0 : index
        %parallel_loop3A_196 = tpu.vector_load %arg9[%parallel_loop3A_194, %parallel_loop3A_195] {strides = array<i32>} : memref<200x128xf32, #tpu.memory_space<vmem>>, vector<1x16xf32>,
        %parallel_loop3A_197 = vector.shape_cast %parallel_loop3A_196 : vector<1x16xf32> to vector<16xf32>
        %parallel_loop3A_198 = vector.shape_cast %parallel_loop3A_193 : vector<16xf32> to vector<1x16xf32>
        tpu.vector_store %arg9[%parallel_loop3A_194, %parallel_loop3A_195], %parallel_loop3A_198 {strides = array<i32>} : memref<200x128xf32, #tpu.memory_space<vmem>>, vector<1x16xf32>,
        %parallel_loop3A_199 = arith.index_cast %parallel_loop3A_184 : i32 to index
        %parallel_loop3A_200 = arith.constant 16 : index
        %parallel_loop3A_201 = tpu.vector_load %arg9[%parallel_loop3A_199, %parallel_loop3A_200] {strides = array<i32>} : memref<200x128xf32, #tpu.memory_space<vmem>>, vector<1x16xf32>,
        %parallel_loop3A_202 = vector.shape_cast %parallel_loop3A_201 : vector<1x16xf32> to vector<16xf32>
        %parallel_loop3A_203 = arith.index_cast %parallel_loop3A_184 : i32 to index
        %parallel_loop3A_204 = arith.constant 16 : index
        %parallel_loop3A_205 = tpu.vector_load %arg10[%parallel_loop3A_203, %parallel_loop3A_204] {strides = array<i32>} : memref<200x128xf32, #tpu.memory_space<vmem>>, vector<1x16xf32>,
        %parallel_loop3A_206 = vector.shape_cast %parallel_loop3A_205 : vector<1x16xf32> to vector<16xf32>
        %parallel_loop3A_207 = arith.addf %parallel_loop3A_202, %parallel_loop3A_206 : vector<16xf32>
        %parallel_loop3A_208 = arith.index_cast %parallel_loop3A_184 : i32 to index
        %parallel_loop3A_209 = arith.constant 16 : index
        %parallel_loop3A_210 = tpu.vector_load %arg9[%parallel_loop3A_208, %parallel_loop3A_209] {strides = array<i32>} : memref<200x128xf32, #tpu.memory_space<vmem>>, vector<1x16xf32>,
        %parallel_loop3A_211 = vector.shape_cast %parallel_loop3A_210 : vector<1x16xf32> to vector<16xf32>
        %parallel_loop3A_212 = vector.shape_cast %parallel_loop3A_207 : vector<16xf32> to vector<1x16xf32>
        tpu.vector_store %arg9[%parallel_loop3A_208, %parallel_loop3A_209], %parallel_loop3A_212 {strides = array<i32>} : memref<200x128xf32, #tpu.memory_space<vmem>>, vector<1x16xf32>,
        %parallel_loop3A_213 = arith.index_cast %parallel_loop3A_184 : i32 to index
        %parallel_loop3A_214 = arith.constant 32 : index
        %parallel_loop3A_215 = tpu.vector_load %arg9[%parallel_loop3A_213, %parallel_loop3A_214] {strides = array<i32>} : memref<200x128xf32, #tpu.memory_space<vmem>>, vector<1x16xf32>,
        %parallel_loop3A_216 = vector.shape_cast %parallel_loop3A_215 : vector<1x16xf32> to vector<16xf32>
        %parallel_loop3A_217 = arith.index_cast %parallel_loop3A_184 : i32 to index
        %parallel_loop3A_218 = arith.constant 32 : index
        %parallel_loop3A_219 = tpu.vector_load %arg10[%parallel_loop3A_217, %parallel_loop3A_218] {strides = array<i32>} : memref<200x128xf32, #tpu.memory_space<vmem>>, vector<1x16xf32>,
        %parallel_loop3A_220 = vector.shape_cast %parallel_loop3A_219 : vector<1x16xf32> to vector<16xf32>
        %parallel_loop3A_221 = arith.addf %parallel_loop3A_216, %parallel_loop3A_220 : vector<16xf32>
        %parallel_loop3A_222 = arith.index_cast %parallel_loop3A_184 : i32 to index
        %parallel_loop3A_223 = arith.constant 32 : index
        %parallel_loop3A_224 = tpu.vector_load %arg9[%parallel_loop3A_222, %parallel_loop3A_223] {strides = array<i32>} : memref<200x128xf32, #tpu.memory_space<vmem>>, vector<1x16xf32>,
        %parallel_loop3A_225 = vector.shape_cast %parallel_loop3A_224 : vector<1x16xf32> to vector<16xf32>
        %parallel_loop3A_226 = vector.shape_cast %parallel_loop3A_221 : vector<16xf32> to vector<1x16xf32>
        tpu.vector_store %arg9[%parallel_loop3A_222, %parallel_loop3A_223], %parallel_loop3A_226 {strides = array<i32>} : memref<200x128xf32, #tpu.memory_space<vmem>>, vector<1x16xf32>,
        %parallel_loop3A_227 = arith.index_cast %parallel_loop3A_184 : i32 to index
        %parallel_loop3A_228 = arith.constant 48 : index
        %parallel_loop3A_229 = tpu.vector_load %arg9[%parallel_loop3A_227, %parallel_loop3A_228] {strides = array<i32>} : memref<200x128xf32, #tpu.memory_space<vmem>>, vector<1x16xf32>,
        %parallel_loop3A_230 = vector.shape_cast %parallel_loop3A_229 : vector<1x16xf32> to vector<16xf32>
        %parallel_loop3A_231 = arith.index_cast %parallel_loop3A_184 : i32 to index
        %parallel_loop3A_232 = arith.constant 48 : index
        %parallel_loop3A_233 = tpu.vector_load %arg10[%parallel_loop3A_231, %parallel_loop3A_232] {strides = array<i32>} : memref<200x128xf32, #tpu.memory_space<vmem>>, vector<1x16xf32>,
        %parallel_loop3A_234 = vector.shape_cast %parallel_loop3A_233 : vector<1x16xf32> to vector<16xf32>
        %parallel_loop3A_235 = arith.addf %parallel_loop3A_230, %parallel_loop3A_234 : vector<16xf32>
        %parallel_loop3A_236 = arith.index_cast %parallel_loop3A_184 : i32 to index
        %parallel_loop3A_237 = arith.constant 48 : index
        %parallel_loop3A_238 = tpu.vector_load %arg9[%parallel_loop3A_236, %parallel_loop3A_237] {strides = array<i32>} : memref<200x128xf32, #tpu.memory_space<vmem>>, vector<1x16xf32>,
        %parallel_loop3A_239 = vector.shape_cast %parallel_loop3A_238 : vector<1x16xf32> to vector<16xf32>
        %parallel_loop3A_240 = vector.shape_cast %parallel_loop3A_235 : vector<16xf32> to vector<1x16xf32>
        tpu.vector_store %arg9[%parallel_loop3A_236, %parallel_loop3A_237], %parallel_loop3A_240 {strides = array<i32>} : memref<200x128xf32, #tpu.memory_space<vmem>>, vector<1x16xf32>,
        %parallel_loop3A_241 = arith.index_cast %parallel_loop3A_184 : i32 to index
        %parallel_loop3A_242 = arith.constant 64 : index
        %parallel_loop3A_243 = tpu.vector_load %arg9[%parallel_loop3A_241, %parallel_loop3A_242] {strides = array<i32>} : memref<200x128xf32, #tpu.memory_space<vmem>>, vector<1x16xf32>,
        %parallel_loop3A_244 = vector.shape_cast %parallel_loop3A_243 : vector<1x16xf32> to vector<16xf32>
        %parallel_loop3A_245 = arith.index_cast %parallel_loop3A_184 : i32 to index
        %parallel_loop3A_246 = arith.constant 64 : index
        %parallel_loop3A_247 = tpu.vector_load %arg10[%parallel_loop3A_245, %parallel_loop3A_246] {strides = array<i32>} : memref<200x128xf32, #tpu.memory_space<vmem>>, vector<1x16xf32>,
        %parallel_loop3A_248 = vector.shape_cast %parallel_loop3A_247 : vector<1x16xf32> to vector<16xf32>
        %parallel_loop3A_249 = arith.addf %parallel_loop3A_244, %parallel_loop3A_248 : vector<16xf32>
        %parallel_loop3A_250 = arith.index_cast %parallel_loop3A_184 : i32 to index
        %parallel_loop3A_251 = arith.constant 64 : index
        %parallel_loop3A_252 = tpu.vector_load %arg9[%parallel_loop3A_250, %parallel_loop3A_251] {strides = array<i32>} : memref<200x128xf32, #tpu.memory_space<vmem>>, vector<1x16xf32>,
        %parallel_loop3A_253 = vector.shape_cast %parallel_loop3A_252 : vector<1x16xf32> to vector<16xf32>
        %parallel_loop3A_254 = vector.shape_cast %parallel_loop3A_249 : vector<16xf32> to vector<1x16xf32>
        tpu.vector_store %arg9[%parallel_loop3A_250, %parallel_loop3A_251], %parallel_loop3A_254 {strides = array<i32>} : memref<200x128xf32, #tpu.memory_space<vmem>>, vector<1x16xf32>,
        %parallel_loop3A_255 = arith.index_cast %parallel_loop3A_184 : i32 to index
        %parallel_loop3A_256 = arith.constant 80 : index
        %parallel_loop3A_257 = tpu.vector_load %arg9[%parallel_loop3A_255, %parallel_loop3A_256] {strides = array<i32>} : memref<200x128xf32, #tpu.memory_space<vmem>>, vector<1x16xf32>,
        %parallel_loop3A_258 = vector.shape_cast %parallel_loop3A_257 : vector<1x16xf32> to vector<16xf32>
        %parallel_loop3A_259 = arith.index_cast %parallel_loop3A_184 : i32 to index
        %parallel_loop3A_260 = arith.constant 80 : index
        %parallel_loop3A_261 = tpu.vector_load %arg10[%parallel_loop3A_259, %parallel_loop3A_260] {strides = array<i32>} : memref<200x128xf32, #tpu.memory_space<vmem>>, vector<1x16xf32>,
        %parallel_loop3A_262 = vector.shape_cast %parallel_loop3A_261 : vector<1x16xf32> to vector<16xf32>
        %parallel_loop3A_263 = arith.addf %parallel_loop3A_258, %parallel_loop3A_262 : vector<16xf32>
        %parallel_loop3A_264 = arith.index_cast %parallel_loop3A_184 : i32 to index
        %parallel_loop3A_265 = arith.constant 80 : index
        %parallel_loop3A_266 = tpu.vector_load %arg9[%parallel_loop3A_264, %parallel_loop3A_265] {strides = array<i32>} : memref<200x128xf32, #tpu.memory_space<vmem>>, vector<1x16xf32>,
        %parallel_loop3A_267 = vector.shape_cast %parallel_loop3A_266 : vector<1x16xf32> to vector<16xf32>
        %parallel_loop3A_268 = vector.shape_cast %parallel_loop3A_263 : vector<16xf32> to vector<1x16xf32>
        tpu.vector_store %arg9[%parallel_loop3A_264, %parallel_loop3A_265], %parallel_loop3A_268 {strides = array<i32>} : memref<200x128xf32, #tpu.memory_space<vmem>>, vector<1x16xf32>,
        %parallel_loop3A_269 = arith.index_cast %parallel_loop3A_184 : i32 to index
        %parallel_loop3A_270 = arith.constant 96 : index
        %parallel_loop3A_271 = tpu.vector_load %arg9[%parallel_loop3A_269, %parallel_loop3A_270] {strides = array<i32>} : memref<200x128xf32, #tpu.memory_space<vmem>>, vector<1x16xf32>,
        %parallel_loop3A_272 = vector.shape_cast %parallel_loop3A_271 : vector<1x16xf32> to vector<16xf32>
        %parallel_loop3A_273 = arith.index_cast %parallel_loop3A_184 : i32 to index
        %parallel_loop3A_274 = arith.constant 96 : index
        %parallel_loop3A_275 = tpu.vector_load %arg10[%parallel_loop3A_273, %parallel_loop3A_274] {strides = array<i32>} : memref<200x128xf32, #tpu.memory_space<vmem>>, vector<1x16xf32>,
        %parallel_loop3A_276 = vector.shape_cast %parallel_loop3A_275 : vector<1x16xf32> to vector<16xf32>
        %parallel_loop3A_277 = arith.addf %parallel_loop3A_272, %parallel_loop3A_276 : vector<16xf32>
        %parallel_loop3A_278 = arith.index_cast %parallel_loop3A_184 : i32 to index
        %parallel_loop3A_279 = arith.constant 96 : index
        %parallel_loop3A_280 = tpu.vector_load %arg9[%parallel_loop3A_278, %parallel_loop3A_279] {strides = array<i32>} : memref<200x128xf32, #tpu.memory_space<vmem>>, vector<1x16xf32>,
        %parallel_loop3A_281 = vector.shape_cast %parallel_loop3A_280 : vector<1x16xf32> to vector<16xf32>
        %parallel_loop3A_282 = vector.shape_cast %parallel_loop3A_277 : vector<16xf32> to vector<1x16xf32>
        tpu.vector_store %arg9[%parallel_loop3A_278, %parallel_loop3A_279], %parallel_loop3A_282 {strides = array<i32>} : memref<200x128xf32, #tpu.memory_space<vmem>>, vector<1x16xf32>,
        %parallel_loop3A_283 = arith.index_cast %parallel_loop3A_184 : i32 to index
        %parallel_loop3A_284 = arith.constant 112 : index
        %parallel_loop3A_285 = tpu.vector_load %arg9[%parallel_loop3A_283, %parallel_loop3A_284] {strides = array<i32>} : memref<200x128xf32, #tpu.memory_space<vmem>>, vector<1x16xf32>,
        %parallel_loop3A_286 = vector.shape_cast %parallel_loop3A_285 : vector<1x16xf32> to vector<16xf32>
        %parallel_loop3A_287 = arith.index_cast %parallel_loop3A_184 : i32 to index
        %parallel_loop3A_288 = arith.constant 112 : index
        %parallel_loop3A_289 = tpu.vector_load %arg10[%parallel_loop3A_287, %parallel_loop3A_288] {strides = array<i32>} : memref<200x128xf32, #tpu.memory_space<vmem>>, vector<1x16xf32>,
        %parallel_loop3A_290 = vector.shape_cast %parallel_loop3A_289 : vector<1x16xf32> to vector<16xf32>
        %parallel_loop3A_291 = arith.addf %parallel_loop3A_286, %parallel_loop3A_290 : vector<16xf32>
        %parallel_loop3A_292 = arith.index_cast %parallel_loop3A_184 : i32 to index
        %parallel_loop3A_293 = arith.constant 112 : index
        %parallel_loop3A_294 = tpu.vector_load %arg9[%parallel_loop3A_292, %parallel_loop3A_293] {strides = array<i32>} : memref<200x128xf32, #tpu.memory_space<vmem>>, vector<1x16xf32>,
        %parallel_loop3A_295 = vector.shape_cast %parallel_loop3A_294 : vector<1x16xf32> to vector<16xf32>
        %parallel_loop3A_296 = vector.shape_cast %parallel_loop3A_291 : vector<16xf32> to vector<1x16xf32>
        tpu.vector_store %arg9[%parallel_loop3A_292, %parallel_loop3A_293], %parallel_loop3A_296 {strides = array<i32>} : memref<200x128xf32, #tpu.memory_space<vmem>>, vector<1x16xf32>,
      } {sc.loop_unroll_factor = 4 : i64, sc.parallel_access}
    }
    %scan3A_22 = arith.constant 10 : i32
    %dma_start3A_23 = arith.constant 0 : i32
    %dma_start3A_24 = arith.constant 0 : i32
    %dma_start3A_25 = tpu.memref_slice %arg8[%dma_start3A_23, %dma_start3A_24] : memref<200x128xf32, #tpu.memory_space<vmem>> -> memref<128x128xf32, #tpu.memory_space<vmem>>
    %dma_start3A_26 = arith.constant 6200 : i32
    %dma_start3A_27 = tpu.memref_slice %arg6[%dma_start3A_26] : memref<6400xi32, #tpu.memory_space<vmem>> -> memref<128xi32, #tpu.memory_space<vmem>>
    %dma_start3A_28 = arith.constant 0 : i32
    %dma_start3A_29 = arith.constant 0 : i32
    %dma_start3A_30 = tpu.memref_slice %arg3[%dma_start3A_28, %dma_start3A_29] : memref<100000x128xf32, #tpu.memory_space<hbm>> -> memref<100000x128xf32, #tpu.memory_space<hbm>>
    tpu.enqueue_indirect_dma source(%dma_start3A_30 : memref<100000x128xf32, #tpu.memory_space<hbm>>) target(%dma_start3A_25 : memref<128x128xf32, #tpu.memory_space<vmem>>) offsets(%dma_start3A_27 : memref<128xi32, #tpu.memory_space<vmem>>) semaphore(%arg12 : memref<!tpu.dma_semaphore, #tpu.memory_space<semaphore_mem>>)
    %dma_start3A_31 = arith.constant 128 : i32
    %dma_start3A_32 = arith.constant 0 : i32
    %dma_start3A_33 = tpu.memref_slice %arg8[%dma_start3A_31, %dma_start3A_32] : memref<200x128xf32, #tpu.memory_space<vmem>> -> memref<72x128xf32, #tpu.memory_space<vmem>>
    %dma_start3A_34 = arith.constant 6328 : i32
    %dma_start3A_35 = tpu.memref_slice %arg6[%dma_start3A_34] : memref<6400xi32, #tpu.memory_space<vmem>> -> memref<72xi32, #tpu.memory_space<vmem>>
    %dma_start3A_36 = arith.constant 0 : i32
    %dma_start3A_37 = arith.constant 0 : i32
    %dma_start3A_38 = tpu.memref_slice %arg3[%dma_start3A_36, %dma_start3A_37] : memref<100000x128xf32, #tpu.memory_space<hbm>> -> memref<100000x128xf32, #tpu.memory_space<hbm>>
    tpu.enqueue_indirect_dma source(%dma_start3A_38 : memref<100000x128xf32, #tpu.memory_space<hbm>>) target(%dma_start3A_33 : memref<72x128xf32, #tpu.memory_space<vmem>>) offsets(%dma_start3A_35 : memref<72xi32, #tpu.memory_space<vmem>>) semaphore(%arg15 : memref<!tpu.dma_semaphore, #tpu.memory_space<semaphore_mem>>)
    %dma_wait3A = arith.constant 0 : i32
    %dma_wait3A_39 = arith.constant 0 : i32
    %dma_wait3A_40 = tpu.memref_slice %arg7[%dma_wait3A, %dma_wait3A_39] : memref<200x128xf32, #tpu.memory_space<vmem>> -> memref<128x128xf32, #tpu.memory_space<vmem>>
    %dma_wait3A_41 = arith.constant 6000 : i32
    %dma_wait3A_42 = tpu.memref_slice %arg6[%dma_wait3A_41] : memref<6400xi32, #tpu.memory_space<vmem>> -> memref<128xi32, #tpu.memory_space<vmem>>
    %dma_wait3A_43 = arith.constant 0 : i32
    %dma_wait3A_44 = arith.constant 0 : i32
    %dma_wait3A_45 = tpu.memref_slice %arg3[%dma_wait3A_43, %dma_wait3A_44] : memref<100000x128xf32, #tpu.memory_space<hbm>> -> memref<100000x128xf32, #tpu.memory_space<hbm>>
    tpu.wait_indirect_dma semaphore(%arg11 : memref<!tpu.dma_semaphore, #tpu.memory_space<semaphore_mem>>) src(%dma_wait3A_45 : memref<100000x128xf32, #tpu.memory_space<hbm>>) dst(%dma_wait3A_40 : memref<128x128xf32, #tpu.memory_space<vmem>>)
    %parallel_loop3A = arith.constant 0 : i32
    %parallel_loop3A_46 = arith.constant 128 : i32
    %parallel_loop3A_47 = arith.constant 1 : i32
    scf.for %parallel_loop3A_81 = %parallel_loop3A to %parallel_loop3A_46 step %parallel_loop3A_47  : i32 {
      %parallel_loop3A_82 = arith.index_cast %parallel_loop3A_81 : i32 to index
      %parallel_loop3A_83 = arith.constant 0 : index
      %parallel_loop3A_84 = tpu.vector_load %arg7[%parallel_loop3A_82, %parallel_loop3A_83] {strides = array<i32>} : memref<200x128xf32, #tpu.memory_space<vmem>>, vector<1x16xf32>,
      %parallel_loop3A_85 = vector.shape_cast %parallel_loop3A_84 : vector<1x16xf32> to vector<16xf32>
      %parallel_loop3A_86 = arith.index_cast %parallel_loop3A_81 : i32 to index
      %parallel_loop3A_87 = arith.constant 0 : index
      %parallel_loop3A_88 = tpu.vector_load %arg10[%parallel_loop3A_86, %parallel_loop3A_87] {strides = array<i32>} : memref<200x128xf32, #tpu.memory_space<vmem>>, vector<1x16xf32>,
      %parallel_loop3A_89 = vector.shape_cast %parallel_loop3A_88 : vector<1x16xf32> to vector<16xf32>
      %parallel_loop3A_90 = arith.addf %parallel_loop3A_85, %parallel_loop3A_89 : vector<16xf32>
      %parallel_loop3A_91 = arith.index_cast %parallel_loop3A_81 : i32 to index
      %parallel_loop3A_92 = arith.constant 0 : index
      %parallel_loop3A_93 = tpu.vector_load %arg7[%parallel_loop3A_91, %parallel_loop3A_92] {strides = array<i32>} : memref<200x128xf32, #tpu.memory_space<vmem>>, vector<1x16xf32>,
      %parallel_loop3A_94 = vector.shape_cast %parallel_loop3A_93 : vector<1x16xf32> to vector<16xf32>
      %parallel_loop3A_95 = vector.shape_cast %parallel_loop3A_90 : vector<16xf32> to vector<1x16xf32>
      tpu.vector_store %arg7[%parallel_loop3A_91, %parallel_loop3A_92], %parallel_loop3A_95 {strides = array<i32>} : memref<200x128xf32, #tpu.memory_space<vmem>>, vector<1x16xf32>,
      %parallel_loop3A_96 = arith.index_cast %parallel_loop3A_81 : i32 to index
      %parallel_loop3A_97 = arith.constant 16 : index
      %parallel_loop3A_98 = tpu.vector_load %arg7[%parallel_loop3A_96, %parallel_loop3A_97] {strides = array<i32>} : memref<200x128xf32, #tpu.memory_space<vmem>>, vector<1x16xf32>,
      %parallel_loop3A_99 = vector.shape_cast %parallel_loop3A_98 : vector<1x16xf32> to vector<16xf32>
      %parallel_loop3A_100 = arith.index_cast %parallel_loop3A_81 : i32 to index
      %parallel_loop3A_101 = arith.constant 16 : index
      %parallel_loop3A_102 = tpu.vector_load %arg10[%parallel_loop3A_100, %parallel_loop3A_101] {strides = array<i32>} : memref<200x128xf32, #tpu.memory_space<vmem>>, vector<1x16xf32>,
      %parallel_loop3A_103 = vector.shape_cast %parallel_loop3A_102 : vector<1x16xf32> to vector<16xf32>
      %parallel_loop3A_104 = arith.addf %parallel_loop3A_99, %parallel_loop3A_103 : vector<16xf32>
      %parallel_loop3A_105 = arith.index_cast %parallel_loop3A_81 : i32 to index
      %parallel_loop3A_106 = arith.constant 16 : index
      %parallel_loop3A_107 = tpu.vector_load %arg7[%parallel_loop3A_105, %parallel_loop3A_106] {strides = array<i32>} : memref<200x128xf32, #tpu.memory_space<vmem>>, vector<1x16xf32>,
      %parallel_loop3A_108 = vector.shape_cast %parallel_loop3A_107 : vector<1x16xf32> to vector<16xf32>
      %parallel_loop3A_109 = vector.shape_cast %parallel_loop3A_104 : vector<16xf32> to vector<1x16xf32>
      tpu.vector_store %arg7[%parallel_loop3A_105, %parallel_loop3A_106], %parallel_loop3A_109 {strides = array<i32>} : memref<200x128xf32, #tpu.memory_space<vmem>>, vector<1x16xf32>,
      %parallel_loop3A_110 = arith.index_cast %parallel_loop3A_81 : i32 to index
      %parallel_loop3A_111 = arith.constant 32 : index
      %parallel_loop3A_112 = tpu.vector_load %arg7[%parallel_loop3A_110, %parallel_loop3A_111] {strides = array<i32>} : memref<200x128xf32, #tpu.memory_space<vmem>>, vector<1x16xf32>,
      %parallel_loop3A_113 = vector.shape_cast %parallel_loop3A_112 : vector<1x16xf32> to vector<16xf32>
      %parallel_loop3A_114 = arith.index_cast %parallel_loop3A_81 : i32 to index
      %parallel_loop3A_115 = arith.constant 32 : index
      %parallel_loop3A_116 = tpu.vector_load %arg10[%parallel_loop3A_114, %parallel_loop3A_115] {strides = array<i32>} : memref<200x128xf32, #tpu.memory_space<vmem>>, vector<1x16xf32>,
      %parallel_loop3A_117 = vector.shape_cast %parallel_loop3A_116 : vector<1x16xf32> to vector<16xf32>
      %parallel_loop3A_118 = arith.addf %parallel_loop3A_113, %parallel_loop3A_117 : vector<16xf32>
      %parallel_loop3A_119 = arith.index_cast %parallel_loop3A_81 : i32 to index
      %parallel_loop3A_120 = arith.constant 32 : index
      %parallel_loop3A_121 = tpu.vector_load %arg7[%parallel_loop3A_119, %parallel_loop3A_120] {strides = array<i32>} : memref<200x128xf32, #tpu.memory_space<vmem>>, vector<1x16xf32>,
      %parallel_loop3A_122 = vector.shape_cast %parallel_loop3A_121 : vector<1x16xf32> to vector<16xf32>
      %parallel_loop3A_123 = vector.shape_cast %parallel_loop3A_118 : vector<16xf32> to vector<1x16xf32>
      tpu.vector_store %arg7[%parallel_loop3A_119, %parallel_loop3A_120], %parallel_loop3A_123 {strides = array<i32>} : memref<200x128xf32, #tpu.memory_space<vmem>>, vector<1x16xf32>,
      %parallel_loop3A_124 = arith.index_cast %parallel_loop3A_81 : i32 to index
      %parallel_loop3A_125 = arith.constant 48 : index
      %parallel_loop3A_126 = tpu.vector_load %arg7[%parallel_loop3A_124, %parallel_loop3A_125] {strides = array<i32>} : memref<200x128xf32, #tpu.memory_space<vmem>>, vector<1x16xf32>,
      %parallel_loop3A_127 = vector.shape_cast %parallel_loop3A_126 : vector<1x16xf32> to vector<16xf32>
      %parallel_loop3A_128 = arith.index_cast %parallel_loop3A_81 : i32 to index
      %parallel_loop3A_129 = arith.constant 48 : index
      %parallel_loop3A_130 = tpu.vector_load %arg10[%parallel_loop3A_128, %parallel_loop3A_129] {strides = array<i32>} : memref<200x128xf32, #tpu.memory_space<vmem>>, vector<1x16xf32>,
      %parallel_loop3A_131 = vector.shape_cast %parallel_loop3A_130 : vector<1x16xf32> to vector<16xf32>
      %parallel_loop3A_132 = arith.addf %parallel_loop3A_127, %parallel_loop3A_131 : vector<16xf32>
      %parallel_loop3A_133 = arith.index_cast %parallel_loop3A_81 : i32 to index
      %parallel_loop3A_134 = arith.constant 48 : index
      %parallel_loop3A_135 = tpu.vector_load %arg7[%parallel_loop3A_133, %parallel_loop3A_134] {strides = array<i32>} : memref<200x128xf32, #tpu.memory_space<vmem>>, vector<1x16xf32>,
      %parallel_loop3A_136 = vector.shape_cast %parallel_loop3A_135 : vector<1x16xf32> to vector<16xf32>
      %parallel_loop3A_137 = vector.shape_cast %parallel_loop3A_132 : vector<16xf32> to vector<1x16xf32>
      tpu.vector_store %arg7[%parallel_loop3A_133, %parallel_loop3A_134], %parallel_loop3A_137 {strides = array<i32>} : memref<200x128xf32, #tpu.memory_space<vmem>>, vector<1x16xf32>,
      %parallel_loop3A_138 = arith.index_cast %parallel_loop3A_81 : i32 to index
      %parallel_loop3A_139 = arith.constant 64 : index
      %parallel_loop3A_140 = tpu.vector_load %arg7[%parallel_loop3A_138, %parallel_loop3A_139] {strides = array<i32>} : memref<200x128xf32, #tpu.memory_space<vmem>>, vector<1x16xf32>,
      %parallel_loop3A_141 = vector.shape_cast %parallel_loop3A_140 : vector<1x16xf32> to vector<16xf32>
      %parallel_loop3A_142 = arith.index_cast %parallel_loop3A_81 : i32 to index
      %parallel_loop3A_143 = arith.constant 64 : index
      %parallel_loop3A_144 = tpu.vector_load %arg10[%parallel_loop3A_142, %parallel_loop3A_143] {strides = array<i32>} : memref<200x128xf32, #tpu.memory_space<vmem>>, vector<1x16xf32>,
      %parallel_loop3A_145 = vector.shape_cast %parallel_loop3A_144 : vector<1x16xf32> to vector<16xf32>
      %parallel_loop3A_146 = arith.addf %parallel_loop3A_141, %parallel_loop3A_145 : vector<16xf32>
      %parallel_loop3A_147 = arith.index_cast %parallel_loop3A_81 : i32 to index
      %parallel_loop3A_148 = arith.constant 64 : index
      %parallel_loop3A_149 = tpu.vector_load %arg7[%parallel_loop3A_147, %parallel_loop3A_148] {strides = array<i32>} : memref<200x128xf32, #tpu.memory_space<vmem>>, vector<1x16xf32>,
      %parallel_loop3A_150 = vector.shape_cast %parallel_loop3A_149 : vector<1x16xf32> to vector<16xf32>
      %parallel_loop3A_151 = vector.shape_cast %parallel_loop3A_146 : vector<16xf32> to vector<1x16xf32>
      tpu.vector_store %arg7[%parallel_loop3A_147, %parallel_loop3A_148], %parallel_loop3A_151 {strides = array<i32>} : memref<200x128xf32, #tpu.memory_space<vmem>>, vector<1x16xf32>,
      %parallel_loop3A_152 = arith.index_cast %parallel_loop3A_81 : i32 to index
      %parallel_loop3A_153 = arith.constant 80 : index
      %parallel_loop3A_154 = tpu.vector_load %arg7[%parallel_loop3A_152, %parallel_loop3A_153] {strides = array<i32>} : memref<200x128xf32, #tpu.memory_space<vmem>>, vector<1x16xf32>,
      %parallel_loop3A_155 = vector.shape_cast %parallel_loop3A_154 : vector<1x16xf32> to vector<16xf32>
      %parallel_loop3A_156 = arith.index_cast %parallel_loop3A_81 : i32 to index
      %parallel_loop3A_157 = arith.constant 80 : index
      %parallel_loop3A_158 = tpu.vector_load %arg10[%parallel_loop3A_156, %parallel_loop3A_157] {strides = array<i32>} : memref<200x128xf32, #tpu.memory_space<vmem>>, vector<1x16xf32>,
      %parallel_loop3A_159 = vector.shape_cast %parallel_loop3A_158 : vector<1x16xf32> to vector<16xf32>
      %parallel_loop3A_160 = arith.addf %parallel_loop3A_155, %parallel_loop3A_159 : vector<16xf32>
      %parallel_loop3A_161 = arith.index_cast %parallel_loop3A_81 : i32 to index
      %parallel_loop3A_162 = arith.constant 80 : index
      %parallel_loop3A_163 = tpu.vector_load %arg7[%parallel_loop3A_161, %parallel_loop3A_162] {strides = array<i32>} : memref<200x128xf32, #tpu.memory_space<vmem>>, vector<1x16xf32>,
      %parallel_loop3A_164 = vector.shape_cast %parallel_loop3A_163 : vector<1x16xf32> to vector<16xf32>
      %parallel_loop3A_165 = vector.shape_cast %parallel_loop3A_160 : vector<16xf32> to vector<1x16xf32>
      tpu.vector_store %arg7[%parallel_loop3A_161, %parallel_loop3A_162], %parallel_loop3A_165 {strides = array<i32>} : memref<200x128xf32, #tpu.memory_space<vmem>>, vector<1x16xf32>,
      %parallel_loop3A_166 = arith.index_cast %parallel_loop3A_81 : i32 to index
      %parallel_loop3A_167 = arith.constant 96 : index
      %parallel_loop3A_168 = tpu.vector_load %arg7[%parallel_loop3A_166, %parallel_loop3A_167] {strides = array<i32>} : memref<200x128xf32, #tpu.memory_space<vmem>>, vector<1x16xf32>,
      %parallel_loop3A_169 = vector.shape_cast %parallel_loop3A_168 : vector<1x16xf32> to vector<16xf32>
      %parallel_loop3A_170 = arith.index_cast %parallel_loop3A_81 : i32 to index
      %parallel_loop3A_171 = arith.constant 96 : index
      %parallel_loop3A_172 = tpu.vector_load %arg10[%parallel_loop3A_170, %parallel_loop3A_171] {strides = array<i32>} : memref<200x128xf32, #tpu.memory_space<vmem>>, vector<1x16xf32>,
      %parallel_loop3A_173 = vector.shape_cast %parallel_loop3A_172 : vector<1x16xf32> to vector<16xf32>
      %parallel_loop3A_174 = arith.addf %parallel_loop3A_169, %parallel_loop3A_173 : vector<16xf32>
      %parallel_loop3A_175 = arith.index_cast %parallel_loop3A_81 : i32 to index
      %parallel_loop3A_176 = arith.constant 96 : index
      %parallel_loop3A_177 = tpu.vector_load %arg7[%parallel_loop3A_175, %parallel_loop3A_176] {strides = array<i32>} : memref<200x128xf32, #tpu.memory_space<vmem>>, vector<1x16xf32>,
      %parallel_loop3A_178 = vector.shape_cast %parallel_loop3A_177 : vector<1x16xf32> to vector<16xf32>
      %parallel_loop3A_179 = vector.shape_cast %parallel_loop3A_174 : vector<16xf32> to vector<1x16xf32>
      tpu.vector_store %arg7[%parallel_loop3A_175, %parallel_loop3A_176], %parallel_loop3A_179 {strides = array<i32>} : memref<200x128xf32, #tpu.memory_space<vmem>>, vector<1x16xf32>,
      %parallel_loop3A_180 = arith.index_cast %parallel_loop3A_81 : i32 to index
      %parallel_loop3A_181 = arith.constant 112 : index
      %parallel_loop3A_182 = tpu.vector_load %arg7[%parallel_loop3A_180, %parallel_loop3A_181] {strides = array<i32>} : memref<200x128xf32, #tpu.memory_space<vmem>>, vector<1x16xf32>,
      %parallel_loop3A_183 = vector.shape_cast %parallel_loop3A_182 : vector<1x16xf32> to vector<16xf32>
      %parallel_loop3A_184 = arith.index_cast %parallel_loop3A_81 : i32 to index
      %parallel_loop3A_185 = arith.constant 112 : index
      %parallel_loop3A_186 = tpu.vector_load %arg10[%parallel_loop3A_184, %parallel_loop3A_185] {strides = array<i32>} : memref<200x128xf32, #tpu.memory_space<vmem>>, vector<1x16xf32>,
      %parallel_loop3A_187 = vector.shape_cast %parallel_loop3A_186 : vector<1x16xf32> to vector<16xf32>
      %parallel_loop3A_188 = arith.addf %parallel_loop3A_183, %parallel_loop3A_187 : vector<16xf32>
      %parallel_loop3A_189 = arith.index_cast %parallel_loop3A_81 : i32 to index
      %parallel_loop3A_190 = arith.constant 112 : index
      %parallel_loop3A_191 = tpu.vector_load %arg7[%parallel_loop3A_189, %parallel_loop3A_190] {strides = array<i32>} : memref<200x128xf32, #tpu.memory_space<vmem>>, vector<1x16xf32>,
      %parallel_loop3A_192 = vector.shape_cast %parallel_loop3A_191 : vector<1x16xf32> to vector<16xf32>
      %parallel_loop3A_193 = vector.shape_cast %parallel_loop3A_188 : vector<16xf32> to vector<1x16xf32>
      tpu.vector_store %arg7[%parallel_loop3A_189, %parallel_loop3A_190], %parallel_loop3A_193 {strides = array<i32>} : memref<200x128xf32, #tpu.memory_space<vmem>>, vector<1x16xf32>,
    } {sc.loop_unroll_factor = 4 : i64, sc.parallel_access}
    %dma_wait3A_48 = arith.constant 128 : i32
    %dma_wait3A_49 = arith.constant 0 : i32
    %dma_wait3A_50 = tpu.memref_slice %arg7[%dma_wait3A_48, %dma_wait3A_49] : memref<200x128xf32, #tpu.memory_space<vmem>> -> memref<72x128xf32, #tpu.memory_space<vmem>>
    %dma_wait3A_51 = arith.constant 6128 : i32
    %dma_wait3A_52 = tpu.memref_slice %arg6[%dma_wait3A_51] : memref<6400xi32, #tpu.memory_space<vmem>> -> memref<72xi32, #tpu.memory_space<vmem>>
    %dma_wait3A_53 = arith.constant 0 : i32
    %dma_wait3A_54 = arith.constant 0 : i32
    %dma_wait3A_55 = tpu.memref_slice %arg3[%dma_wait3A_53, %dma_wait3A_54] : memref<100000x128xf32, #tpu.memory_space<hbm>> -> memref<100000x128xf32, #tpu.memory_space<hbm>>
    tpu.wait_indirect_dma semaphore(%arg14 : memref<!tpu.dma_semaphore, #tpu.memory_space<semaphore_mem>>) src(%dma_wait3A_55 : memref<100000x128xf32, #tpu.memory_space<hbm>>) dst(%dma_wait3A_50 : memref<72x128xf32, #tpu.memory_space<vmem>>)
    %parallel_loop3A_56 = arith.constant 128 : i32
    %parallel_loop3A_57 = arith.constant 200 : i32
    %parallel_loop3A_58 = arith.constant 1 : i32
    scf.for %parallel_loop3A_81 = %parallel_loop3A_56 to %parallel_loop3A_57 step %parallel_loop3A_58  : i32 {
      %parallel_loop3A_82 = arith.index_cast %parallel_loop3A_81 : i32 to index
      %parallel_loop3A_83 = arith.constant 0 : index
      %parallel_loop3A_84 = tpu.vector_load %arg7[%parallel_loop3A_82, %parallel_loop3A_83] {strides = array<i32>} : memref<200x128xf32, #tpu.memory_space<vmem>>, vector<1x16xf32>,
      %parallel_loop3A_85 = vector.shape_cast %parallel_loop3A_84 : vector<1x16xf32> to vector<16xf32>
      %parallel_loop3A_86 = arith.index_cast %parallel_loop3A_81 : i32 to index
      %parallel_loop3A_87 = arith.constant 0 : index
      %parallel_loop3A_88 = tpu.vector_load %arg10[%parallel_loop3A_86, %parallel_loop3A_87] {strides = array<i32>} : memref<200x128xf32, #tpu.memory_space<vmem>>, vector<1x16xf32>,
      %parallel_loop3A_89 = vector.shape_cast %parallel_loop3A_88 : vector<1x16xf32> to vector<16xf32>
      %parallel_loop3A_90 = arith.addf %parallel_loop3A_85, %parallel_loop3A_89 : vector<16xf32>
      %parallel_loop3A_91 = arith.index_cast %parallel_loop3A_81 : i32 to index
      %parallel_loop3A_92 = arith.constant 0 : index
      %parallel_loop3A_93 = tpu.vector_load %arg7[%parallel_loop3A_91, %parallel_loop3A_92] {strides = array<i32>} : memref<200x128xf32, #tpu.memory_space<vmem>>, vector<1x16xf32>,
      %parallel_loop3A_94 = vector.shape_cast %parallel_loop3A_93 : vector<1x16xf32> to vector<16xf32>
      %parallel_loop3A_95 = vector.shape_cast %parallel_loop3A_90 : vector<16xf32> to vector<1x16xf32>
      tpu.vector_store %arg7[%parallel_loop3A_91, %parallel_loop3A_92], %parallel_loop3A_95 {strides = array<i32>} : memref<200x128xf32, #tpu.memory_space<vmem>>, vector<1x16xf32>,
      %parallel_loop3A_96 = arith.index_cast %parallel_loop3A_81 : i32 to index
      %parallel_loop3A_97 = arith.constant 16 : index
      %parallel_loop3A_98 = tpu.vector_load %arg7[%parallel_loop3A_96, %parallel_loop3A_97] {strides = array<i32>} : memref<200x128xf32, #tpu.memory_space<vmem>>, vector<1x16xf32>,
      %parallel_loop3A_99 = vector.shape_cast %parallel_loop3A_98 : vector<1x16xf32> to vector<16xf32>
      %parallel_loop3A_100 = arith.index_cast %parallel_loop3A_81 : i32 to index
      %parallel_loop3A_101 = arith.constant 16 : index
      %parallel_loop3A_102 = tpu.vector_load %arg10[%parallel_loop3A_100, %parallel_loop3A_101] {strides = array<i32>} : memref<200x128xf32, #tpu.memory_space<vmem>>, vector<1x16xf32>,
      %parallel_loop3A_103 = vector.shape_cast %parallel_loop3A_102 : vector<1x16xf32> to vector<16xf32>
      %parallel_loop3A_104 = arith.addf %parallel_loop3A_99, %parallel_loop3A_103 : vector<16xf32>
      %parallel_loop3A_105 = arith.index_cast %parallel_loop3A_81 : i32 to index
      %parallel_loop3A_106 = arith.constant 16 : index
      %parallel_loop3A_107 = tpu.vector_load %arg7[%parallel_loop3A_105, %parallel_loop3A_106] {strides = array<i32>} : memref<200x128xf32, #tpu.memory_space<vmem>>, vector<1x16xf32>,
      %parallel_loop3A_108 = vector.shape_cast %parallel_loop3A_107 : vector<1x16xf32> to vector<16xf32>
      %parallel_loop3A_109 = vector.shape_cast %parallel_loop3A_104 : vector<16xf32> to vector<1x16xf32>
      tpu.vector_store %arg7[%parallel_loop3A_105, %parallel_loop3A_106], %parallel_loop3A_109 {strides = array<i32>} : memref<200x128xf32, #tpu.memory_space<vmem>>, vector<1x16xf32>,
      %parallel_loop3A_110 = arith.index_cast %parallel_loop3A_81 : i32 to index
      %parallel_loop3A_111 = arith.constant 32 : index
      %parallel_loop3A_112 = tpu.vector_load %arg7[%parallel_loop3A_110, %parallel_loop3A_111] {strides = array<i32>} : memref<200x128xf32, #tpu.memory_space<vmem>>, vector<1x16xf32>,
      %parallel_loop3A_113 = vector.shape_cast %parallel_loop3A_112 : vector<1x16xf32> to vector<16xf32>
      %parallel_loop3A_114 = arith.index_cast %parallel_loop3A_81 : i32 to index
      %parallel_loop3A_115 = arith.constant 32 : index
      %parallel_loop3A_116 = tpu.vector_load %arg10[%parallel_loop3A_114, %parallel_loop3A_115] {strides = array<i32>} : memref<200x128xf32, #tpu.memory_space<vmem>>, vector<1x16xf32>,
      %parallel_loop3A_117 = vector.shape_cast %parallel_loop3A_116 : vector<1x16xf32> to vector<16xf32>
      %parallel_loop3A_118 = arith.addf %parallel_loop3A_113, %parallel_loop3A_117 : vector<16xf32>
      %parallel_loop3A_119 = arith.index_cast %parallel_loop3A_81 : i32 to index
      %parallel_loop3A_120 = arith.constant 32 : index
      %parallel_loop3A_121 = tpu.vector_load %arg7[%parallel_loop3A_119, %parallel_loop3A_120] {strides = array<i32>} : memref<200x128xf32, #tpu.memory_space<vmem>>, vector<1x16xf32>,
      %parallel_loop3A_122 = vector.shape_cast %parallel_loop3A_121 : vector<1x16xf32> to vector<16xf32>
      %parallel_loop3A_123 = vector.shape_cast %parallel_loop3A_118 : vector<16xf32> to vector<1x16xf32>
      tpu.vector_store %arg7[%parallel_loop3A_119, %parallel_loop3A_120], %parallel_loop3A_123 {strides = array<i32>} : memref<200x128xf32, #tpu.memory_space<vmem>>, vector<1x16xf32>,
      %parallel_loop3A_124 = arith.index_cast %parallel_loop3A_81 : i32 to index
      %parallel_loop3A_125 = arith.constant 48 : index
      %parallel_loop3A_126 = tpu.vector_load %arg7[%parallel_loop3A_124, %parallel_loop3A_125] {strides = array<i32>} : memref<200x128xf32, #tpu.memory_space<vmem>>, vector<1x16xf32>,
      %parallel_loop3A_127 = vector.shape_cast %parallel_loop3A_126 : vector<1x16xf32> to vector<16xf32>
      %parallel_loop3A_128 = arith.index_cast %parallel_loop3A_81 : i32 to index
      %parallel_loop3A_129 = arith.constant 48 : index
      %parallel_loop3A_130 = tpu.vector_load %arg10[%parallel_loop3A_128, %parallel_loop3A_129] {strides = array<i32>} : memref<200x128xf32, #tpu.memory_space<vmem>>, vector<1x16xf32>,
      %parallel_loop3A_131 = vector.shape_cast %parallel_loop3A_130 : vector<1x16xf32> to vector<16xf32>
      %parallel_loop3A_132 = arith.addf %parallel_loop3A_127, %parallel_loop3A_131 : vector<16xf32>
      %parallel_loop3A_133 = arith.index_cast %parallel_loop3A_81 : i32 to index
      %parallel_loop3A_134 = arith.constant 48 : index
      %parallel_loop3A_135 = tpu.vector_load %arg7[%parallel_loop3A_133, %parallel_loop3A_134] {strides = array<i32>} : memref<200x128xf32, #tpu.memory_space<vmem>>, vector<1x16xf32>,
      %parallel_loop3A_136 = vector.shape_cast %parallel_loop3A_135 : vector<1x16xf32> to vector<16xf32>
      %parallel_loop3A_137 = vector.shape_cast %parallel_loop3A_132 : vector<16xf32> to vector<1x16xf32>
      tpu.vector_store %arg7[%parallel_loop3A_133, %parallel_loop3A_134], %parallel_loop3A_137 {strides = array<i32>} : memref<200x128xf32, #tpu.memory_space<vmem>>, vector<1x16xf32>,
      %parallel_loop3A_138 = arith.index_cast %parallel_loop3A_81 : i32 to index
      %parallel_loop3A_139 = arith.constant 64 : index
      %parallel_loop3A_140 = tpu.vector_load %arg7[%parallel_loop3A_138, %parallel_loop3A_139] {strides = array<i32>} : memref<200x128xf32, #tpu.memory_space<vmem>>, vector<1x16xf32>,
      %parallel_loop3A_141 = vector.shape_cast %parallel_loop3A_140 : vector<1x16xf32> to vector<16xf32>
      %parallel_loop3A_142 = arith.index_cast %parallel_loop3A_81 : i32 to index
      %parallel_loop3A_143 = arith.constant 64 : index
      %parallel_loop3A_144 = tpu.vector_load %arg10[%parallel_loop3A_142, %parallel_loop3A_143] {strides = array<i32>} : memref<200x128xf32, #tpu.memory_space<vmem>>, vector<1x16xf32>,
      %parallel_loop3A_145 = vector.shape_cast %parallel_loop3A_144 : vector<1x16xf32> to vector<16xf32>
      %parallel_loop3A_146 = arith.addf %parallel_loop3A_141, %parallel_loop3A_145 : vector<16xf32>
      %parallel_loop3A_147 = arith.index_cast %parallel_loop3A_81 : i32 to index
      %parallel_loop3A_148 = arith.constant 64 : index
      %parallel_loop3A_149 = tpu.vector_load %arg7[%parallel_loop3A_147, %parallel_loop3A_148] {strides = array<i32>} : memref<200x128xf32, #tpu.memory_space<vmem>>, vector<1x16xf32>,
      %parallel_loop3A_150 = vector.shape_cast %parallel_loop3A_149 : vector<1x16xf32> to vector<16xf32>
      %parallel_loop3A_151 = vector.shape_cast %parallel_loop3A_146 : vector<16xf32> to vector<1x16xf32>
      tpu.vector_store %arg7[%parallel_loop3A_147, %parallel_loop3A_148], %parallel_loop3A_151 {strides = array<i32>} : memref<200x128xf32, #tpu.memory_space<vmem>>, vector<1x16xf32>,
      %parallel_loop3A_152 = arith.index_cast %parallel_loop3A_81 : i32 to index
      %parallel_loop3A_153 = arith.constant 80 : index
      %parallel_loop3A_154 = tpu.vector_load %arg7[%parallel_loop3A_152, %parallel_loop3A_153] {strides = array<i32>} : memref<200x128xf32, #tpu.memory_space<vmem>>, vector<1x16xf32>,
      %parallel_loop3A_155 = vector.shape_cast %parallel_loop3A_154 : vector<1x16xf32> to vector<16xf32>
      %parallel_loop3A_156 = arith.index_cast %parallel_loop3A_81 : i32 to index
      %parallel_loop3A_157 = arith.constant 80 : index
      %parallel_loop3A_158 = tpu.vector_load %arg10[%parallel_loop3A_156, %parallel_loop3A_157] {strides = array<i32>} : memref<200x128xf32, #tpu.memory_space<vmem>>, vector<1x16xf32>,
      %parallel_loop3A_159 = vector.shape_cast %parallel_loop3A_158 : vector<1x16xf32> to vector<16xf32>
      %parallel_loop3A_160 = arith.addf %parallel_loop3A_155, %parallel_loop3A_159 : vector<16xf32>
      %parallel_loop3A_161 = arith.index_cast %parallel_loop3A_81 : i32 to index
      %parallel_loop3A_162 = arith.constant 80 : index
      %parallel_loop3A_163 = tpu.vector_load %arg7[%parallel_loop3A_161, %parallel_loop3A_162] {strides = array<i32>} : memref<200x128xf32, #tpu.memory_space<vmem>>, vector<1x16xf32>,
      %parallel_loop3A_164 = vector.shape_cast %parallel_loop3A_163 : vector<1x16xf32> to vector<16xf32>
      %parallel_loop3A_165 = vector.shape_cast %parallel_loop3A_160 : vector<16xf32> to vector<1x16xf32>
      tpu.vector_store %arg7[%parallel_loop3A_161, %parallel_loop3A_162], %parallel_loop3A_165 {strides = array<i32>} : memref<200x128xf32, #tpu.memory_space<vmem>>, vector<1x16xf32>,
      %parallel_loop3A_166 = arith.index_cast %parallel_loop3A_81 : i32 to index
      %parallel_loop3A_167 = arith.constant 96 : index
      %parallel_loop3A_168 = tpu.vector_load %arg7[%parallel_loop3A_166, %parallel_loop3A_167] {strides = array<i32>} : memref<200x128xf32, #tpu.memory_space<vmem>>, vector<1x16xf32>,
      %parallel_loop3A_169 = vector.shape_cast %parallel_loop3A_168 : vector<1x16xf32> to vector<16xf32>
      %parallel_loop3A_170 = arith.index_cast %parallel_loop3A_81 : i32 to index
      %parallel_loop3A_171 = arith.constant 96 : index
      %parallel_loop3A_172 = tpu.vector_load %arg10[%parallel_loop3A_170, %parallel_loop3A_171] {strides = array<i32>} : memref<200x128xf32, #tpu.memory_space<vmem>>, vector<1x16xf32>,
      %parallel_loop3A_173 = vector.shape_cast %parallel_loop3A_172 : vector<1x16xf32> to vector<16xf32>
      %parallel_loop3A_174 = arith.addf %parallel_loop3A_169, %parallel_loop3A_173 : vector<16xf32>
      %parallel_loop3A_175 = arith.index_cast %parallel_loop3A_81 : i32 to index
      %parallel_loop3A_176 = arith.constant 96 : index
      %parallel_loop3A_177 = tpu.vector_load %arg7[%parallel_loop3A_175, %parallel_loop3A_176] {strides = array<i32>} : memref<200x128xf32, #tpu.memory_space<vmem>>, vector<1x16xf32>,
      %parallel_loop3A_178 = vector.shape_cast %parallel_loop3A_177 : vector<1x16xf32> to vector<16xf32>
      %parallel_loop3A_179 = vector.shape_cast %parallel_loop3A_174 : vector<16xf32> to vector<1x16xf32>
      tpu.vector_store %arg7[%parallel_loop3A_175, %parallel_loop3A_176], %parallel_loop3A_179 {strides = array<i32>} : memref<200x128xf32, #tpu.memory_space<vmem>>, vector<1x16xf32>,
      %parallel_loop3A_180 = arith.index_cast %parallel_loop3A_81 : i32 to index
      %parallel_loop3A_181 = arith.constant 112 : index
      %parallel_loop3A_182 = tpu.vector_load %arg7[%parallel_loop3A_180, %parallel_loop3A_181] {strides = array<i32>} : memref<200x128xf32, #tpu.memory_space<vmem>>, vector<1x16xf32>,
      %parallel_loop3A_183 = vector.shape_cast %parallel_loop3A_182 : vector<1x16xf32> to vector<16xf32>
      %parallel_loop3A_184 = arith.index_cast %parallel_loop3A_81 : i32 to index
      %parallel_loop3A_185 = arith.constant 112 : index
      %parallel_loop3A_186 = tpu.vector_load %arg10[%parallel_loop3A_184, %parallel_loop3A_185] {strides = array<i32>} : memref<200x128xf32, #tpu.memory_space<vmem>>, vector<1x16xf32>,
      %parallel_loop3A_187 = vector.shape_cast %parallel_loop3A_186 : vector<1x16xf32> to vector<16xf32>
      %parallel_loop3A_188 = arith.addf %parallel_loop3A_183, %parallel_loop3A_187 : vector<16xf32>
      %parallel_loop3A_189 = arith.index_cast %parallel_loop3A_81 : i32 to index
      %parallel_loop3A_190 = arith.constant 112 : index
      %parallel_loop3A_191 = tpu.vector_load %arg7[%parallel_loop3A_189, %parallel_loop3A_190] {strides = array<i32>} : memref<200x128xf32, #tpu.memory_space<vmem>>, vector<1x16xf32>,
      %parallel_loop3A_192 = vector.shape_cast %parallel_loop3A_191 : vector<1x16xf32> to vector<16xf32>
      %parallel_loop3A_193 = vector.shape_cast %parallel_loop3A_188 : vector<16xf32> to vector<1x16xf32>
      tpu.vector_store %arg7[%parallel_loop3A_189, %parallel_loop3A_190], %parallel_loop3A_193 {strides = array<i32>} : memref<200x128xf32, #tpu.memory_space<vmem>>, vector<1x16xf32>,
    } {sc.loop_unroll_factor = 4 : i64, sc.parallel_access}
    %dma_wait3A_59 = arith.constant 0 : i32
    %dma_wait3A_60 = arith.constant 0 : i32
    %dma_wait3A_61 = tpu.memref_slice %arg8[%dma_wait3A_59, %dma_wait3A_60] : memref<200x128xf32, #tpu.memory_space<vmem>> -> memref<128x128xf32, #tpu.memory_space<vmem>>
    %dma_wait3A_62 = arith.constant 6200 : i32
    %dma_wait3A_63 = tpu.memref_slice %arg6[%dma_wait3A_62] : memref<6400xi32, #tpu.memory_space<vmem>> -> memref<128xi32, #tpu.memory_space<vmem>>
    %dma_wait3A_64 = arith.constant 0 : i32
    %dma_wait3A_65 = arith.constant 0 : i32
    %dma_wait3A_66 = tpu.memref_slice %arg3[%dma_wait3A_64, %dma_wait3A_65] : memref<100000x128xf32, #tpu.memory_space<hbm>> -> memref<100000x128xf32, #tpu.memory_space<hbm>>
    tpu.wait_indirect_dma semaphore(%arg12 : memref<!tpu.dma_semaphore, #tpu.memory_space<semaphore_mem>>) src(%dma_wait3A_66 : memref<100000x128xf32, #tpu.memory_space<hbm>>) dst(%dma_wait3A_61 : memref<128x128xf32, #tpu.memory_space<vmem>>)
    %parallel_loop3A_67 = arith.constant 0 : i32
    %parallel_loop3A_68 = arith.constant 128 : i32
    %parallel_loop3A_69 = arith.constant 1 : i32
    scf.for %parallel_loop3A_81 = %parallel_loop3A_67 to %parallel_loop3A_68 step %parallel_loop3A_69  : i32 {
      %parallel_loop3A_82 = arith.index_cast %parallel_loop3A_81 : i32 to index
      %parallel_loop3A_83 = arith.constant 0 : index
      %parallel_loop3A_84 = tpu.vector_load %arg8[%parallel_loop3A_82, %parallel_loop3A_83] {strides = array<i32>} : memref<200x128xf32, #tpu.memory_space<vmem>>, vector<1x16xf32>,
      %parallel_loop3A_85 = vector.shape_cast %parallel_loop3A_84 : vector<1x16xf32> to vector<16xf32>
      %parallel_loop3A_86 = arith.index_cast %parallel_loop3A_81 : i32 to index
      %parallel_loop3A_87 = arith.constant 0 : index
      %parallel_loop3A_88 = tpu.vector_load %arg10[%parallel_loop3A_86, %parallel_loop3A_87] {strides = array<i32>} : memref<200x128xf32, #tpu.memory_space<vmem>>, vector<1x16xf32>,
      %parallel_loop3A_89 = vector.shape_cast %parallel_loop3A_88 : vector<1x16xf32> to vector<16xf32>
      %parallel_loop3A_90 = arith.addf %parallel_loop3A_85, %parallel_loop3A_89 : vector<16xf32>
      %parallel_loop3A_91 = arith.index_cast %parallel_loop3A_81 : i32 to index
      %parallel_loop3A_92 = arith.constant 0 : index
      %parallel_loop3A_93 = tpu.vector_load %arg8[%parallel_loop3A_91, %parallel_loop3A_92] {strides = array<i32>} : memref<200x128xf32, #tpu.memory_space<vmem>>, vector<1x16xf32>,
      %parallel_loop3A_94 = vector.shape_cast %parallel_loop3A_93 : vector<1x16xf32> to vector<16xf32>
      %parallel_loop3A_95 = vector.shape_cast %parallel_loop3A_90 : vector<16xf32> to vector<1x16xf32>
      tpu.vector_store %arg8[%parallel_loop3A_91, %parallel_loop3A_92], %parallel_loop3A_95 {strides = array<i32>} : memref<200x128xf32, #tpu.memory_space<vmem>>, vector<1x16xf32>,
      %parallel_loop3A_96 = arith.index_cast %parallel_loop3A_81 : i32 to index
      %parallel_loop3A_97 = arith.constant 16 : index
      %parallel_loop3A_98 = tpu.vector_load %arg8[%parallel_loop3A_96, %parallel_loop3A_97] {strides = array<i32>} : memref<200x128xf32, #tpu.memory_space<vmem>>, vector<1x16xf32>,
      %parallel_loop3A_99 = vector.shape_cast %parallel_loop3A_98 : vector<1x16xf32> to vector<16xf32>
      %parallel_loop3A_100 = arith.index_cast %parallel_loop3A_81 : i32 to index
      %parallel_loop3A_101 = arith.constant 16 : index
      %parallel_loop3A_102 = tpu.vector_load %arg10[%parallel_loop3A_100, %parallel_loop3A_101] {strides = array<i32>} : memref<200x128xf32, #tpu.memory_space<vmem>>, vector<1x16xf32>,
      %parallel_loop3A_103 = vector.shape_cast %parallel_loop3A_102 : vector<1x16xf32> to vector<16xf32>
      %parallel_loop3A_104 = arith.addf %parallel_loop3A_99, %parallel_loop3A_103 : vector<16xf32>
      %parallel_loop3A_105 = arith.index_cast %parallel_loop3A_81 : i32 to index
      %parallel_loop3A_106 = arith.constant 16 : index
      %parallel_loop3A_107 = tpu.vector_load %arg8[%parallel_loop3A_105, %parallel_loop3A_106] {strides = array<i32>} : memref<200x128xf32, #tpu.memory_space<vmem>>, vector<1x16xf32>,
      %parallel_loop3A_108 = vector.shape_cast %parallel_loop3A_107 : vector<1x16xf32> to vector<16xf32>
      %parallel_loop3A_109 = vector.shape_cast %parallel_loop3A_104 : vector<16xf32> to vector<1x16xf32>
      tpu.vector_store %arg8[%parallel_loop3A_105, %parallel_loop3A_106], %parallel_loop3A_109 {strides = array<i32>} : memref<200x128xf32, #tpu.memory_space<vmem>>, vector<1x16xf32>,
      %parallel_loop3A_110 = arith.index_cast %parallel_loop3A_81 : i32 to index
      %parallel_loop3A_111 = arith.constant 32 : index
      %parallel_loop3A_112 = tpu.vector_load %arg8[%parallel_loop3A_110, %parallel_loop3A_111] {strides = array<i32>} : memref<200x128xf32, #tpu.memory_space<vmem>>, vector<1x16xf32>,
      %parallel_loop3A_113 = vector.shape_cast %parallel_loop3A_112 : vector<1x16xf32> to vector<16xf32>
      %parallel_loop3A_114 = arith.index_cast %parallel_loop3A_81 : i32 to index
      %parallel_loop3A_115 = arith.constant 32 : index
      %parallel_loop3A_116 = tpu.vector_load %arg10[%parallel_loop3A_114, %parallel_loop3A_115] {strides = array<i32>} : memref<200x128xf32, #tpu.memory_space<vmem>>, vector<1x16xf32>,
      %parallel_loop3A_117 = vector.shape_cast %parallel_loop3A_116 : vector<1x16xf32> to vector<16xf32>
      %parallel_loop3A_118 = arith.addf %parallel_loop3A_113, %parallel_loop3A_117 : vector<16xf32>
      %parallel_loop3A_119 = arith.index_cast %parallel_loop3A_81 : i32 to index
      %parallel_loop3A_120 = arith.constant 32 : index
      %parallel_loop3A_121 = tpu.vector_load %arg8[%parallel_loop3A_119, %parallel_loop3A_120] {strides = array<i32>} : memref<200x128xf32, #tpu.memory_space<vmem>>, vector<1x16xf32>,
      %parallel_loop3A_122 = vector.shape_cast %parallel_loop3A_121 : vector<1x16xf32> to vector<16xf32>
      %parallel_loop3A_123 = vector.shape_cast %parallel_loop3A_118 : vector<16xf32> to vector<1x16xf32>
      tpu.vector_store %arg8[%parallel_loop3A_119, %parallel_loop3A_120], %parallel_loop3A_123 {strides = array<i32>} : memref<200x128xf32, #tpu.memory_space<vmem>>, vector<1x16xf32>,
      %parallel_loop3A_124 = arith.index_cast %parallel_loop3A_81 : i32 to index
      %parallel_loop3A_125 = arith.constant 48 : index
      %parallel_loop3A_126 = tpu.vector_load %arg8[%parallel_loop3A_124, %parallel_loop3A_125] {strides = array<i32>} : memref<200x128xf32, #tpu.memory_space<vmem>>, vector<1x16xf32>,
      %parallel_loop3A_127 = vector.shape_cast %parallel_loop3A_126 : vector<1x16xf32> to vector<16xf32>
      %parallel_loop3A_128 = arith.index_cast %parallel_loop3A_81 : i32 to index
      %parallel_loop3A_129 = arith.constant 48 : index
      %parallel_loop3A_130 = tpu.vector_load %arg10[%parallel_loop3A_128, %parallel_loop3A_129] {strides = array<i32>} : memref<200x128xf32, #tpu.memory_space<vmem>>, vector<1x16xf32>,
      %parallel_loop3A_131 = vector.shape_cast %parallel_loop3A_130 : vector<1x16xf32> to vector<16xf32>
      %parallel_loop3A_132 = arith.addf %parallel_loop3A_127, %parallel_loop3A_131 : vector<16xf32>
      %parallel_loop3A_133 = arith.index_cast %parallel_loop3A_81 : i32 to index
      %parallel_loop3A_134 = arith.constant 48 : index
      %parallel_loop3A_135 = tpu.vector_load %arg8[%parallel_loop3A_133, %parallel_loop3A_134] {strides = array<i32>} : memref<200x128xf32, #tpu.memory_space<vmem>>, vector<1x16xf32>,
      %parallel_loop3A_136 = vector.shape_cast %parallel_loop3A_135 : vector<1x16xf32> to vector<16xf32>
      %parallel_loop3A_137 = vector.shape_cast %parallel_loop3A_132 : vector<16xf32> to vector<1x16xf32>
      tpu.vector_store %arg8[%parallel_loop3A_133, %parallel_loop3A_134], %parallel_loop3A_137 {strides = array<i32>} : memref<200x128xf32, #tpu.memory_space<vmem>>, vector<1x16xf32>,
      %parallel_loop3A_138 = arith.index_cast %parallel_loop3A_81 : i32 to index
      %parallel_loop3A_139 = arith.constant 64 : index
      %parallel_loop3A_140 = tpu.vector_load %arg8[%parallel_loop3A_138, %parallel_loop3A_139] {strides = array<i32>} : memref<200x128xf32, #tpu.memory_space<vmem>>, vector<1x16xf32>,
      %parallel_loop3A_141 = vector.shape_cast %parallel_loop3A_140 : vector<1x16xf32> to vector<16xf32>
      %parallel_loop3A_142 = arith.index_cast %parallel_loop3A_81 : i32 to index
      %parallel_loop3A_143 = arith.constant 64 : index
      %parallel_loop3A_144 = tpu.vector_load %arg10[%parallel_loop3A_142, %parallel_loop3A_143] {strides = array<i32>} : memref<200x128xf32, #tpu.memory_space<vmem>>, vector<1x16xf32>,
      %parallel_loop3A_145 = vector.shape_cast %parallel_loop3A_144 : vector<1x16xf32> to vector<16xf32>
      %parallel_loop3A_146 = arith.addf %parallel_loop3A_141, %parallel_loop3A_145 : vector<16xf32>
      %parallel_loop3A_147 = arith.index_cast %parallel_loop3A_81 : i32 to index
      %parallel_loop3A_148 = arith.constant 64 : index
      %parallel_loop3A_149 = tpu.vector_load %arg8[%parallel_loop3A_147, %parallel_loop3A_148] {strides = array<i32>} : memref<200x128xf32, #tpu.memory_space<vmem>>, vector<1x16xf32>,
      %parallel_loop3A_150 = vector.shape_cast %parallel_loop3A_149 : vector<1x16xf32> to vector<16xf32>
      %parallel_loop3A_151 = vector.shape_cast %parallel_loop3A_146 : vector<16xf32> to vector<1x16xf32>
      tpu.vector_store %arg8[%parallel_loop3A_147, %parallel_loop3A_148], %parallel_loop3A_151 {strides = array<i32>} : memref<200x128xf32, #tpu.memory_space<vmem>>, vector<1x16xf32>,
      %parallel_loop3A_152 = arith.index_cast %parallel_loop3A_81 : i32 to index
      %parallel_loop3A_153 = arith.constant 80 : index
      %parallel_loop3A_154 = tpu.vector_load %arg8[%parallel_loop3A_152, %parallel_loop3A_153] {strides = array<i32>} : memref<200x128xf32, #tpu.memory_space<vmem>>, vector<1x16xf32>,
      %parallel_loop3A_155 = vector.shape_cast %parallel_loop3A_154 : vector<1x16xf32> to vector<16xf32>
      %parallel_loop3A_156 = arith.index_cast %parallel_loop3A_81 : i32 to index
      %parallel_loop3A_157 = arith.constant 80 : index
      %parallel_loop3A_158 = tpu.vector_load %arg10[%parallel_loop3A_156, %parallel_loop3A_157] {strides = array<i32>} : memref<200x128xf32, #tpu.memory_space<vmem>>, vector<1x16xf32>,
      %parallel_loop3A_159 = vector.shape_cast %parallel_loop3A_158 : vector<1x16xf32> to vector<16xf32>
      %parallel_loop3A_160 = arith.addf %parallel_loop3A_155, %parallel_loop3A_159 : vector<16xf32>
      %parallel_loop3A_161 = arith.index_cast %parallel_loop3A_81 : i32 to index
      %parallel_loop3A_162 = arith.constant 80 : index
      %parallel_loop3A_163 = tpu.vector_load %arg8[%parallel_loop3A_161, %parallel_loop3A_162] {strides = array<i32>} : memref<200x128xf32, #tpu.memory_space<vmem>>, vector<1x16xf32>,
      %parallel_loop3A_164 = vector.shape_cast %parallel_loop3A_163 : vector<1x16xf32> to vector<16xf32>
      %parallel_loop3A_165 = vector.shape_cast %parallel_loop3A_160 : vector<16xf32> to vector<1x16xf32>
      tpu.vector_store %arg8[%parallel_loop3A_161, %parallel_loop3A_162], %parallel_loop3A_165 {strides = array<i32>} : memref<200x128xf32, #tpu.memory_space<vmem>>, vector<1x16xf32>,
      %parallel_loop3A_166 = arith.index_cast %parallel_loop3A_81 : i32 to index
      %parallel_loop3A_167 = arith.constant 96 : index
      %parallel_loop3A_168 = tpu.vector_load %arg8[%parallel_loop3A_166, %parallel_loop3A_167] {strides = array<i32>} : memref<200x128xf32, #tpu.memory_space<vmem>>, vector<1x16xf32>,
      %parallel_loop3A_169 = vector.shape_cast %parallel_loop3A_168 : vector<1x16xf32> to vector<16xf32>
      %parallel_loop3A_170 = arith.index_cast %parallel_loop3A_81 : i32 to index
      %parallel_loop3A_171 = arith.constant 96 : index
      %parallel_loop3A_172 = tpu.vector_load %arg10[%parallel_loop3A_170, %parallel_loop3A_171] {strides = array<i32>} : memref<200x128xf32, #tpu.memory_space<vmem>>, vector<1x16xf32>,
      %parallel_loop3A_173 = vector.shape_cast %parallel_loop3A_172 : vector<1x16xf32> to vector<16xf32>
      %parallel_loop3A_174 = arith.addf %parallel_loop3A_169, %parallel_loop3A_173 : vector<16xf32>
      %parallel_loop3A_175 = arith.index_cast %parallel_loop3A_81 : i32 to index
      %parallel_loop3A_176 = arith.constant 96 : index
      %parallel_loop3A_177 = tpu.vector_load %arg8[%parallel_loop3A_175, %parallel_loop3A_176] {strides = array<i32>} : memref<200x128xf32, #tpu.memory_space<vmem>>, vector<1x16xf32>,
      %parallel_loop3A_178 = vector.shape_cast %parallel_loop3A_177 : vector<1x16xf32> to vector<16xf32>
      %parallel_loop3A_179 = vector.shape_cast %parallel_loop3A_174 : vector<16xf32> to vector<1x16xf32>
      tpu.vector_store %arg8[%parallel_loop3A_175, %parallel_loop3A_176], %parallel_loop3A_179 {strides = array<i32>} : memref<200x128xf32, #tpu.memory_space<vmem>>, vector<1x16xf32>,
      %parallel_loop3A_180 = arith.index_cast %parallel_loop3A_81 : i32 to index
      %parallel_loop3A_181 = arith.constant 112 : index
      %parallel_loop3A_182 = tpu.vector_load %arg8[%parallel_loop3A_180, %parallel_loop3A_181] {strides = array<i32>} : memref<200x128xf32, #tpu.memory_space<vmem>>, vector<1x16xf32>,
      %parallel_loop3A_183 = vector.shape_cast %parallel_loop3A_182 : vector<1x16xf32> to vector<16xf32>
      %parallel_loop3A_184 = arith.index_cast %parallel_loop3A_81 : i32 to index
      %parallel_loop3A_185 = arith.constant 112 : index
      %parallel_loop3A_186 = tpu.vector_load %arg10[%parallel_loop3A_184, %parallel_loop3A_185] {strides = array<i32>} : memref<200x128xf32, #tpu.memory_space<vmem>>, vector<1x16xf32>,
      %parallel_loop3A_187 = vector.shape_cast %parallel_loop3A_186 : vector<1x16xf32> to vector<16xf32>
      %parallel_loop3A_188 = arith.addf %parallel_loop3A_183, %parallel_loop3A_187 : vector<16xf32>
      %parallel_loop3A_189 = arith.index_cast %parallel_loop3A_81 : i32 to index
      %parallel_loop3A_190 = arith.constant 112 : index
      %parallel_loop3A_191 = tpu.vector_load %arg8[%parallel_loop3A_189, %parallel_loop3A_190] {strides = array<i32>} : memref<200x128xf32, #tpu.memory_space<vmem>>, vector<1x16xf32>,
      %parallel_loop3A_192 = vector.shape_cast %parallel_loop3A_191 : vector<1x16xf32> to vector<16xf32>
      %parallel_loop3A_193 = vector.shape_cast %parallel_loop3A_188 : vector<16xf32> to vector<1x16xf32>
      tpu.vector_store %arg8[%parallel_loop3A_189, %parallel_loop3A_190], %parallel_loop3A_193 {strides = array<i32>} : memref<200x128xf32, #tpu.memory_space<vmem>>, vector<1x16xf32>,
    } {sc.loop_unroll_factor = 4 : i64, sc.parallel_access}
    %dma_wait3A_70 = arith.constant 128 : i32
    %dma_wait3A_71 = arith.constant 0 : i32
    %dma_wait3A_72 = tpu.memref_slice %arg8[%dma_wait3A_70, %dma_wait3A_71] : memref<200x128xf32, #tpu.memory_space<vmem>> -> memref<72x128xf32, #tpu.memory_space<vmem>>
    %dma_wait3A_73 = arith.constant 6328 : i32
    %dma_wait3A_74 = tpu.memref_slice %arg6[%dma_wait3A_73] : memref<6400xi32, #tpu.memory_space<vmem>> -> memref<72xi32, #tpu.memory_space<vmem>>
    %dma_wait3A_75 = arith.constant 0 : i32
    %dma_wait3A_76 = arith.constant 0 : i32
    %dma_wait3A_77 = tpu.memref_slice %arg3[%dma_wait3A_75, %dma_wait3A_76] : memref<100000x128xf32, #tpu.memory_space<hbm>> -> memref<100000x128xf32, #tpu.memory_space<hbm>>
    tpu.wait_indirect_dma semaphore(%arg15 : memref<!tpu.dma_semaphore, #tpu.memory_space<semaphore_mem>>) src(%dma_wait3A_77 : memref<100000x128xf32, #tpu.memory_space<hbm>>) dst(%dma_wait3A_72 : memref<72x128xf32, #tpu.memory_space<vmem>>)
    %parallel_loop3A_78 = arith.constant 128 : i32
    %parallel_loop3A_79 = arith.constant 200 : i32
    %parallel_loop3A_80 = arith.constant 1 : i32
    scf.for %parallel_loop3A_81 = %parallel_loop3A_78 to %parallel_loop3A_79 step %parallel_loop3A_80  : i32 {
      %parallel_loop3A_82 = arith.index_cast %parallel_loop3A_81 : i32 to index
      %parallel_loop3A_83 = arith.constant 0 : index
      %parallel_loop3A_84 = tpu.vector_load %arg8[%parallel_loop3A_82, %parallel_loop3A_83] {strides = array<i32>} : memref<200x128xf32, #tpu.memory_space<vmem>>, vector<1x16xf32>,
      %parallel_loop3A_85 = vector.shape_cast %parallel_loop3A_84 : vector<1x16xf32> to vector<16xf32>
      %parallel_loop3A_86 = arith.index_cast %parallel_loop3A_81 : i32 to index
      %parallel_loop3A_87 = arith.constant 0 : index
      %parallel_loop3A_88 = tpu.vector_load %arg10[%parallel_loop3A_86, %parallel_loop3A_87] {strides = array<i32>} : memref<200x128xf32, #tpu.memory_space<vmem>>, vector<1x16xf32>,
      %parallel_loop3A_89 = vector.shape_cast %parallel_loop3A_88 : vector<1x16xf32> to vector<16xf32>
      %parallel_loop3A_90 = arith.addf %parallel_loop3A_85, %parallel_loop3A_89 : vector<16xf32>
      %parallel_loop3A_91 = arith.index_cast %parallel_loop3A_81 : i32 to index
      %parallel_loop3A_92 = arith.constant 0 : index
      %parallel_loop3A_93 = tpu.vector_load %arg8[%parallel_loop3A_91, %parallel_loop3A_92] {strides = array<i32>} : memref<200x128xf32, #tpu.memory_space<vmem>>, vector<1x16xf32>,
      %parallel_loop3A_94 = vector.shape_cast %parallel_loop3A_93 : vector<1x16xf32> to vector<16xf32>
      %parallel_loop3A_95 = vector.shape_cast %parallel_loop3A_90 : vector<16xf32> to vector<1x16xf32>
      tpu.vector_store %arg8[%parallel_loop3A_91, %parallel_loop3A_92], %parallel_loop3A_95 {strides = array<i32>} : memref<200x128xf32, #tpu.memory_space<vmem>>, vector<1x16xf32>,
      %parallel_loop3A_96 = arith.index_cast %parallel_loop3A_81 : i32 to index
      %parallel_loop3A_97 = arith.constant 16 : index
      %parallel_loop3A_98 = tpu.vector_load %arg8[%parallel_loop3A_96, %parallel_loop3A_97] {strides = array<i32>} : memref<200x128xf32, #tpu.memory_space<vmem>>, vector<1x16xf32>,
      %parallel_loop3A_99 = vector.shape_cast %parallel_loop3A_98 : vector<1x16xf32> to vector<16xf32>
      %parallel_loop3A_100 = arith.index_cast %parallel_loop3A_81 : i32 to index
      %parallel_loop3A_101 = arith.constant 16 : index
      %parallel_loop3A_102 = tpu.vector_load %arg10[%parallel_loop3A_100, %parallel_loop3A_101] {strides = array<i32>} : memref<200x128xf32, #tpu.memory_space<vmem>>, vector<1x16xf32>,
      %parallel_loop3A_103 = vector.shape_cast %parallel_loop3A_102 : vector<1x16xf32> to vector<16xf32>
      %parallel_loop3A_104 = arith.addf %parallel_loop3A_99, %parallel_loop3A_103 : vector<16xf32>
      %parallel_loop3A_105 = arith.index_cast %parallel_loop3A_81 : i32 to index
      %parallel_loop3A_106 = arith.constant 16 : index
      %parallel_loop3A_107 = tpu.vector_load %arg8[%parallel_loop3A_105, %parallel_loop3A_106] {strides = array<i32>} : memref<200x128xf32, #tpu.memory_space<vmem>>, vector<1x16xf32>,
      %parallel_loop3A_108 = vector.shape_cast %parallel_loop3A_107 : vector<1x16xf32> to vector<16xf32>
      %parallel_loop3A_109 = vector.shape_cast %parallel_loop3A_104 : vector<16xf32> to vector<1x16xf32>
      tpu.vector_store %arg8[%parallel_loop3A_105, %parallel_loop3A_106], %parallel_loop3A_109 {strides = array<i32>} : memref<200x128xf32, #tpu.memory_space<vmem>>, vector<1x16xf32>,
      %parallel_loop3A_110 = arith.index_cast %parallel_loop3A_81 : i32 to index
      %parallel_loop3A_111 = arith.constant 32 : index
      %parallel_loop3A_112 = tpu.vector_load %arg8[%parallel_loop3A_110, %parallel_loop3A_111] {strides = array<i32>} : memref<200x128xf32, #tpu.memory_space<vmem>>, vector<1x16xf32>,
      %parallel_loop3A_113 = vector.shape_cast %parallel_loop3A_112 : vector<1x16xf32> to vector<16xf32>
      %parallel_loop3A_114 = arith.index_cast %parallel_loop3A_81 : i32 to index
      %parallel_loop3A_115 = arith.constant 32 : index
      %parallel_loop3A_116 = tpu.vector_load %arg10[%parallel_loop3A_114, %parallel_loop3A_115] {strides = array<i32>} : memref<200x128xf32, #tpu.memory_space<vmem>>, vector<1x16xf32>,
      %parallel_loop3A_117 = vector.shape_cast %parallel_loop3A_116 : vector<1x16xf32> to vector<16xf32>
      %parallel_loop3A_118 = arith.addf %parallel_loop3A_113, %parallel_loop3A_117 : vector<16xf32>
      %parallel_loop3A_119 = arith.index_cast %parallel_loop3A_81 : i32 to index
      %parallel_loop3A_120 = arith.constant 32 : index
      %parallel_loop3A_121 = tpu.vector_load %arg8[%parallel_loop3A_119, %parallel_loop3A_120] {strides = array<i32>} : memref<200x128xf32, #tpu.memory_space<vmem>>, vector<1x16xf32>,
      %parallel_loop3A_122 = vector.shape_cast %parallel_loop3A_121 : vector<1x16xf32> to vector<16xf32>
      %parallel_loop3A_123 = vector.shape_cast %parallel_loop3A_118 : vector<16xf32> to vector<1x16xf32>
      tpu.vector_store %arg8[%parallel_loop3A_119, %parallel_loop3A_120], %parallel_loop3A_123 {strides = array<i32>} : memref<200x128xf32, #tpu.memory_space<vmem>>, vector<1x16xf32>,
      %parallel_loop3A_124 = arith.index_cast %parallel_loop3A_81 : i32 to index
      %parallel_loop3A_125 = arith.constant 48 : index
      %parallel_loop3A_126 = tpu.vector_load %arg8[%parallel_loop3A_124, %parallel_loop3A_125] {strides = array<i32>} : memref<200x128xf32, #tpu.memory_space<vmem>>, vector<1x16xf32>,
      %parallel_loop3A_127 = vector.shape_cast %parallel_loop3A_126 : vector<1x16xf32> to vector<16xf32>
      %parallel_loop3A_128 = arith.index_cast %parallel_loop3A_81 : i32 to index
      %parallel_loop3A_129 = arith.constant 48 : index
      %parallel_loop3A_130 = tpu.vector_load %arg10[%parallel_loop3A_128, %parallel_loop3A_129] {strides = array<i32>} : memref<200x128xf32, #tpu.memory_space<vmem>>, vector<1x16xf32>,
      %parallel_loop3A_131 = vector.shape_cast %parallel_loop3A_130 : vector<1x16xf32> to vector<16xf32>
      %parallel_loop3A_132 = arith.addf %parallel_loop3A_127, %parallel_loop3A_131 : vector<16xf32>
      %parallel_loop3A_133 = arith.index_cast %parallel_loop3A_81 : i32 to index
      %parallel_loop3A_134 = arith.constant 48 : index
      %parallel_loop3A_135 = tpu.vector_load %arg8[%parallel_loop3A_133, %parallel_loop3A_134] {strides = array<i32>} : memref<200x128xf32, #tpu.memory_space<vmem>>, vector<1x16xf32>,
      %parallel_loop3A_136 = vector.shape_cast %parallel_loop3A_135 : vector<1x16xf32> to vector<16xf32>
      %parallel_loop3A_137 = vector.shape_cast %parallel_loop3A_132 : vector<16xf32> to vector<1x16xf32>
      tpu.vector_store %arg8[%parallel_loop3A_133, %parallel_loop3A_134], %parallel_loop3A_137 {strides = array<i32>} : memref<200x128xf32, #tpu.memory_space<vmem>>, vector<1x16xf32>,
      %parallel_loop3A_138 = arith.index_cast %parallel_loop3A_81 : i32 to index
      %parallel_loop3A_139 = arith.constant 64 : index
      %parallel_loop3A_140 = tpu.vector_load %arg8[%parallel_loop3A_138, %parallel_loop3A_139] {strides = array<i32>} : memref<200x128xf32, #tpu.memory_space<vmem>>, vector<1x16xf32>,
      %parallel_loop3A_141 = vector.shape_cast %parallel_loop3A_140 : vector<1x16xf32> to vector<16xf32>
      %parallel_loop3A_142 = arith.index_cast %parallel_loop3A_81 : i32 to index
      %parallel_loop3A_143 = arith.constant 64 : index
      %parallel_loop3A_144 = tpu.vector_load %arg10[%parallel_loop3A_142, %parallel_loop3A_143] {strides = array<i32>} : memref<200x128xf32, #tpu.memory_space<vmem>>, vector<1x16xf32>,
      %parallel_loop3A_145 = vector.shape_cast %parallel_loop3A_144 : vector<1x16xf32> to vector<16xf32>
      %parallel_loop3A_146 = arith.addf %parallel_loop3A_141, %parallel_loop3A_145 : vector<16xf32>
      %parallel_loop3A_147 = arith.index_cast %parallel_loop3A_81 : i32 to index
      %parallel_loop3A_148 = arith.constant 64 : index
      %parallel_loop3A_149 = tpu.vector_load %arg8[%parallel_loop3A_147, %parallel_loop3A_148] {strides = array<i32>} : memref<200x128xf32, #tpu.memory_space<vmem>>, vector<1x16xf32>,
      %parallel_loop3A_150 = vector.shape_cast %parallel_loop3A_149 : vector<1x16xf32> to vector<16xf32>
      %parallel_loop3A_151 = vector.shape_cast %parallel_loop3A_146 : vector<16xf32> to vector<1x16xf32>
      tpu.vector_store %arg8[%parallel_loop3A_147, %parallel_loop3A_148], %parallel_loop3A_151 {strides = array<i32>} : memref<200x128xf32, #tpu.memory_space<vmem>>, vector<1x16xf32>,
      %parallel_loop3A_152 = arith.index_cast %parallel_loop3A_81 : i32 to index
      %parallel_loop3A_153 = arith.constant 80 : index
      %parallel_loop3A_154 = tpu.vector_load %arg8[%parallel_loop3A_152, %parallel_loop3A_153] {strides = array<i32>} : memref<200x128xf32, #tpu.memory_space<vmem>>, vector<1x16xf32>,
      %parallel_loop3A_155 = vector.shape_cast %parallel_loop3A_154 : vector<1x16xf32> to vector<16xf32>
      %parallel_loop3A_156 = arith.index_cast %parallel_loop3A_81 : i32 to index
      %parallel_loop3A_157 = arith.constant 80 : index
      %parallel_loop3A_158 = tpu.vector_load %arg10[%parallel_loop3A_156, %parallel_loop3A_157] {strides = array<i32>} : memref<200x128xf32, #tpu.memory_space<vmem>>, vector<1x16xf32>,
      %parallel_loop3A_159 = vector.shape_cast %parallel_loop3A_158 : vector<1x16xf32> to vector<16xf32>
      %parallel_loop3A_160 = arith.addf %parallel_loop3A_155, %parallel_loop3A_159 : vector<16xf32>
      %parallel_loop3A_161 = arith.index_cast %parallel_loop3A_81 : i32 to index
      %parallel_loop3A_162 = arith.constant 80 : index
      %parallel_loop3A_163 = tpu.vector_load %arg8[%parallel_loop3A_161, %parallel_loop3A_162] {strides = array<i32>} : memref<200x128xf32, #tpu.memory_space<vmem>>, vector<1x16xf32>,
      %parallel_loop3A_164 = vector.shape_cast %parallel_loop3A_163 : vector<1x16xf32> to vector<16xf32>
      %parallel_loop3A_165 = vector.shape_cast %parallel_loop3A_160 : vector<16xf32> to vector<1x16xf32>
      tpu.vector_store %arg8[%parallel_loop3A_161, %parallel_loop3A_162], %parallel_loop3A_165 {strides = array<i32>} : memref<200x128xf32, #tpu.memory_space<vmem>>, vector<1x16xf32>,
      %parallel_loop3A_166 = arith.index_cast %parallel_loop3A_81 : i32 to index
      %parallel_loop3A_167 = arith.constant 96 : index
      %parallel_loop3A_168 = tpu.vector_load %arg8[%parallel_loop3A_166, %parallel_loop3A_167] {strides = array<i32>} : memref<200x128xf32, #tpu.memory_space<vmem>>, vector<1x16xf32>,
      %parallel_loop3A_169 = vector.shape_cast %parallel_loop3A_168 : vector<1x16xf32> to vector<16xf32>
      %parallel_loop3A_170 = arith.index_cast %parallel_loop3A_81 : i32 to index
      %parallel_loop3A_171 = arith.constant 96 : index
      %parallel_loop3A_172 = tpu.vector_load %arg10[%parallel_loop3A_170, %parallel_loop3A_171] {strides = array<i32>} : memref<200x128xf32, #tpu.memory_space<vmem>>, vector<1x16xf32>,
      %parallel_loop3A_173 = vector.shape_cast %parallel_loop3A_172 : vector<1x16xf32> to vector<16xf32>
      %parallel_loop3A_174 = arith.addf %parallel_loop3A_169, %parallel_loop3A_173 : vector<16xf32>
      %parallel_loop3A_175 = arith.index_cast %parallel_loop3A_81 : i32 to index
      %parallel_loop3A_176 = arith.constant 96 : index
      %parallel_loop3A_177 = tpu.vector_load %arg8[%parallel_loop3A_175, %parallel_loop3A_176] {strides = array<i32>} : memref<200x128xf32, #tpu.memory_space<vmem>>, vector<1x16xf32>,
      %parallel_loop3A_178 = vector.shape_cast %parallel_loop3A_177 : vector<1x16xf32> to vector<16xf32>
      %parallel_loop3A_179 = vector.shape_cast %parallel_loop3A_174 : vector<16xf32> to vector<1x16xf32>
      tpu.vector_store %arg8[%parallel_loop3A_175, %parallel_loop3A_176], %parallel_loop3A_179 {strides = array<i32>} : memref<200x128xf32, #tpu.memory_space<vmem>>, vector<1x16xf32>,
      %parallel_loop3A_180 = arith.index_cast %parallel_loop3A_81 : i32 to index
      %parallel_loop3A_181 = arith.constant 112 : index
      %parallel_loop3A_182 = tpu.vector_load %arg8[%parallel_loop3A_180, %parallel_loop3A_181] {strides = array<i32>} : memref<200x128xf32, #tpu.memory_space<vmem>>, vector<1x16xf32>,
      %parallel_loop3A_183 = vector.shape_cast %parallel_loop3A_182 : vector<1x16xf32> to vector<16xf32>
      %parallel_loop3A_184 = arith.index_cast %parallel_loop3A_81 : i32 to index
      %parallel_loop3A_185 = arith.constant 112 : index
      %parallel_loop3A_186 = tpu.vector_load %arg10[%parallel_loop3A_184, %parallel_loop3A_185] {strides = array<i32>} : memref<200x128xf32, #tpu.memory_space<vmem>>, vector<1x16xf32>,
      %parallel_loop3A_187 = vector.shape_cast %parallel_loop3A_186 : vector<1x16xf32> to vector<16xf32>
      %parallel_loop3A_188 = arith.addf %parallel_loop3A_183, %parallel_loop3A_187 : vector<16xf32>
      %parallel_loop3A_189 = arith.index_cast %parallel_loop3A_81 : i32 to index
      %parallel_loop3A_190 = arith.constant 112 : index
      %parallel_loop3A_191 = tpu.vector_load %arg8[%parallel_loop3A_189, %parallel_loop3A_190] {strides = array<i32>} : memref<200x128xf32, #tpu.memory_space<vmem>>, vector<1x16xf32>,
      %parallel_loop3A_192 = vector.shape_cast %parallel_loop3A_191 : vector<1x16xf32> to vector<16xf32>
      %parallel_loop3A_193 = vector.shape_cast %parallel_loop3A_188 : vector<16xf32> to vector<1x16xf32>
      tpu.vector_store %arg8[%parallel_loop3A_189, %parallel_loop3A_190], %parallel_loop3A_193 {strides = array<i32>} : memref<200x128xf32, #tpu.memory_space<vmem>>, vector<1x16xf32>,
    } {sc.loop_unroll_factor = 4 : i64, sc.parallel_access}
    "tpu.region"() ({
      %run_scoped3A = tpu.sem_alloc : memref<!tpu.dma_semaphore, #tpu.memory_space<semaphore_mem>>
      %dma_start3A_81 = arith.constant 0 : i32
      %dma_start3A_82 = tpu.memref_slice %arg5[%mul3A_2, %dma_start3A_81] : memref<204800x128xf32, #tpu.memory_space<hbm>> -> memref<200x128xf32, #tpu.memory_space<hbm>>
      %dma_start3A_83 = arith.constant 0 : i32
      %dma_start3A_84 = tpu.memref_slice %arg5[%mul3A_2, %dma_start3A_83] : memref<204800x128xf32, #tpu.memory_space<hbm>> -> memref<200x128xf32, #tpu.memory_space<hbm>>
      tpu.enqueue_dma source(%arg7 : memref<200x128xf32, #tpu.memory_space<vmem>>) target(%dma_start3A_84 : memref<200x128xf32, #tpu.memory_space<hbm>>) target_semaphore(%run_scoped3A : memref<!tpu.dma_semaphore, #tpu.memory_space<semaphore_mem>>)
      %dma_wait3A_85 = arith.constant 0 : i32
      %dma_wait3A_86 = tpu.memref_slice %arg5[%mul3A_2, %dma_wait3A_85] : memref<204800x128xf32, #tpu.memory_space<hbm>> -> memref<200x128xf32, #tpu.memory_space<hbm>>
      %dma_wait3A_87 = arith.constant 0 : i32
      %dma_wait3A_88 = tpu.memref_slice %arg5[%mul3A_2, %dma_wait3A_87] : memref<204800x128xf32, #tpu.memory_space<hbm>> -> memref<200x128xf32, #tpu.memory_space<hbm>>
      tpu.wait_dma2 semaphore(%run_scoped3A : memref<!tpu.dma_semaphore, #tpu.memory_space<semaphore_mem>>) src(%arg7 : memref<200x128xf32, #tpu.memory_space<vmem>>) dst(%dma_wait3A_88 : memref<200x128xf32, #tpu.memory_space<hbm>>)
      tpu.yield
    }) : () -> ()
    return
  }
}

</mosaic_0001>

<sc_bundles>
// kernel: _run.3.cloned.1.call-start
scs
__scs_entry_jumppad:
0x0: {  	(pc) =	sbr.rel $0x88, $3  }
0x1: {  	(tag) =	ssettag $0x0;
	lr =	simm.s32 $0x1  }
0x2: {  	[smem:$0x3F9E] =	sst lr;
	_ =	strace $0xD0000000  }
0x3: {  	_ = 	snop  }
0x4: {  	_ = 	snop  }
0x5: {  	_ = 	snop  }
0x6: {  	_ = 	snop  }
0x7: {  	_ = 	snop  }
__scs_overlays_trampoline_lowered:
0x8: {  	[smem:$0x3FAD] =	sst s0  }
0x9: {  	[smem:$0x3FAE] =	sst s1  }
0xa: {  	[smem:$0x3FAF] =	sst s2  }
0xb: {  	[smem:$0x3FB0] =	sst s3  }
0xc: {  	[smem:$0x3FB1] =	sst s4  }
0xd: {  	[smem:$0x3FB2] =	sst s5  }
0xe: {  	[smem:$0x3FB3] =	sst s6  }
0xf: {  	[smem:$0x3FB4] =	sst s7  }
0x10: {  	[smem:$0x3FB5] =	sst s8  }
0x11: {  	[smem:$0x3FB6] =	sst s9;
	s0 =	simm.s32 @!p0 $0x0  }
0x12: {  	s1 =	sld [smem:$0x3F9C];
	s0 =	simm.s32 @p0 $0x1  }
0x13: {  	[smem:$0x3FB7] =	sst s0;
	s0 =	simm.s32 @!p1 $0x0  }
0x14: {  	s2 =	sld [smem:$0x3F9B];
	s0 =	simm.s32 @p1 $0x1  }
0x15: {  	[smem:$0x3FB8] =	sst s0;
	s0 =	simm.s32 @!p2 $0x0  }
0x16: {  	s3 =	sld [smem:$0x3FDB];
	s0 =	simm.s32 @p2 $0x1  }
0x17: {  	s4 =	simm.s32 $0x1BF5;
	[smem:$0x3FBA] =	sst s0  }
0x18: {  	s0 =	sld [smem:$0x3F9D];
	_ =	swait.ge [sflag:s4], $0x0  }
0x19: {  	s7 =	sld [smem:$0x3F9E]  }
0x1a: {  	s8 =	sadd.s32 $0xFFFFE003, lr  }
0x1b: {  	s9 =	sadd.s32 $0xFFFFFEF7, lr;
	s5 =	simm.s32 $0xFFFFFFFF;
	p2 =	slt.u32 s8, $0xFFFFF086  }
0x1c: {  	p1 =	slt.u32 s9, $0xF7A;
	s5 =	simm.s32 @!p2 $0x0  }
0x1d: {  	s5 =	simm.s32 @p1 $0x1;
	p0 =	seq.s32 s7, s2  }
0x1e: {  	s7 =	smul.u32 @!p0 $0xF7A, s2;
	p2 =	seq.s32 @!p0 s5, $0x0  }
0x1f: {  	s9 =	smul.u32 $0xF7A, s1;
	s8 =	simm.s32 @!p0 $0x1BF5;
	p2 =	por !p2, p0  }
0x20: {  	[sflag:s8] =	ssyncset.s32 @!p0 $0xFFFFF086;
	s6 =	sadd.s32 @!p0 s3, s7;
	s7 =	simm.s32 @!p0 $0x108  }
0x21: {  	s3 =	sadd.s32 s3, s9;
	s6 =	sadd.s32 @!p0 $0x88, s6;
	s7 =	simm.s32 @p2 $0x1082  }
0x22: {  	[simem:s7], [sflag:s8] =	dma.local @!p0 [hbm:s6], $0xF7A  }
0x23: {  	s9 =	sor.u32 $0xD0000000, s2;
	s6 =	simm.s32 $0x108;
	_ =	swait.ge @!p0 [sflag:s8], $0x0  }
0x24: {  	s3 =	sadd.s32 $0x88, s3;
	s6 =	simm.s32 @!p1 $0x1082;
	[sflag:s4] =	ssyncset.s32 $0xFFFFF086  }
0x25: {  	[simem:s6], [sflag:s4] =	dma.local [hbm:s3], $0xF7A  }
0x26: {  	[smem:$0x3F9E] =	sst s1;
	(tag) =	ssettag s2;
	_ =	strace s9  }
0x27: {  	s1 =	sld [smem:$0x3FAE]  }
0x28: {  	s2 =	sld [smem:$0x3FAF]  }
0x29: {  	s4 =	sld [smem:$0x3FB1]  }
0x2a: {  	p0 =	seq.s32 s5, $0x0;
	s5 =	sld [smem:$0x3FB2]  }
0x2b: {  	s6 =	sld [smem:$0x3FB3]  }
0x2c: {  	s7 =	sld [smem:$0x3FB4]  }
0x2d: {  	s3 =	simm.s32 $0x108;
	s8 =	sld [smem:$0x3FB5]  }
0x2e: {  	s3 =	simm.s32 @!p0 $0x1082;
	s9 =	sld [smem:$0x3FB6]  }
0x2f: {  	lr =	sadd.s32 s0, s3;
	s0 =	sld [smem:$0x3FAD]  }
0x30: {  	s3 =	sld [smem:$0x3FB0]  }
0x31: {  	[smem:$0x3FB9] =	sst s10  }
0x32: {  	s10 =	sld [smem:$0x3FB7];
	_ =	sdelay $0x3  }
0x33: {  	p0 =	seq.s32 s10, $0x1;
	s10 =	sld [smem:$0x3FB9];
	_ =	sdelay $0x3  }
0x34: {  	[smem:$0x3FB9] =	sst s10  }
0x35: {  	s10 =	sld [smem:$0x3FB8];
	_ =	sdelay $0x3  }
0x36: {  	p1 =	seq.s32 s10, $0x1;
	s10 =	sld [smem:$0x3FB9];
	_ =	sdelay $0x3  }
0x37: {  	[smem:$0x3FB9] =	sst s10  }
0x38: {  	s10 =	sld [smem:$0x3FBA]  }
0x39: {  	_ = 	snop;
	(pc) =	sbr.ind lr, $3  }
0x3a: {  	_ = 	snop  }
0x3b: {  	_ = 	snop  }
0x3c: {  	p2 =	seq.s32 s10, $0x1;
	s10 =	sld [smem:$0x3FB9]  }
0x3d: {  	_ =	shalt  }
0x3e: {  	_ =	shalt  }
0x3f: {  	_ =	shalt  }
0x40: {  	_ =	shalt  }
0x41: {  	_ =	shalt  }
0x42: {  	_ =	shalt  }
0x43: {  	_ =	shalt  }
0x44: {  	_ =	shalt  }
0x45: {  	_ =	shalt  }
0x46: {  	_ =	shalt  }
0x47: {  	_ =	shalt  }
0x48: {  	_ =	shalt  }
0x49: {  	_ =	shalt  }
0x4a: {  	_ =	shalt  }
0x4b: {  	_ =	shalt  }
0x4c: {  	_ =	shalt  }
0x4d: {  	_ =	shalt  }
0x4e: {  	_ =	shalt  }
0x4f: {  	_ =	shalt  }
0x50: {  	_ =	shalt  }
0x51: {  	_ =	shalt  }
0x52: {  	_ =	shalt  }
0x53: {  	_ =	shalt  }
0x54: {  	_ =	shalt  }
0x55: {  	_ =	shalt  }
0x56: {  	_ =	shalt  }
0x57: {  	_ =	shalt  }
0x58: {  	_ =	shalt  }
0x59: {  	_ =	shalt  }
0x5a: {  	_ =	shalt  }
0x5b: {  	_ =	shalt  }
0x5c: {  	_ =	shalt  }
0x5d: {  	_ =	shalt  }
0x5e: {  	_ =	shalt  }
0x5f: {  	_ =	shalt  }
0x60: {  	_ =	shalt  }
0x61: {  	_ =	shalt  }
0x62: {  	_ =	shalt  }
0x63: {  	_ =	shalt  }
0x64: {  	_ =	shalt  }
0x65: {  	_ =	shalt  }
0x66: {  	_ =	shalt  }
0x67: {  	_ =	shalt  }
0x68: {  	_ =	shalt  }
0x69: {  	_ =	shalt  }
0x6a: {  	_ =	shalt  }
0x6b: {  	_ =	shalt  }
0x6c: {  	_ =	shalt  }
0x6d: {  	_ =	shalt  }
0x6e: {  	_ =	shalt  }
0x6f: {  	_ =	shalt  }
0x70: {  	_ =	shalt  }
0x71: {  	_ =	shalt  }
0x72: {  	_ =	shalt  }
0x73: {  	_ =	shalt  }
0x74: {  	_ =	shalt  }
0x75: {  	_ =	shalt  }
0x76: {  	_ =	shalt  }
0x77: {  	_ =	shalt  }
0x78: {  	_ =	shalt  }
0x79: {  	_ =	shalt  }
0x7a: {  	_ =	shalt  }
0x7b: {  	_ =	shalt  }
0x7c: {  	_ =	shalt  }
0x7d: {  	_ =	shalt  }
0x7e: {  	_ =	shalt  }
0x7f: {  	_ =	shalt  }
0x80: {  	_ =	shalt  }
0x81: {  	_ =	shalt  }
0x82: {  	_ =	shalt  }
0x83: {  	_ =	shalt  }
0x84: {  	_ =	shalt  }
0x85: {  	_ =	shalt  }
0x86: {  	_ =	shalt  }
0x87: {  	_ =	shalt  }
.Lfunc_end0:
.L_simem_size_0:
called_computation_lowered:
.L_overlay_start_0:
0x88: {  	s2 =	sld [smem:$0x3FD9]  }
0x89: {  	s3 =	sld [smem:$0x3FFE];
	_ =	sdelay $0x1  }
0x8a: {  	s1 =	srdreg.scid  }
0x8b: {  	s0 =	sand.u32 $0x1, s1  }
0x8c: {  	s18 =	sshll.u32 s0, $0xA;
	s2 =	sadd.s32 s3, s2  }
0x8d: {  	s2 =	sadd.s32 s2, s18  }
0x8e: {  	[smem:$0x3FC5] =	sst s2  }
0x8f: {  	_ = 	snop  }
0x90: {  	s2 =	sld [smem:$0x3FC9]  }
0x91: {  	s19 =	sld [smem:$0x3FC8]  }
0x92: {  	s4 =	sld [smem:$0x3FC7]  }
0x93: {  	s5 =	sld [smem:$0x3FD0];
	(tm) =	ssettm $0x1  }
0x94: {  	s6 =	sld [smem:$0x3FFB];
	_ =	sdelay $0x3  }
0x95: {  	_ =	strace s6  }
0x96: {  	s6 =	sld [smem:$0x3FFC];
	_ =	sdelay $0x3  }
0x97: {  	_ =	strace s6  }
0x98: {  	s6 =	sld [smem:$0x3FFD];
	_ =	sdelay $0x3  }
0x99: {  	_ =	strace s6  }
0x9a: {  	_ =	strace $0x8FFFFFFF  }
0x9b: {  	s20 =	sld [smem:$0x3FDB];
	_ =	sdelay $0x1  }
0x9c: {  	s7 =	simm.s32 $_scs_section_size  }
0x9d: {  	s8 =	simm.s32 $_size__tile_overlayer_lowered;
	s9 =	simm.s32 $_tile_overlayer_lowered  }
0x9e: {  	s23 =	simm.s32 $0x1BFF;
	s22 =	sshll.u32 s9, $0x1;
	s6 =	sadd.s32 s7, s20  }
0x9f: {  	s10 =	simm.s32 $0x0;
	s21 =	sshll.u32 s8, $0x1;
	s8 =	sadd.s32 s22, s6  }
0xa0: {  	[timem:s10], [sflag:s23] =	dma.local [hbm:s8], s21  }
0xa1: {  	_ =	swait.ge [sflag:s23], s21  }
0xa2: {  	s7 =	ssub.s32 $0x0, s21;
	[sflag:s23] =	ssyncset.done $0x0  }
0xa3: {  	[sflag:s23] =	ssyncadd.s32 s7;
	_ =	sdelay $0x1  }
0xa4: {  	s24 =	simm.s32 $0x1B8B  }
0xa5: {  	_ =	swait.ge [sflag:s24], $0x1  }
0xa6: {  	[sflag:s24] =	ssyncset.done $0x0  }
0xa7: {  	s25 =	simm.s32 $0x1B8E;
	[sflag:s24] =	ssyncadd.s32 $0xFFFFFFFF  }
0xa8: {  	s26 =	simm.s32 $execute0_lowered;
	[smem:$0x3FD2] =	sst s25  }
0xa9: {  	s7 =	sshll.u32 s26, $0x1;
	_ =	strace $0x80000046;
	[dreg:$0x1] =	wrdreg $0xFFFFFFFF  }
0xaa: {  	s28 =	simm.s32 $_size_execute0_lowered;
	s6 =	sadd.s32 s6, s7;
	[dreg:$0x0] =	wrdreg $0x0  }
0xab: {  	s7 =	sshll.u32 s28, $0x1;
	[dreg:$0x2] =	wrdreg s6  }
0xac: {  	[dreg:$0x3] =	wrdreg s7  }
0xad: {  	[dreg:$0x4] =	wrdreg $0xC0  }
0xae: {  	_ =	task [dreg:s10], $0x5FFFF  }
0xaf: {  	[dreg:$0x1] =	wrdreg $0xFFFFFFFF  }
0xb0: {  	[dreg:$0x0] =	wrdreg $0x60  }
0xb1: {  	[dreg:$0x2] =	wrdreg s2  }
0xb2: {  	[dreg:$0x3] =	wrdreg s19  }
0xb3: {  	[dreg:$0x4] =	wrdreg s4  }
0xb4: {  	[dreg:$0x5] =	wrdreg s5  }
0xb5: {  	[dreg:$0x6] =	wrdreg $0x9  }
0xb6: {  	_ =	task.clear_ibuf [dreg:s10], $0x7FFFF;
	_ =	strace $0x90000046  }
0xb7: {  	s29 =	simm.s32 $0x9;
	_ =	strace $0x80000048  }
0xb8: {  	_ =	swait.ge [sflag:s29], $0x1  }
0xb9: {  	[sflag:s29] =	ssyncadd.s32 $0xFFFFFFFF  }
0xba: {  	_ =	strace $0x90000048  }
0xbb: {  	_ =	sfence  }
0xbc: {  	s30 =	sld [smem:$0x0];
	_ =	sdelay $0x2  }
0xbd: {  	s31 =	sshll.u32 s1, $0xD;
	s1 =	sshrl.u32 s1, $0x2  }
0xbe: {  	s3 =	sand.u32 $0x4000, s31;
	s1 =	sadd.s32 s1, s30  }
0xbf: {  	s0 =	sor.u32 s3, s0;
	s1 =	sshll.u32 s1, $0x11  }
0xc0: {  	s0 =	sor.u32 s1, s0  }
0xc1: {  	s0 =	sadd.s32 $0x8F2B, s0  }
0xc2: {  	[sflag:s0] =	ssyncadd.remote.s32 $0x1  }
0xc3: {  	_ =	sfence.sel $0xFFFF  }
0xc4: {  	[dreg:$0x0] =	wrdreg $0xFFFFFFFF;
	(pc) =	sbr.abs _section_cstart, $3  }
0xc5: {  	[dreg:$0x1] =	wrdreg $0xFFFFFFFF  }
0xc6: {  	_ =	task.clear_ibuf [dreg:s10], $0x2FFFF;
	_ =	strace $0x9FFFFFFF  }
0xc7: {  	(tm) =	ssettm $0x7FFFFFFF  }
tec
execute0_lowered:
.L_overlay_start_1:
0x0: {  	(tag) =	ssettag $0x1  }
0x1: {  	s0 =	rddreg [dreg:$0x0]  }
0x2: {  	s1 =	rddreg [dreg:$0x1]  }
0x3: {  	s3 =	rddreg [dreg:$0x2];
	s2 =	srdreg.scid  }
0x4: {  	s4 =	stileid.u32;
	s6 =	rddreg [dreg:$0x3]  }
0x5: {  	s10 =	simm.s32 $0x80;
	s11 =	simm.s32 $0x1900;
	s12 =	simm.s32 $0x48  }
0x6: {  	s13 =	simm.s32 $0x5900;
	s14 =	simm.s32 $0x7D00;
	s15 =	simm.s32 $0xBD00  }
0x7: {  	s16 =	simm.s32 $0x1;
	s17 =	simm.s32 $0x4;
	s18 =	simm.s32 $0xE100  }
0x8: {  	s19 =	simm.s32 $0x12100;
	s20 =	simm.s32 $0x2;
	s21 =	simm.s32 $0x5  }
0x9: {  	s22 =	simm.s32 $0x3;
	s23 =	simm.s32 $0x6;
	s24 =	simm.s32 $0x1838  }
0xa: {  	s25 =	simm.s32 $0x18B8;
	s2 =	sand.u32 $0x1, s2;
	s4 =	sshll.u32 s4, $0x1  }
0xb: {  	s26 =	simm.s32 $0x0;
	s5 =	sor.u32 s2, s4;
	s4 =	simm.s32 $0x0  }
0xc: {  	s2 =	ssub.s32 $0x2, s2;
	s7 =	smul.u32 $0x320, s5;
	[smem:$0x7FF] =	sst s4  }
0xd: {  	s8 =	sshrl.u32 s2, $0x1;
	s9 =	smul.u32 $0x19000, s5;
	_ =	strace $0x80000047  }
0xe: {  	s2 =	ssub.s32 s2, s8;
	s8 =	simm.s32 $0x7;
	s5 =	sadd.s32 s0, s7  }
0xf: {  	s6 =	sadd.s32 s6, s9;
	s7 =	smax.u32 s2, $0x1;
	s9 =	simm.s32 $0x14500  }
.LBB2_1:
0x10: {  	[tilespmem:s4], [sflag:$0x7] =	stream.linear.gather [hbm4b:s5+s4], $0x1900, $0x38;
	[tilespmem:$0x1A900] =	vst v63  }
0x11: {  	_ =	swait.ge [sflag:s8], $0x1900  }
0x12: {  	[sflag:s8] =	ssyncset.done $0x0  }
0x13: {  	[sflag:s8] =	ssyncadd.s32 $0xFFFFE700  }
0x14: {  	[tilespmem:s9], [sflag:$0x7] =	stream.linear.gather [hbm4b:s3+s4], $0x6400, $0x38;
	[tilespmem:$0x1A900] =	vst v63  }
0x15: {  	_ =	swait.ge [sflag:s8], $0x6400  }
0x16: {  	[sflag:s8] =	ssyncset.done $0x0  }
0x17: {  	[sflag:s8] =	ssyncadd.s32 $0xFFFF9C00  }
0x18: {  	[tilespmem:s11], [sflag:$0x1] =	stream.indirect.gather [hbm4b:s1+s10], $0x80, s4, s10, $0xb8;
	[tilespmem:$0x1A900] =	vst v63  }
0x19: {  	s28 =	simm.s32 $0x0  }
0x1a: {  	[tilespmem:s13], [sflag:$0x4] =	stream.indirect.gather [hbm4b:s1+s12], $0x80, s10, s12, $0xb8;
	[tilespmem:$0x1A900] =	vst v63  }
.LBB2_2:
0x1b: {  	s0 =	smul.u32 $0x960, s28;
	_ =	sdelay $0x1  }
0x1c: {  	s29 =	sshra.s32 s0, $0x2  }
0x1d: {  	s0 =	sadd.s32 $0xC8, s29  }
0x1e: {  	[tilespmem:s14], [sflag:$0x2] =	stream.indirect.gather [hbm4b:s1+s10], $0x80, s0, s10, $0xb8;
	[tilespmem:$0x1A900] =	vst v63  }
0x1f: {  	s2 =	sadd.s32 $0x148, s29  }
0x20: {  	[tilespmem:s15], [sflag:$0x5] =	stream.indirect.gather [hbm4b:s1+s12], $0x80, s2, s12, $0xb8;
	[tilespmem:$0x1A900] =	vst v63  }
0x21: {  	_ =	swait.ge [sflag:s16], $0x4000  }
0x22: {  	[sflag:s16] =	ssyncset.done $0x0  }
0x23: {  	s30 =	simm.s32 $0x1A00;
	[sflag:s16] =	ssyncadd.s32 $0xFFFFC000  }
0x24: {  	s31 =	simm.s32 $0x14600;
	v0 =	vld [tilespmem:s30+$0x80]  }
0x25: {  	v1 =	vld [tilespmem:s31+$0x80]  }
0x26: {  	v2 =	vld [tilespmem:s30+$0xFFFFFF80]  }
0x27: {  	v3 =	vld [tilespmem:s31+$0xFFFFFF80]  }
0x28: {  	v4 =	vld [tilespmem:s30+$0x0]  }
0x29: {  	v5 =	vld [tilespmem:s31+$0x0]  }
0x2a: {  	v6 =	vld [tilespmem:s30+$0xFFFFFF00];
	v0 =	vadd.f32 v1, v0  }
0x2b: {  	v1 =	vld [tilespmem:s31+$0xFFFFFF00]  }
0x2c: {  	[tilespmem:s30+$0x80] =	vst v0;
	v0 =	vld [tilespmem:s30+$0x90]  }
0x2d: {  	v2 =	vadd.f32 v3, v2;
	v3 =	vld [tilespmem:s31+$0x90]  }
0x2e: {  	v7 =	vld [tilespmem:s30+$0xFFFFFF10]  }
0x2f: {  	[tilespmem:s30+$0xFFFFFF80] =	vst v2;
	v2 =	vadd.f32 v5, v4;
	v4 =	vld [tilespmem:s30+$0xFFFFFF90]  }
0x30: {  	v5 =	vld [tilespmem:s31+$0xFFFFFF90];
	v1 =	vadd.f32 v1, v6  }
0x31: {  	[tilespmem:s30+$0x0] =	vst v2;
	v2 =	vld [tilespmem:s30+$0x10]  }
0x32: {  	v6 =	vld [tilespmem:s31+$0x10];
	[tilespmem:s30+$0xFFFFFF00] =	vst v1;
	v0 =	vadd.f32 v3, v0  }
0x33: {  	v1 =	vld [tilespmem:s31+$0xFFFFFF10]  }
0x34: {  	[tilespmem:s30+$0x90] =	vst v0;
	v0 =	vld [tilespmem:s30+$0xA0]  }
0x35: {  	v3 =	vadd.f32 v5, v4;
	v4 =	vld [tilespmem:s31+$0xA0]  }
0x36: {  	v5 =	vld [tilespmem:s30+$0xFFFFFF20]  }
0x37: {  	[tilespmem:s30+$0xFFFFFF90] =	vst v3;
	v2 =	vadd.f32 v6, v2;
	v3 =	vld [tilespmem:s30+$0xFFFFFFA0]  }
0x38: {  	v6 =	vld [tilespmem:s31+$0xFFFFFFA0];
	v1 =	vadd.f32 v1, v7  }
0x39: {  	[tilespmem:s30+$0x10] =	vst v2;
	v2 =	vld [tilespmem:s30+$0x20]  }
0x3a: {  	v7 =	vld [tilespmem:s31+$0x20];
	[tilespmem:s30+$0xFFFFFF10] =	vst v1;
	v0 =	vadd.f32 v4, v0  }
0x3b: {  	v1 =	vld [tilespmem:s31+$0xFFFFFF20]  }
0x3c: {  	[tilespmem:s30+$0xA0] =	vst v0;
	v0 =	vld [tilespmem:s30+$0xB0]  }
0x3d: {  	v3 =	vadd.f32 v6, v3;
	v4 =	vld [tilespmem:s31+$0xB0]  }
0x3e: {  	v6 =	vld [tilespmem:s30+$0xFFFFFF30]  }
0x3f: {  	[tilespmem:s30+$0xFFFFFFA0] =	vst v3;
	v2 =	vadd.f32 v7, v2;
	v3 =	vld [tilespmem:s30+$0xFFFFFFB0]  }
0x40: {  	v7 =	vld [tilespmem:s31+$0xFFFFFFB0];
	v1 =	vadd.f32 v1, v5  }
0x41: {  	[tilespmem:s30+$0x20] =	vst v2;
	v2 =	vld [tilespmem:s30+$0x30]  }
0x42: {  	v5 =	vld [tilespmem:s31+$0x30];
	[tilespmem:s30+$0xFFFFFF20] =	vst v1;
	v0 =	vadd.f32 v4, v0  }
0x43: {  	v1 =	vld [tilespmem:s31+$0xFFFFFF30]  }
0x44: {  	[tilespmem:s30+$0xB0] =	vst v0;
	v0 =	vld [tilespmem:s30+$0xC0]  }
0x45: {  	v3 =	vadd.f32 v7, v3;
	v4 =	vld [tilespmem:s31+$0xC0]  }
0x46: {  	v7 =	vld [tilespmem:s30+$0xFFFFFF40]  }
0x47: {  	[tilespmem:s30+$0xFFFFFFB0] =	vst v3;
	v2 =	vadd.f32 v5, v2;
	v3 =	vld [tilespmem:s30+$0xFFFFFFC0]  }
0x48: {  	v5 =	vld [tilespmem:s31+$0xFFFFFFC0];
	v1 =	vadd.f32 v1, v6  }
0x49: {  	[tilespmem:s30+$0x30] =	vst v2;
	v2 =	vld [tilespmem:s30+$0x40]  }
0x4a: {  	v6 =	vld [tilespmem:s31+$0x40];
	[tilespmem:s30+$0xFFFFFF30] =	vst v1;
	v0 =	vadd.f32 v4, v0  }
0x4b: {  	v1 =	vld [tilespmem:s31+$0xFFFFFF40]  }
0x4c: {  	[tilespmem:s30+$0xC0] =	vst v0;
	v0 =	vld [tilespmem:s30+$0xD0]  }
0x4d: {  	v3 =	vadd.f32 v5, v3;
	v4 =	vld [tilespmem:s31+$0xD0]  }
0x4e: {  	v5 =	vld [tilespmem:s30+$0xFFFFFF50]  }
0x4f: {  	[tilespmem:s30+$0xFFFFFFC0] =	vst v3;
	v2 =	vadd.f32 v6, v2;
	v3 =	vld [tilespmem:s30+$0xFFFFFFD0]  }
0x50: {  	v6 =	vld [tilespmem:s31+$0xFFFFFFD0];
	v1 =	vadd.f32 v1, v7  }
0x51: {  	[tilespmem:s30+$0x40] =	vst v2;
	v2 =	vld [tilespmem:s30+$0x50]  }
0x52: {  	v7 =	vld [tilespmem:s31+$0x50];
	[tilespmem:s30+$0xFFFFFF40] =	vst v1;
	v0 =	vadd.f32 v4, v0  }
0x53: {  	v1 =	vld [tilespmem:s31+$0xFFFFFF50]  }
0x54: {  	[tilespmem:s30+$0xD0] =	vst v0;
	v0 =	vld [tilespmem:s30+$0xE0]  }
0x55: {  	v3 =	vadd.f32 v6, v3;
	v4 =	vld [tilespmem:s31+$0xE0]  }
0x56: {  	v6 =	vld [tilespmem:s30+$0xFFFFFF60]  }
0x57: {  	[tilespmem:s30+$0xFFFFFFD0] =	vst v3;
	v2 =	vadd.f32 v7, v2;
	v3 =	vld [tilespmem:s30+$0xFFFFFFE0]  }
0x58: {  	v7 =	vld [tilespmem:s31+$0xFFFFFFE0];
	v1 =	vadd.f32 v1, v5  }
0x59: {  	[tilespmem:s30+$0x50] =	vst v2;
	v2 =	vld [tilespmem:s30+$0x60]  }
0x5a: {  	v5 =	vld [tilespmem:s31+$0x60];
	[tilespmem:s30+$0xFFFFFF50] =	vst v1;
	v0 =	vadd.f32 v4, v0  }
0x5b: {  	v4 =	vld [tilespmem:s31+$0xFFFFFF60]  }
0x5c: {  	v8 =	vld [tilespmem:s30+$0xF0];
	[tilespmem:s30+$0xE0] =	vst v0  }
0x5d: {  	v1 =	vadd.f32 v7, v3;
	v7 =	vld [tilespmem:s31+$0xF0]  }
0x5e: {  	v0 =	vld [tilespmem:s30+$0xFFFFFF70]  }
0x5f: {  	[tilespmem:s30+$0xFFFFFFE0] =	vst v1;
	v2 =	vadd.f32 v5, v2;
	v1 =	vld [tilespmem:s30+$0xFFFFFFF0]  }
0x60: {  	v3 =	vld [tilespmem:s31+$0xFFFFFFF0];
	v4 =	vadd.f32 v4, v6  }
0x61: {  	[tilespmem:s30+$0x60] =	vst v2;
	v2 =	vld [tilespmem:s30+$0x70]  }
0x62: {  	[tilespmem:s30+$0xFFFFFF60] =	vst v4;
	v4 =	vld [tilespmem:s31+$0x70];
	v6 =	vadd.f32 v7, v8  }
0x63: {  	s0 =	simm.s32 $0x1C00;
	s2 =	simm.s32 $0x0;
	v5 =	vld [tilespmem:s31+$0xFFFFFF70]  }
.LBB2_3:
0x64: {  	v7 =	vld [tilespmem:s0+$0x80];
	[tilespmem:s30+$0xF0] =	vst v6;
	s31 =	sadd.s32 $0x200, s31  }
0x65: {  	s2 =	sadd.s32 $0x4, s2;
	v6 =	vld [tilespmem:s31+$0x80];
	v1 =	vadd.f32 v3, v1  }
0x66: {  	p0 =	slt.u32 s2, $0x7C;
	v3 =	vld [tilespmem:s31+$0xFFFFFF00]  }
0x67: {  	v8 =	vld [tilespmem:s0+$0xFFFFFF80];
	[tilespmem:s30+$0xFFFFFFF0] =	vst v1;
	v1 =	vadd.f32 v4, v2  }
0x68: {  	v2 =	vld [tilespmem:s31+$0xFFFFFF80];
	v0 =	vadd.f32 v5, v0  }
0x69: {  	v4 =	vld [tilespmem:s0+$0x0];
	[tilespmem:s30+$0x70] =	vst v1  }
0x6a: {  	v1 =	vld [tilespmem:s31+$0x0];
	v5 =	vadd.f32 v6, v7;
	[tilespmem:s30+$0xFFFFFF70] =	vst v0;
	s30 =	smov.u32 s0  }
0x6b: {  	v0 =	vld [tilespmem:s0+$0xFFFFFF00]  }
0x6c: {  	[tilespmem:s0+$0x80] =	vst v5;
	v5 =	vld [tilespmem:s0+$0x90]  }
0x6d: {  	v2 =	vadd.f32 v2, v8;
	v6 =	vld [tilespmem:s31+$0x90]  }
0x6e: {  	v7 =	vld [tilespmem:s0+$0xFFFFFF10]  }
0x6f: {  	[tilespmem:s0+$0xFFFFFF80] =	vst v2;
	v2 =	vld [tilespmem:s0+$0xFFFFFF90];
	v1 =	vadd.f32 v1, v4  }
0x70: {  	v0 =	vadd.f32 v3, v0;
	v3 =	vld [tilespmem:s31+$0xFFFFFF90]  }
0x71: {  	[tilespmem:s0+$0x0] =	vst v1;
	v1 =	vld [tilespmem:s0+$0x10]  }
0x72: {  	[tilespmem:s0+$0xFFFFFF00] =	vst v0;
	v0 =	vld [tilespmem:s31+$0x10];
	v4 =	vadd.f32 v6, v5  }
0x73: {  	v5 =	vld [tilespmem:s31+$0xFFFFFF10]  }
0x74: {  	[tilespmem:s0+$0x90] =	vst v4;
	v4 =	vld [tilespmem:s0+$0xA0]  }
0x75: {  	v2 =	vadd.f32 v3, v2;
	v3 =	vld [tilespmem:s31+$0xA0]  }
0x76: {  	v6 =	vld [tilespmem:s0+$0xFFFFFF20]  }
0x77: {  	[tilespmem:s0+$0xFFFFFF90] =	vst v2;
	v2 =	vld [tilespmem:s0+$0xFFFFFFA0];
	v0 =	vadd.f32 v0, v1  }
0x78: {  	v1 =	vadd.f32 v5, v7;
	v5 =	vld [tilespmem:s31+$0xFFFFFFA0]  }
0x79: {  	[tilespmem:s0+$0x10] =	vst v0;
	v0 =	vld [tilespmem:s0+$0x20]  }
0x7a: {  	[tilespmem:s0+$0xFFFFFF10] =	vst v1;
	v1 =	vld [tilespmem:s31+$0x20];
	v3 =	vadd.f32 v3, v4  }
0x7b: {  	v4 =	vld [tilespmem:s31+$0xFFFFFF20]  }
0x7c: {  	[tilespmem:s0+$0xA0] =	vst v3;
	v3 =	vld [tilespmem:s0+$0xB0]  }
0x7d: {  	v2 =	vadd.f32 v5, v2;
	v5 =	vld [tilespmem:s31+$0xB0]  }
0x7e: {  	v7 =	vld [tilespmem:s0+$0xFFFFFF30]  }
0x7f: {  	[tilespmem:s0+$0xFFFFFFA0] =	vst v2;
	v2 =	vld [tilespmem:s0+$0xFFFFFFB0];
	v0 =	vadd.f32 v1, v0  }
0x80: {  	v1 =	vadd.f32 v4, v6;
	v4 =	vld [tilespmem:s31+$0xFFFFFFB0]  }
0x81: {  	[tilespmem:s0+$0x20] =	vst v0;
	v0 =	vld [tilespmem:s0+$0x30]  }
0x82: {  	[tilespmem:s0+$0xFFFFFF20] =	vst v1;
	v1 =	vld [tilespmem:s31+$0x30];
	v3 =	vadd.f32 v5, v3  }
0x83: {  	v5 =	vld [tilespmem:s31+$0xFFFFFF30]  }
0x84: {  	[tilespmem:s0+$0xB0] =	vst v3;
	v3 =	vld [tilespmem:s0+$0xC0]  }
0x85: {  	v2 =	vadd.f32 v4, v2;
	v4 =	vld [tilespmem:s31+$0xC0]  }
0x86: {  	v6 =	vld [tilespmem:s0+$0xFFFFFF40]  }
0x87: {  	[tilespmem:s0+$0xFFFFFFB0] =	vst v2;
	v2 =	vld [tilespmem:s0+$0xFFFFFFC0];
	v0 =	vadd.f32 v1, v0  }
0x88: {  	v1 =	vadd.f32 v5, v7;
	v5 =	vld [tilespmem:s31+$0xFFFFFFC0]  }
0x89: {  	[tilespmem:s0+$0x30] =	vst v0;
	v0 =	vld [tilespmem:s0+$0x40]  }
0x8a: {  	[tilespmem:s0+$0xFFFFFF30] =	vst v1;
	v1 =	vld [tilespmem:s31+$0x40];
	v3 =	vadd.f32 v4, v3  }
0x8b: {  	v4 =	vld [tilespmem:s31+$0xFFFFFF40]  }
0x8c: {  	[tilespmem:s0+$0xC0] =	vst v3;
	v3 =	vld [tilespmem:s0+$0xD0]  }
0x8d: {  	v2 =	vadd.f32 v5, v2;
	v5 =	vld [tilespmem:s31+$0xD0]  }
0x8e: {  	v7 =	vld [tilespmem:s0+$0xFFFFFF50]  }
0x8f: {  	[tilespmem:s0+$0xFFFFFFC0] =	vst v2;
	v2 =	vld [tilespmem:s0+$0xFFFFFFD0];
	v0 =	vadd.f32 v1, v0  }
0x90: {  	v1 =	vadd.f32 v4, v6;
	v4 =	vld [tilespmem:s31+$0xFFFFFFD0]  }
0x91: {  	[tilespmem:s0+$0x40] =	vst v0;
	v0 =	vld [tilespmem:s0+$0x50]  }
0x92: {  	[tilespmem:s0+$0xFFFFFF40] =	vst v1;
	v1 =	vld [tilespmem:s31+$0x50];
	v3 =	vadd.f32 v5, v3  }
0x93: {  	v5 =	vld [tilespmem:s31+$0xFFFFFF50]  }
0x94: {  	[tilespmem:s0+$0xD0] =	vst v3;
	v3 =	vld [tilespmem:s0+$0xE0]  }
0x95: {  	v2 =	vadd.f32 v4, v2;
	v4 =	vld [tilespmem:s31+$0xE0]  }
0x96: {  	v6 =	vld [tilespmem:s0+$0xFFFFFF60]  }
0x97: {  	[tilespmem:s0+$0xFFFFFFD0] =	vst v2;
	v2 =	vld [tilespmem:s0+$0xFFFFFFE0];
	v0 =	vadd.f32 v1, v0  }
0x98: {  	v1 =	vadd.f32 v5, v7;
	v5 =	vld [tilespmem:s31+$0xFFFFFFE0]  }
0x99: {  	[tilespmem:s0+$0x50] =	vst v0;
	v7 =	vld [tilespmem:s0+$0x60]  }
0x9a: {  	[tilespmem:s0+$0xFFFFFF50] =	vst v1;
	v8 =	vld [tilespmem:s31+$0x60];
	v0 =	vadd.f32 v4, v3  }
0x9b: {  	v3 =	vld [tilespmem:s31+$0xFFFFFF60]  }
0x9c: {  	[tilespmem:s0+$0xE0] =	vst v0;
	v9 =	vld [tilespmem:s0+$0xF0]  }
0x9d: {  	v1 =	vadd.f32 v5, v2;
	v5 =	vld [tilespmem:s31+$0xF0]  }
0x9e: {  	v0 =	vld [tilespmem:s0+$0xFFFFFF70]  }
.Ltmp0:
0x9f: {  	[tilespmem:s0+$0xFFFFFFE0] =	vst v1;
	v1 =	vld [tilespmem:s0+$0xFFFFFFF0];
	v2 =	vadd.f32 v8, v7;
	(pc) =	sbr.rel @p0 .LBB2_3-.Ltmp0, $4  }
0xa0: {  	v4 =	vadd.f32 v3, v6;
	v3 =	vld [tilespmem:s31+$0xFFFFFFF0]  }
0xa1: {  	[tilespmem:s0+$0x60] =	vst v2;
	v2 =	vld [tilespmem:s0+$0x70]  }
0xa2: {  	[tilespmem:s0+$0xFFFFFF60] =	vst v4;
	v4 =	vld [tilespmem:s31+$0x70];
	v6 =	vadd.f32 v5, v9  }
0xa3: {  	s0 =	sadd.s32 $0x200, s0;
	v5 =	vld [tilespmem:s31+$0xFFFFFF70]  }
0xa4: {  	_ =	sdelay $0x1  }
0xa5: {  	v1 =	vadd.f32 v3, v1  }
0xa6: {  	[tilespmem:s30+$0xF0] =	vst v6;
	v2 =	vadd.f32 v4, v2  }
0xa7: {  	[tilespmem:s30+$0xFFFFFFF0] =	vst v1;
	v0 =	vadd.f32 v5, v0  }
0xa8: {  	[tilespmem:s30+$0x70] =	vst v2  }
0xa9: {  	[tilespmem:s30+$0xFFFFFF70] =	vst v0  }
0xaa: {  	_ =	swait.ge [sflag:s17], $0x2400  }
0xab: {  	[sflag:s17] =	ssyncset.done $0x0  }
0xac: {  	s30 =	simm.s32 $0x0;
	[sflag:s17] =	ssyncadd.s32 $0xFFFFDC00  }
0xad: {  	v0 =	vld [tilespmem:s30+$0x5900]  }
0xae: {  	v1 =	vld [tilespmem:s30+$0x18500]  }
0xaf: {  	v2 =	vld [tilespmem:s30+$0x5910]  }
0xb0: {  	v3 =	vld [tilespmem:s30+$0x18510]  }
0xb1: {  	v4 =	vld [tilespmem:s30+$0x5920]  }
0xb2: {  	v5 =	vld [tilespmem:s30+$0x18520]  }
0xb3: {  	v6 =	vld [tilespmem:s30+$0x18530]  }
0xb4: {  	v7 =	vld [tilespmem:s30+$0x5AF0]  }
0xb5: {  	v8 =	vld [tilespmem:s30+$0x186F0]  }
0xb6: {  	v9 =	vld [tilespmem:s30+$0x18560]  }
0xb7: {  	v10 =	vld [tilespmem:s30+$0x5980]  }
0xb8: {  	v11 =	vld [tilespmem:s30+$0x18580]  }
0xb9: {  	v12 =	vld [tilespmem:s30+$0x5990]  }
0xba: {  	v13 =	vld [tilespmem:s30+$0x18590]  }
0xbb: {  	v14 =	vld [tilespmem:s30+$0x59A0]  }
0xbc: {  	v45 =	vld [tilespmem:s30+$0x59B0]  }
0xbd: {  	v15 =	vld [tilespmem:s30+$0x5970]  }
0xbe: {  	v47 =	vld [tilespmem:s30+$0x59C0]  }
0xbf: {  	v48 =	vld [tilespmem:s30+$0x185C0]  }
0xc0: {  	v16 =	vld [tilespmem:s30+$0x18570]  }
0xc1: {  	v49 =	vld [tilespmem:s30+$0x59D0]  }
0xc2: {  	v17 =	vld [tilespmem:s30+$0x185D0]  }
0xc3: {  	v18 =	vld [tilespmem:s30+$0x5A00]  }
0xc4: {  	v19 =	vld [tilespmem:s30+$0x18600]  }
0xc5: {  	v20 =	vld [tilespmem:s30+$0x5A10]  }
0xc6: {  	v21 =	vld [tilespmem:s30+$0x18610]  }
0xc7: {  	v22 =	vld [tilespmem:s30+$0x5A20]  }
0xc8: {  	v50 =	vld [tilespmem:s30+$0x18620]  }
0xc9: {  	v51 =	vld [tilespmem:s30+$0x5A30]  }
0xca: {  	v23 =	vld [tilespmem:s30+$0x59E0]  }
0xcb: {  	v53 =	vld [tilespmem:s30+$0x5A40]  }
0xcc: {  	v0 =	vadd.f32 v1, v0;
	v1 =	vld [tilespmem:s30+$0x5930]  }
0xcd: {  	v54 =	vld [tilespmem:s30+$0x18640]  }
0xce: {  	v55 =	vld [tilespmem:s30+$0x185E0]  }
0xcf: {  	v56 =	vld [tilespmem:s30+$0x5A50];
	v10 =	vadd.f32 v11, v10  }
0xd0: {  	v46 =	vadd.f32 v13, v12;
	[tilespmem:s30+$0x5900] =	vst v0;
	v0 =	vadd.f32 v3, v2;
	v2 =	vld [tilespmem:s30+$0x5940]  }
0xd1: {  	[tilespmem:s30+$0x5980] =	vst v10;
	v1 =	vadd.f32 v6, v1;
	v6 =	vld [tilespmem:s30+$0x185A0]  }
0xd2: {  	v18 =	vadd.f32 v19, v18;
	v3 =	vld [tilespmem:s30+$0x18540];
	[tilespmem:s30+$0x5990] =	vst v46  }
0xd3: {  	v52 =	vadd.f32 v21, v20;
	[tilespmem:s30+$0x5910] =	vst v0;
	v0 =	vadd.f32 v5, v4;
	v4 =	vld [tilespmem:s30+$0x5950]  }
0xd4: {  	[tilespmem:s30+$0x5A00] =	vst v18;
	v5 =	vld [tilespmem:s30+$0x18550]  }
0xd5: {  	v57 =	vld [tilespmem:s30+$0x59F0];
	v7 =	vadd.f32 v8, v7;
	[tilespmem:s30+$0x5A10] =	vst v52  }
0xd6: {  	[tilespmem:s30+$0x5920] =	vst v0;
	v0 =	vld [tilespmem:s30+$0x5960];
	v6 =	vadd.f32 v6, v14  }
0xd7: {  	v58 =	vld [tilespmem:s30+$0x5A60];
	[tilespmem:s30+$0x5AF0] =	vst v7  }
0xd8: {  	v2 =	vadd.f32 v3, v2;
	[tilespmem:s30+$0x59A0] =	vst v6;
	v6 =	vld [tilespmem:s30+$0x18630]  }
0xd9: {  	[tilespmem:s30+$0x5930] =	vst v1;
	v1 =	vld [tilespmem:s30+$0x185B0];
	v4 =	vadd.f32 v5, v4  }
0xda: {  	v59 =	vld [tilespmem:s30+$0x18660];
	[tilespmem:s30+$0x5940] =	vst v2;
	v14 =	vadd.f32 v50, v22  }
0xdb: {  	v5 =	vld [tilespmem:s30+$0x5A80];
	v0 =	vadd.f32 v9, v0;
	[tilespmem:s30+$0x5950] =	vst v4  }
0xdc: {  	v2 =	vld [tilespmem:s30+$0x18680];
	v4 =	vadd.f32 v16, v15;
	[tilespmem:s30+$0x5A20] =	vst v14  }
0xdd: {  	v60 =	vld [tilespmem:s30+$0x18690];
	[tilespmem:s30+$0x5960] =	vst v0;
	v6 =	vadd.f32 v6, v51  }
0xde: {  	v7 =	vld [tilespmem:s30+$0x5A90];
	v1 =	vadd.f32 v1, v45;
	[tilespmem:s30+$0x5970] =	vst v4  }
0xdf: {  	v0 =	vadd.f32 v48, v47;
	[tilespmem:s30+$0x5A30] =	vst v6;
	v6 =	vld [tilespmem:s30+$0x185F0]  }
0xe0: {  	v61 =	vld [tilespmem:s30+$0x5AA0];
	v4 =	vadd.f32 v17, v49;
	[tilespmem:s30+$0x59B0] =	vst v1  }
0xe1: {  	v63 =	vld [tilespmem:s30+$0x18670];
	v2 =	vadd.f32 v2, v5;
	[tilespmem:s30+$0x59C0] =	vst v0  }
0xe2: {  	v1 =	vld [tilespmem:s30+$0x18650];
	v0 =	vadd.f32 v55, v23;
	[tilespmem:s30+$0x59D0] =	vst v4  }
0xe3: {  	v3 =	vld [tilespmem:s30+$0x5A70];
	[tilespmem:s30+$0x5A80] =	vst v2;
	v2 =	vadd.f32 v60, v7  }
0xe4: {  	v62 =	vld [tilespmem:s30+$0x186A0];
	[tilespmem:s30+$0x59E0] =	vst v0;
	v0 =	vadd.f32 v6, v57  }
0xe5: {  	v5 =	vld [tilespmem:s30+$0x186B0];
	[tilespmem:s30+$0x5A90] =	vst v2;
	v6 =	vadd.f32 v54, v53  }
0xe6: {  	v4 =	vld [tilespmem:s30+$0x5AB0];
	v7 =	vadd.f32 v59, v58;
	[tilespmem:s30+$0x59F0] =	vst v0  }
0xe7: {  	v0 =	vld [tilespmem:s30+$0x5AC0];
	[tilespmem:s30+$0x5A40] =	vst v6;
	v6 =	vadd.f32 v1, v56  }
0xe8: {  	[tilespmem:s30+$0x5A60] =	vst v7;
	v7 =	vadd.f32 v63, v3;
	v1 =	vld [tilespmem:s30+$0x186C0]  }
0xe9: {  	v2 =	vld [tilespmem:s30+$0x5AD0];
	[tilespmem:s30+$0x5A50] =	vst v6;
	v6 =	vadd.f32 v62, v61  }
0xea: {  	v3 =	vld [tilespmem:s30+$0x186D0];
	[tilespmem:s30+$0x5A70] =	vst v7  }
0xeb: {  	s31 =	simm.s32 $0x80;
	s0 =	simm.s32 $0x800;
	v5 =	vadd.f32 v5, v4;
	v4 =	vld [tilespmem:s30+$0x5AE0];
	[tilespmem:s30+$0x5AA0] =	vst v6  }
.LBB2_5:
0xec: {  	s2 =	sshra.s32 s0, $0x2;
	v6 =	vld [tilespmem:s30+$0x186E0]  }
0xed: {  	s31 =	sadd.s32 $0x4, s31;
	v7 =	vld [tilespmem:s2+$0x5AF0];
	[tilespmem:s30+$0x5AB0] =	vst v5;
	v0 =	vadd.f32 v1, v0  }
0xee: {  	p0 =	slt.u32 s31, $0xC4;
	v1 =	vld [tilespmem:s2+$0x186F0]  }
0xef: {  	v5 =	vld [tilespmem:s2+$0x5900];
	[tilespmem:s30+$0x5AC0] =	vst v0;
	v0 =	vadd.f32 v3, v2  }
0xf0: {  	v2 =	vld [tilespmem:s2+$0x18500]  }
0xf1: {  	v3 =	vld [tilespmem:s2+$0x5910];
	[tilespmem:s30+$0x5AD0] =	vst v0;
	v0 =	vadd.f32 v6, v4  }
0xf2: {  	v4 =	vld [tilespmem:s2+$0x18510]  }
0xf3: {  	v6 =	vld [tilespmem:s2+$0x5920];
	v1 =	vadd.f32 v1, v7;
	[tilespmem:s30+$0x5AE0] =	vst v0;
	s30 =	smov.u32 s2  }
0xf4: {  	v0 =	vld [tilespmem:s30+$0x18520]  }
0xf5: {  	v2 =	vadd.f32 v2, v5;
	v5 =	vld [tilespmem:s30+$0x5930];
	[tilespmem:s30+$0x5AF0] =	vst v1  }
0xf6: {  	v1 =	vld [tilespmem:s30+$0x18530]  }
0xf7: {  	[tilespmem:s30+$0x5900] =	vst v2;
	v2 =	vadd.f32 v4, v3;
	v3 =	vld [tilespmem:s30+$0x5940]  }
0xf8: {  	v4 =	vld [tilespmem:s30+$0x18540]  }
0xf9: {  	[tilespmem:s30+$0x5910] =	vst v2;
	v0 =	vadd.f32 v0, v6;
	v2 =	vld [tilespmem:s30+$0x5950]  }
0xfa: {  	v6 =	vld [tilespmem:s30+$0x18550]  }
0xfb: {  	[tilespmem:s30+$0x5920] =	vst v0;
	v0 =	vadd.f32 v1, v5;
	v1 =	vld [tilespmem:s30+$0x5960]  }
0xfc: {  	v5 =	vld [tilespmem:s30+$0x18560]  }
0xfd: {  	[tilespmem:s30+$0x5930] =	vst v0;
	v0 =	vadd.f32 v4, v3;
	v3 =	vld [tilespmem:s30+$0x5970]  }
0xfe: {  	v4 =	vld [tilespmem:s30+$0x18570]  }
0xff: {  	[tilespmem:s30+$0x5940] =	vst v0;
	v0 =	vadd.f32 v6, v2;
	v2 =	vld [tilespmem:s30+$0x5980]  }
0x100: {  	v6 =	vld [tilespmem:s30+$0x18580]  }
0x101: {  	[tilespmem:s30+$0x5950] =	vst v0;
	v0 =	vadd.f32 v5, v1;
	v1 =	vld [tilespmem:s30+$0x5990]  }
0x102: {  	v5 =	vld [tilespmem:s30+$0x18590]  }
0x103: {  	[tilespmem:s30+$0x5960] =	vst v0;
	v0 =	vadd.f32 v4, v3;
	v3 =	vld [tilespmem:s30+$0x59A0]  }
0x104: {  	v4 =	vld [tilespmem:s30+$0x185A0]  }
0x105: {  	[tilespmem:s30+$0x5970] =	vst v0;
	v0 =	vadd.f32 v6, v2;
	v2 =	vld [tilespmem:s30+$0x59B0]  }
0x106: {  	v6 =	vld [tilespmem:s30+$0x185B0]  }
0x107: {  	[tilespmem:s30+$0x5980] =	vst v0;
	v0 =	vadd.f32 v5, v1;
	v1 =	vld [tilespmem:s30+$0x59C0]  }
0x108: {  	v5 =	vld [tilespmem:s30+$0x185C0]  }
0x109: {  	[tilespmem:s30+$0x5990] =	vst v0;
	v0 =	vadd.f32 v4, v3;
	v3 =	vld [tilespmem:s30+$0x59D0]  }
0x10a: {  	v4 =	vld [tilespmem:s30+$0x185D0]  }
0x10b: {  	[tilespmem:s30+$0x59A0] =	vst v0;
	v0 =	vadd.f32 v6, v2;
	v2 =	vld [tilespmem:s30+$0x59E0]  }
0x10c: {  	v6 =	vld [tilespmem:s30+$0x185E0]  }
0x10d: {  	[tilespmem:s30+$0x59B0] =	vst v0;
	v0 =	vadd.f32 v5, v1;
	v1 =	vld [tilespmem:s30+$0x59F0]  }
0x10e: {  	v5 =	vld [tilespmem:s30+$0x185F0]  }
0x10f: {  	[tilespmem:s30+$0x59C0] =	vst v0;
	v0 =	vadd.f32 v4, v3;
	v3 =	vld [tilespmem:s30+$0x5A00]  }
0x110: {  	v4 =	vld [tilespmem:s30+$0x18600]  }
0x111: {  	[tilespmem:s30+$0x59D0] =	vst v0;
	v0 =	vadd.f32 v6, v2;
	v2 =	vld [tilespmem:s30+$0x5A10]  }
0x112: {  	v6 =	vld [tilespmem:s30+$0x18610]  }
0x113: {  	[tilespmem:s30+$0x59E0] =	vst v0;
	v0 =	vadd.f32 v5, v1;
	v1 =	vld [tilespmem:s30+$0x5A20]  }
0x114: {  	v5 =	vld [tilespmem:s30+$0x18620]  }
0x115: {  	[tilespmem:s30+$0x59F0] =	vst v0;
	v0 =	vadd.f32 v4, v3;
	v3 =	vld [tilespmem:s30+$0x5A30]  }
0x116: {  	v4 =	vld [tilespmem:s30+$0x18630]  }
0x117: {  	[tilespmem:s30+$0x5A00] =	vst v0;
	v0 =	vadd.f32 v6, v2;
	v2 =	vld [tilespmem:s30+$0x5A40]  }
0x118: {  	v6 =	vld [tilespmem:s30+$0x18640]  }
0x119: {  	[tilespmem:s30+$0x5A10] =	vst v0;
	v0 =	vadd.f32 v5, v1;
	v1 =	vld [tilespmem:s30+$0x5A50]  }
0x11a: {  	v5 =	vld [tilespmem:s30+$0x18650]  }
0x11b: {  	[tilespmem:s30+$0x5A20] =	vst v0;
	v0 =	vadd.f32 v4, v3;
	v3 =	vld [tilespmem:s30+$0x5A60]  }
0x11c: {  	v4 =	vld [tilespmem:s30+$0x18660]  }
0x11d: {  	[tilespmem:s30+$0x5A30] =	vst v0;
	v0 =	vadd.f32 v6, v2;
	v2 =	vld [tilespmem:s30+$0x5A70]  }
0x11e: {  	v6 =	vld [tilespmem:s30+$0x18670]  }
0x11f: {  	[tilespmem:s30+$0x5A40] =	vst v0;
	v0 =	vadd.f32 v5, v1;
	v1 =	vld [tilespmem:s30+$0x5A80]  }
0x120: {  	v5 =	vld [tilespmem:s30+$0x18680]  }
0x121: {  	[tilespmem:s30+$0x5A50] =	vst v0;
	v0 =	vadd.f32 v4, v3;
	v3 =	vld [tilespmem:s30+$0x5A90]  }
0x122: {  	v4 =	vld [tilespmem:s30+$0x18690]  }
0x123: {  	[tilespmem:s30+$0x5A60] =	vst v0;
	v0 =	vadd.f32 v6, v2;
	v2 =	vld [tilespmem:s30+$0x5AA0]  }
0x124: {  	v6 =	vld [tilespmem:s30+$0x186A0]  }
0x125: {  	[tilespmem:s30+$0x5A70] =	vst v0;
	v0 =	vadd.f32 v5, v1;
	v5 =	vld [tilespmem:s30+$0x5AB0]  }
0x126: {  	v7 =	vld [tilespmem:s30+$0x186B0]  }
.Ltmp1:
0x127: {  	[tilespmem:s30+$0x5A80] =	vst v0;
	v3 =	vadd.f32 v4, v3;
	v0 =	vld [tilespmem:s30+$0x5AC0];
	(pc) =	sbr.rel @p0 .LBB2_5-.Ltmp1, $4  }
0x128: {  	v1 =	vld [tilespmem:s30+$0x186C0]  }
0x129: {  	[tilespmem:s30+$0x5A90] =	vst v3;
	v4 =	vadd.f32 v6, v2;
	v2 =	vld [tilespmem:s30+$0x5AD0]  }
0x12a: {  	v3 =	vld [tilespmem:s30+$0x186D0]  }
0x12b: {  	s0 =	sadd.s32 $0x800, s0;
	[tilespmem:s30+$0x5AA0] =	vst v4;
	v5 =	vadd.f32 v7, v5;
	v4 =	vld [tilespmem:s30+$0x5AE0]  }
0x12c: {  	v6 =	vld [tilespmem:s30+$0x186E0];
	_ =	sdelay $0x2  }
0x12d: {  	v0 =	vadd.f32 v1, v0  }
0x12e: {  	[tilespmem:s30+$0x5AB0] =	vst v5;
	v1 =	vadd.f32 v3, v2  }
0x12f: {  	[tilespmem:s30+$0x5AC0] =	vst v0;
	v0 =	vadd.f32 v6, v4  }
0x130: {  	[tilespmem:s30+$0x5AD0] =	vst v1  }
0x131: {  	s0 =	sadd.s32 $0x190, s29;
	[tilespmem:s30+$0x5AE0] =	vst v0  }
0x132: {  	[tilespmem:s18], [sflag:$0x3] =	stream.indirect.gather [hbm4b:s1+s10], $0x80, s0, s10, $0xb8;
	[tilespmem:$0x1A900] =	vst v63  }
0x133: {  	s2 =	sadd.s32 $0x210, s29  }
0x134: {  	[tilespmem:s19], [sflag:$0x6] =	stream.indirect.gather [hbm4b:s1+s12], $0x80, s2, s12, $0xb8;
	[tilespmem:$0x1A900] =	vst v63  }
0x135: {  	_ =	swait.ge [sflag:s20], $0x4000  }
0x136: {  	[sflag:s20] =	ssyncset.done $0x0  }
0x137: {  	s30 =	simm.s32 $0x7E00;
	[sflag:s20] =	ssyncadd.s32 $0xFFFFC000  }
0x138: {  	s31 =	simm.s32 $0x14600;
	v0 =	vld [tilespmem:s30+$0x80]  }
0x139: {  	v1 =	vld [tilespmem:s31+$0x80]  }
0x13a: {  	v2 =	vld [tilespmem:s30+$0xFFFFFF80]  }
0x13b: {  	v3 =	vld [tilespmem:s31+$0xFFFFFF80]  }
0x13c: {  	v4 =	vld [tilespmem:s30+$0x0]  }
0x13d: {  	v5 =	vld [tilespmem:s31+$0x0]  }
0x13e: {  	v6 =	vld [tilespmem:s30+$0xFFFFFF00];
	v0 =	vadd.f32 v1, v0  }
0x13f: {  	v1 =	vld [tilespmem:s31+$0xFFFFFF00]  }
0x140: {  	[tilespmem:s30+$0x80] =	vst v0;
	v0 =	vld [tilespmem:s30+$0x90]  }
0x141: {  	v2 =	vadd.f32 v3, v2;
	v3 =	vld [tilespmem:s31+$0x90]  }
0x142: {  	v7 =	vld [tilespmem:s30+$0xFFFFFF10]  }
0x143: {  	[tilespmem:s30+$0xFFFFFF80] =	vst v2;
	v2 =	vadd.f32 v5, v4;
	v4 =	vld [tilespmem:s30+$0xFFFFFF90]  }
0x144: {  	v5 =	vld [tilespmem:s31+$0xFFFFFF90];
	v1 =	vadd.f32 v1, v6  }
0x145: {  	[tilespmem:s30+$0x0] =	vst v2;
	v2 =	vld [tilespmem:s30+$0x10]  }
0x146: {  	v6 =	vld [tilespmem:s31+$0x10];
	[tilespmem:s30+$0xFFFFFF00] =	vst v1;
	v0 =	vadd.f32 v3, v0  }
0x147: {  	v1 =	vld [tilespmem:s31+$0xFFFFFF10]  }
0x148: {  	[tilespmem:s30+$0x90] =	vst v0;
	v0 =	vld [tilespmem:s30+$0xA0]  }
0x149: {  	v3 =	vadd.f32 v5, v4;
	v4 =	vld [tilespmem:s31+$0xA0]  }
0x14a: {  	v5 =	vld [tilespmem:s30+$0xFFFFFF20]  }
0x14b: {  	[tilespmem:s30+$0xFFFFFF90] =	vst v3;
	v2 =	vadd.f32 v6, v2;
	v3 =	vld [tilespmem:s30+$0xFFFFFFA0]  }
0x14c: {  	v6 =	vld [tilespmem:s31+$0xFFFFFFA0];
	v1 =	vadd.f32 v1, v7  }
0x14d: {  	[tilespmem:s30+$0x10] =	vst v2;
	v2 =	vld [tilespmem:s30+$0x20]  }
0x14e: {  	v7 =	vld [tilespmem:s31+$0x20];
	[tilespmem:s30+$0xFFFFFF10] =	vst v1;
	v0 =	vadd.f32 v4, v0  }
0x14f: {  	v1 =	vld [tilespmem:s31+$0xFFFFFF20]  }
0x150: {  	[tilespmem:s30+$0xA0] =	vst v0;
	v0 =	vld [tilespmem:s30+$0xB0]  }
0x151: {  	v3 =	vadd.f32 v6, v3;
	v4 =	vld [tilespmem:s31+$0xB0]  }
0x152: {  	v6 =	vld [tilespmem:s30+$0xFFFFFF30]  }
0x153: {  	[tilespmem:s30+$0xFFFFFFA0] =	vst v3;
	v2 =	vadd.f32 v7, v2;
	v3 =	vld [tilespmem:s30+$0xFFFFFFB0]  }
0x154: {  	v7 =	vld [tilespmem:s31+$0xFFFFFFB0];
	v1 =	vadd.f32 v1, v5  }
0x155: {  	[tilespmem:s30+$0x20] =	vst v2;
	v2 =	vld [tilespmem:s30+$0x30]  }
0x156: {  	v5 =	vld [tilespmem:s31+$0x30];
	[tilespmem:s30+$0xFFFFFF20] =	vst v1;
	v0 =	vadd.f32 v4, v0  }
0x157: {  	v1 =	vld [tilespmem:s31+$0xFFFFFF30]  }
0x158: {  	[tilespmem:s30+$0xB0] =	vst v0;
	v0 =	vld [tilespmem:s30+$0xC0]  }
0x159: {  	v3 =	vadd.f32 v7, v3;
	v4 =	vld [tilespmem:s31+$0xC0]  }
0x15a: {  	v7 =	vld [tilespmem:s30+$0xFFFFFF40]  }
0x15b: {  	[tilespmem:s30+$0xFFFFFFB0] =	vst v3;
	v2 =	vadd.f32 v5, v2;
	v3 =	vld [tilespmem:s30+$0xFFFFFFC0]  }
0x15c: {  	v5 =	vld [tilespmem:s31+$0xFFFFFFC0];
	v1 =	vadd.f32 v1, v6  }
0x15d: {  	[tilespmem:s30+$0x30] =	vst v2;
	v2 =	vld [tilespmem:s30+$0x40]  }
0x15e: {  	v6 =	vld [tilespmem:s31+$0x40];
	[tilespmem:s30+$0xFFFFFF30] =	vst v1;
	v0 =	vadd.f32 v4, v0  }
0x15f: {  	v1 =	vld [tilespmem:s31+$0xFFFFFF40]  }
0x160: {  	[tilespmem:s30+$0xC0] =	vst v0;
	v0 =	vld [tilespmem:s30+$0xD0]  }
0x161: {  	v3 =	vadd.f32 v5, v3;
	v4 =	vld [tilespmem:s31+$0xD0]  }
0x162: {  	v5 =	vld [tilespmem:s30+$0xFFFFFF50]  }
0x163: {  	[tilespmem:s30+$0xFFFFFFC0] =	vst v3;
	v2 =	vadd.f32 v6, v2;
	v3 =	vld [tilespmem:s30+$0xFFFFFFD0]  }
0x164: {  	v6 =	vld [tilespmem:s31+$0xFFFFFFD0];
	v1 =	vadd.f32 v1, v7  }
0x165: {  	[tilespmem:s30+$0x40] =	vst v2;
	v2 =	vld [tilespmem:s30+$0x50]  }
0x166: {  	v7 =	vld [tilespmem:s31+$0x50];
	[tilespmem:s30+$0xFFFFFF40] =	vst v1;
	v0 =	vadd.f32 v4, v0  }
0x167: {  	v1 =	vld [tilespmem:s31+$0xFFFFFF50]  }
0x168: {  	[tilespmem:s30+$0xD0] =	vst v0;
	v0 =	vld [tilespmem:s30+$0xE0]  }
0x169: {  	v3 =	vadd.f32 v6, v3;
	v4 =	vld [tilespmem:s31+$0xE0]  }
0x16a: {  	v6 =	vld [tilespmem:s30+$0xFFFFFF60]  }
0x16b: {  	[tilespmem:s30+$0xFFFFFFD0] =	vst v3;
	v2 =	vadd.f32 v7, v2;
	v3 =	vld [tilespmem:s30+$0xFFFFFFE0]  }
0x16c: {  	v7 =	vld [tilespmem:s31+$0xFFFFFFE0];
	v1 =	vadd.f32 v1, v5  }
0x16d: {  	[tilespmem:s30+$0x50] =	vst v2;
	v2 =	vld [tilespmem:s30+$0x60]  }
0x16e: {  	v5 =	vld [tilespmem:s31+$0x60];
	[tilespmem:s30+$0xFFFFFF50] =	vst v1;
	v0 =	vadd.f32 v4, v0  }
0x16f: {  	v4 =	vld [tilespmem:s31+$0xFFFFFF60]  }
0x170: {  	v8 =	vld [tilespmem:s30+$0xF0];
	[tilespmem:s30+$0xE0] =	vst v0  }
0x171: {  	v1 =	vadd.f32 v7, v3;
	v7 =	vld [tilespmem:s31+$0xF0]  }
0x172: {  	v0 =	vld [tilespmem:s30+$0xFFFFFF70]  }
0x173: {  	[tilespmem:s30+$0xFFFFFFE0] =	vst v1;
	v2 =	vadd.f32 v5, v2;
	v1 =	vld [tilespmem:s30+$0xFFFFFFF0]  }
0x174: {  	v3 =	vld [tilespmem:s31+$0xFFFFFFF0];
	v4 =	vadd.f32 v4, v6  }
0x175: {  	[tilespmem:s30+$0x60] =	vst v2;
	v2 =	vld [tilespmem:s30+$0x70]  }
0x176: {  	[tilespmem:s30+$0xFFFFFF60] =	vst v4;
	v4 =	vld [tilespmem:s31+$0x70];
	v6 =	vadd.f32 v7, v8  }
0x177: {  	s0 =	simm.s32 $0x8000;
	s2 =	simm.s32 $0x0;
	v5 =	vld [tilespmem:s31+$0xFFFFFF70]  }
.LBB2_7:
0x178: {  	v7 =	vld [tilespmem:s0+$0x80];
	[tilespmem:s30+$0xF0] =	vst v6;
	s31 =	sadd.s32 $0x200, s31  }
0x179: {  	s2 =	sadd.s32 $0x4, s2;
	v6 =	vld [tilespmem:s31+$0x80];
	v1 =	vadd.f32 v3, v1  }
0x17a: {  	p0 =	slt.u32 s2, $0x7C;
	v3 =	vld [tilespmem:s31+$0xFFFFFF00]  }
0x17b: {  	v8 =	vld [tilespmem:s0+$0xFFFFFF80];
	[tilespmem:s30+$0xFFFFFFF0] =	vst v1;
	v1 =	vadd.f32 v4, v2  }
0x17c: {  	v2 =	vld [tilespmem:s31+$0xFFFFFF80];
	v0 =	vadd.f32 v5, v0  }
0x17d: {  	v4 =	vld [tilespmem:s0+$0x0];
	[tilespmem:s30+$0x70] =	vst v1  }
0x17e: {  	v1 =	vld [tilespmem:s31+$0x0];
	v5 =	vadd.f32 v6, v7;
	[tilespmem:s30+$0xFFFFFF70] =	vst v0;
	s30 =	smov.u32 s0  }
0x17f: {  	v0 =	vld [tilespmem:s0+$0xFFFFFF00]  }
0x180: {  	[tilespmem:s0+$0x80] =	vst v5;
	v5 =	vld [tilespmem:s0+$0x90]  }
0x181: {  	v2 =	vadd.f32 v2, v8;
	v6 =	vld [tilespmem:s31+$0x90]  }
0x182: {  	v7 =	vld [tilespmem:s0+$0xFFFFFF10]  }
0x183: {  	[tilespmem:s0+$0xFFFFFF80] =	vst v2;
	v2 =	vld [tilespmem:s0+$0xFFFFFF90];
	v1 =	vadd.f32 v1, v4  }
0x184: {  	v0 =	vadd.f32 v3, v0;
	v3 =	vld [tilespmem:s31+$0xFFFFFF90]  }
0x185: {  	[tilespmem:s0+$0x0] =	vst v1;
	v1 =	vld [tilespmem:s0+$0x10]  }
0x186: {  	[tilespmem:s0+$0xFFFFFF00] =	vst v0;
	v0 =	vld [tilespmem:s31+$0x10];
	v4 =	vadd.f32 v6, v5  }
0x187: {  	v5 =	vld [tilespmem:s31+$0xFFFFFF10]  }
0x188: {  	[tilespmem:s0+$0x90] =	vst v4;
	v4 =	vld [tilespmem:s0+$0xA0]  }
0x189: {  	v2 =	vadd.f32 v3, v2;
	v3 =	vld [tilespmem:s31+$0xA0]  }
0x18a: {  	v6 =	vld [tilespmem:s0+$0xFFFFFF20]  }
0x18b: {  	[tilespmem:s0+$0xFFFFFF90] =	vst v2;
	v2 =	vld [tilespmem:s0+$0xFFFFFFA0];
	v0 =	vadd.f32 v0, v1  }
0x18c: {  	v1 =	vadd.f32 v5, v7;
	v5 =	vld [tilespmem:s31+$0xFFFFFFA0]  }
0x18d: {  	[tilespmem:s0+$0x10] =	vst v0;
	v0 =	vld [tilespmem:s0+$0x20]  }
0x18e: {  	[tilespmem:s0+$0xFFFFFF10] =	vst v1;
	v1 =	vld [tilespmem:s31+$0x20];
	v3 =	vadd.f32 v3, v4  }
0x18f: {  	v4 =	vld [tilespmem:s31+$0xFFFFFF20]  }
0x190: {  	[tilespmem:s0+$0xA0] =	vst v3;
	v3 =	vld [tilespmem:s0+$0xB0]  }
0x191: {  	v2 =	vadd.f32 v5, v2;
	v5 =	vld [tilespmem:s31+$0xB0]  }
0x192: {  	v7 =	vld [tilespmem:s0+$0xFFFFFF30]  }
0x193: {  	[tilespmem:s0+$0xFFFFFFA0] =	vst v2;
	v2 =	vld [tilespmem:s0+$0xFFFFFFB0];
	v0 =	vadd.f32 v1, v0  }
0x194: {  	v1 =	vadd.f32 v4, v6;
	v4 =	vld [tilespmem:s31+$0xFFFFFFB0]  }
0x195: {  	[tilespmem:s0+$0x20] =	vst v0;
	v0 =	vld [tilespmem:s0+$0x30]  }
0x196: {  	[tilespmem:s0+$0xFFFFFF20] =	vst v1;
	v1 =	vld [tilespmem:s31+$0x30];
	v3 =	vadd.f32 v5, v3  }
0x197: {  	v5 =	vld [tilespmem:s31+$0xFFFFFF30]  }
0x198: {  	[tilespmem:s0+$0xB0] =	vst v3;
	v3 =	vld [tilespmem:s0+$0xC0]  }
0x199: {  	v2 =	vadd.f32 v4, v2;
	v4 =	vld [tilespmem:s31+$0xC0]  }
0x19a: {  	v6 =	vld [tilespmem:s0+$0xFFFFFF40]  }
0x19b: {  	[tilespmem:s0+$0xFFFFFFB0] =	vst v2;
	v2 =	vld [tilespmem:s0+$0xFFFFFFC0];
	v0 =	vadd.f32 v1, v0  }
0x19c: {  	v1 =	vadd.f32 v5, v7;
	v5 =	vld [tilespmem:s31+$0xFFFFFFC0]  }
0x19d: {  	[tilespmem:s0+$0x30] =	vst v0;
	v0 =	vld [tilespmem:s0+$0x40]  }
0x19e: {  	[tilespmem:s0+$0xFFFFFF30] =	vst v1;
	v1 =	vld [tilespmem:s31+$0x40];
	v3 =	vadd.f32 v4, v3  }
0x19f: {  	v4 =	vld [tilespmem:s31+$0xFFFFFF40]  }
0x1a0: {  	[tilespmem:s0+$0xC0] =	vst v3;
	v3 =	vld [tilespmem:s0+$0xD0]  }
0x1a1: {  	v2 =	vadd.f32 v5, v2;
	v5 =	vld [tilespmem:s31+$0xD0]  }
0x1a2: {  	v7 =	vld [tilespmem:s0+$0xFFFFFF50]  }
0x1a3: {  	[tilespmem:s0+$0xFFFFFFC0] =	vst v2;
	v2 =	vld [tilespmem:s0+$0xFFFFFFD0];
	v0 =	vadd.f32 v1, v0  }
0x1a4: {  	v1 =	vadd.f32 v4, v6;
	v4 =	vld [tilespmem:s31+$0xFFFFFFD0]  }
0x1a5: {  	[tilespmem:s0+$0x40] =	vst v0;
	v0 =	vld [tilespmem:s0+$0x50]  }
0x1a6: {  	[tilespmem:s0+$0xFFFFFF40] =	vst v1;
	v1 =	vld [tilespmem:s31+$0x50];
	v3 =	vadd.f32 v5, v3  }
0x1a7: {  	v5 =	vld [tilespmem:s31+$0xFFFFFF50]  }
0x1a8: {  	[tilespmem:s0+$0xD0] =	vst v3;
	v3 =	vld [tilespmem:s0+$0xE0]  }
0x1a9: {  	v2 =	vadd.f32 v4, v2;
	v4 =	vld [tilespmem:s31+$0xE0]  }
0x1aa: {  	v6 =	vld [tilespmem:s0+$0xFFFFFF60]  }
0x1ab: {  	[tilespmem:s0+$0xFFFFFFD0] =	vst v2;
	v2 =	vld [tilespmem:s0+$0xFFFFFFE0];
	v0 =	vadd.f32 v1, v0  }
0x1ac: {  	v1 =	vadd.f32 v5, v7;
	v5 =	vld [tilespmem:s31+$0xFFFFFFE0]  }
0x1ad: {  	[tilespmem:s0+$0x50] =	vst v0;
	v7 =	vld [tilespmem:s0+$0x60]  }
0x1ae: {  	[tilespmem:s0+$0xFFFFFF50] =	vst v1;
	v8 =	vld [tilespmem:s31+$0x60];
	v0 =	vadd.f32 v4, v3  }
0x1af: {  	v3 =	vld [tilespmem:s31+$0xFFFFFF60]  }
0x1b0: {  	[tilespmem:s0+$0xE0] =	vst v0;
	v9 =	vld [tilespmem:s0+$0xF0]  }
0x1b1: {  	v1 =	vadd.f32 v5, v2;
	v5 =	vld [tilespmem:s31+$0xF0]  }
0x1b2: {  	v0 =	vld [tilespmem:s0+$0xFFFFFF70]  }
.Ltmp2:
0x1b3: {  	[tilespmem:s0+$0xFFFFFFE0] =	vst v1;
	v1 =	vld [tilespmem:s0+$0xFFFFFFF0];
	v2 =	vadd.f32 v8, v7;
	(pc) =	sbr.rel @p0 .LBB2_7-.Ltmp2, $4  }
0x1b4: {  	v4 =	vadd.f32 v3, v6;
	v3 =	vld [tilespmem:s31+$0xFFFFFFF0]  }
0x1b5: {  	[tilespmem:s0+$0x60] =	vst v2;
	v2 =	vld [tilespmem:s0+$0x70]  }
0x1b6: {  	[tilespmem:s0+$0xFFFFFF60] =	vst v4;
	v4 =	vld [tilespmem:s31+$0x70];
	v6 =	vadd.f32 v5, v9  }
0x1b7: {  	s0 =	sadd.s32 $0x200, s0;
	v5 =	vld [tilespmem:s31+$0xFFFFFF70]  }
0x1b8: {  	_ =	sdelay $0x1  }
0x1b9: {  	v1 =	vadd.f32 v3, v1  }
0x1ba: {  	[tilespmem:s30+$0xF0] =	vst v6;
	v2 =	vadd.f32 v4, v2  }
0x1bb: {  	[tilespmem:s30+$0xFFFFFFF0] =	vst v1;
	v0 =	vadd.f32 v5, v0  }
0x1bc: {  	[tilespmem:s30+$0x70] =	vst v2  }
0x1bd: {  	[tilespmem:s30+$0xFFFFFF70] =	vst v0  }
0x1be: {  	_ =	swait.ge [sflag:s21], $0x2400  }
0x1bf: {  	[sflag:s21] =	ssyncset.done $0x0  }
0x1c0: {  	s30 =	simm.s32 $0x0;
	[sflag:s21] =	ssyncadd.s32 $0xFFFFDC00  }
0x1c1: {  	v0 =	vld [tilespmem:s30+$0xBD00]  }
0x1c2: {  	v1 =	vld [tilespmem:s30+$0x18500]  }
0x1c3: {  	v2 =	vld [tilespmem:s30+$0xBD10]  }
0x1c4: {  	v3 =	vld [tilespmem:s30+$0x18510]  }
0x1c5: {  	v4 =	vld [tilespmem:s30+$0xBD20]  }
0x1c6: {  	v5 =	vld [tilespmem:s30+$0x18520]  }
0x1c7: {  	v6 =	vld [tilespmem:s30+$0x18530]  }
0x1c8: {  	v7 =	vld [tilespmem:s30+$0xBEF0]  }
0x1c9: {  	v8 =	vld [tilespmem:s30+$0x186F0]  }
0x1ca: {  	v9 =	vld [tilespmem:s30+$0x18560]  }
0x1cb: {  	v10 =	vld [tilespmem:s30+$0xBD80]  }
0x1cc: {  	v11 =	vld [tilespmem:s30+$0x18580]  }
0x1cd: {  	v12 =	vld [tilespmem:s30+$0xBD90]  }
0x1ce: {  	v13 =	vld [tilespmem:s30+$0x18590]  }
0x1cf: {  	v14 =	vld [tilespmem:s30+$0xBDA0]  }
0x1d0: {  	v45 =	vld [tilespmem:s30+$0xBDB0]  }
0x1d1: {  	v15 =	vld [tilespmem:s30+$0xBD70]  }
0x1d2: {  	v47 =	vld [tilespmem:s30+$0xBDC0]  }
0x1d3: {  	v48 =	vld [tilespmem:s30+$0x185C0]  }
0x1d4: {  	v16 =	vld [tilespmem:s30+$0x18570]  }
0x1d5: {  	v49 =	vld [tilespmem:s30+$0xBDD0]  }
0x1d6: {  	v17 =	vld [tilespmem:s30+$0x185D0]  }
0x1d7: {  	v18 =	vld [tilespmem:s30+$0xBE00]  }
0x1d8: {  	v19 =	vld [tilespmem:s30+$0x18600]  }
0x1d9: {  	v20 =	vld [tilespmem:s30+$0xBE10]  }
0x1da: {  	v21 =	vld [tilespmem:s30+$0x18610]  }
0x1db: {  	v22 =	vld [tilespmem:s30+$0xBE20]  }
0x1dc: {  	v50 =	vld [tilespmem:s30+$0x18620]  }
0x1dd: {  	v51 =	vld [tilespmem:s30+$0xBE30]  }
0x1de: {  	v23 =	vld [tilespmem:s30+$0xBDE0]  }
0x1df: {  	v53 =	vld [tilespmem:s30+$0xBE40]  }
0x1e0: {  	v0 =	vadd.f32 v1, v0;
	v1 =	vld [tilespmem:s30+$0xBD30]  }
0x1e1: {  	v54 =	vld [tilespmem:s30+$0x18640]  }
0x1e2: {  	v55 =	vld [tilespmem:s30+$0x185E0]  }
0x1e3: {  	v56 =	vld [tilespmem:s30+$0xBE50];
	v10 =	vadd.f32 v11, v10  }
0x1e4: {  	v46 =	vadd.f32 v13, v12;
	[tilespmem:s30+$0xBD00] =	vst v0;
	v0 =	vadd.f32 v3, v2;
	v2 =	vld [tilespmem:s30+$0xBD40]  }
0x1e5: {  	[tilespmem:s30+$0xBD80] =	vst v10;
	v1 =	vadd.f32 v6, v1;
	v6 =	vld [tilespmem:s30+$0x185A0]  }
0x1e6: {  	v18 =	vadd.f32 v19, v18;
	v3 =	vld [tilespmem:s30+$0x18540];
	[tilespmem:s30+$0xBD90] =	vst v46  }
0x1e7: {  	v52 =	vadd.f32 v21, v20;
	[tilespmem:s30+$0xBD10] =	vst v0;
	v0 =	vadd.f32 v5, v4;
	v4 =	vld [tilespmem:s30+$0xBD50]  }
0x1e8: {  	[tilespmem:s30+$0xBE00] =	vst v18;
	v5 =	vld [tilespmem:s30+$0x18550]  }
0x1e9: {  	v57 =	vld [tilespmem:s30+$0xBDF0];
	v7 =	vadd.f32 v8, v7;
	[tilespmem:s30+$0xBE10] =	vst v52  }
0x1ea: {  	[tilespmem:s30+$0xBD20] =	vst v0;
	v0 =	vld [tilespmem:s30+$0xBD60];
	v6 =	vadd.f32 v6, v14  }
0x1eb: {  	v58 =	vld [tilespmem:s30+$0xBE60];
	[tilespmem:s30+$0xBEF0] =	vst v7  }
0x1ec: {  	v2 =	vadd.f32 v3, v2;
	[tilespmem:s30+$0xBDA0] =	vst v6;
	v6 =	vld [tilespmem:s30+$0x18630]  }
0x1ed: {  	[tilespmem:s30+$0xBD30] =	vst v1;
	v1 =	vld [tilespmem:s30+$0x185B0];
	v4 =	vadd.f32 v5, v4  }
0x1ee: {  	v59 =	vld [tilespmem:s30+$0x18660];
	[tilespmem:s30+$0xBD40] =	vst v2;
	v14 =	vadd.f32 v50, v22  }
0x1ef: {  	v5 =	vld [tilespmem:s30+$0xBE80];
	v0 =	vadd.f32 v9, v0;
	[tilespmem:s30+$0xBD50] =	vst v4  }
0x1f0: {  	v2 =	vld [tilespmem:s30+$0x18680];
	v4 =	vadd.f32 v16, v15;
	[tilespmem:s30+$0xBE20] =	vst v14  }
0x1f1: {  	v60 =	vld [tilespmem:s30+$0x18690];
	[tilespmem:s30+$0xBD60] =	vst v0;
	v6 =	vadd.f32 v6, v51  }
0x1f2: {  	v7 =	vld [tilespmem:s30+$0xBE90];
	v1 =	vadd.f32 v1, v45;
	[tilespmem:s30+$0xBD70] =	vst v4  }
0x1f3: {  	v0 =	vadd.f32 v48, v47;
	[tilespmem:s30+$0xBE30] =	vst v6;
	v6 =	vld [tilespmem:s30+$0x185F0]  }
0x1f4: {  	v61 =	vld [tilespmem:s30+$0xBEA0];
	v4 =	vadd.f32 v17, v49;
	[tilespmem:s30+$0xBDB0] =	vst v1  }
0x1f5: {  	v63 =	vld [tilespmem:s30+$0x18670];
	v2 =	vadd.f32 v2, v5;
	[tilespmem:s30+$0xBDC0] =	vst v0  }
0x1f6: {  	v1 =	vld [tilespmem:s30+$0x18650];
	v0 =	vadd.f32 v55, v23;
	[tilespmem:s30+$0xBDD0] =	vst v4  }
0x1f7: {  	v3 =	vld [tilespmem:s30+$0xBE70];
	[tilespmem:s30+$0xBE80] =	vst v2;
	v2 =	vadd.f32 v60, v7  }
0x1f8: {  	v62 =	vld [tilespmem:s30+$0x186A0];
	[tilespmem:s30+$0xBDE0] =	vst v0;
	v0 =	vadd.f32 v6, v57  }
0x1f9: {  	v5 =	vld [tilespmem:s30+$0x186B0];
	[tilespmem:s30+$0xBE90] =	vst v2;
	v6 =	vadd.f32 v54, v53  }
0x1fa: {  	v4 =	vld [tilespmem:s30+$0xBEB0];
	v7 =	vadd.f32 v59, v58;
	[tilespmem:s30+$0xBDF0] =	vst v0  }
0x1fb: {  	v0 =	vld [tilespmem:s30+$0xBEC0];
	[tilespmem:s30+$0xBE40] =	vst v6;
	v6 =	vadd.f32 v1, v56  }
0x1fc: {  	[tilespmem:s30+$0xBE60] =	vst v7;
	v7 =	vadd.f32 v63, v3;
	v1 =	vld [tilespmem:s30+$0x186C0]  }
0x1fd: {  	v2 =	vld [tilespmem:s30+$0xBED0];
	[tilespmem:s30+$0xBE50] =	vst v6;
	v6 =	vadd.f32 v62, v61  }
0x1fe: {  	v3 =	vld [tilespmem:s30+$0x186D0];
	[tilespmem:s30+$0xBE70] =	vst v7  }
0x1ff: {  	s31 =	simm.s32 $0x80;
	s0 =	simm.s32 $0x800;
	v5 =	vadd.f32 v5, v4;
	v4 =	vld [tilespmem:s30+$0xBEE0];
	[tilespmem:s30+$0xBEA0] =	vst v6  }
.LBB2_9:
0x200: {  	s2 =	sshra.s32 s0, $0x2;
	v6 =	vld [tilespmem:s30+$0x186E0]  }
0x201: {  	s31 =	sadd.s32 $0x4, s31;
	v7 =	vld [tilespmem:s2+$0xBEF0];
	[tilespmem:s30+$0xBEB0] =	vst v5;
	v0 =	vadd.f32 v1, v0  }
0x202: {  	p0 =	slt.u32 s31, $0xC4;
	v1 =	vld [tilespmem:s2+$0x186F0]  }
0x203: {  	v5 =	vld [tilespmem:s2+$0xBD00];
	[tilespmem:s30+$0xBEC0] =	vst v0;
	v0 =	vadd.f32 v3, v2  }
0x204: {  	v2 =	vld [tilespmem:s2+$0x18500]  }
0x205: {  	v3 =	vld [tilespmem:s2+$0xBD10];
	[tilespmem:s30+$0xBED0] =	vst v0;
	v0 =	vadd.f32 v6, v4  }
0x206: {  	v4 =	vld [tilespmem:s2+$0x18510]  }
0x207: {  	v6 =	vld [tilespmem:s2+$0xBD20];
	v1 =	vadd.f32 v1, v7;
	[tilespmem:s30+$0xBEE0] =	vst v0;
	s30 =	smov.u32 s2  }
0x208: {  	v0 =	vld [tilespmem:s30+$0x18520]  }
0x209: {  	v2 =	vadd.f32 v2, v5;
	v5 =	vld [tilespmem:s30+$0xBD30];
	[tilespmem:s30+$0xBEF0] =	vst v1  }
0x20a: {  	v1 =	vld [tilespmem:s30+$0x18530]  }
0x20b: {  	[tilespmem:s30+$0xBD00] =	vst v2;
	v2 =	vadd.f32 v4, v3;
	v3 =	vld [tilespmem:s30+$0xBD40]  }
0x20c: {  	v4 =	vld [tilespmem:s30+$0x18540]  }
0x20d: {  	[tilespmem:s30+$0xBD10] =	vst v2;
	v0 =	vadd.f32 v0, v6;
	v2 =	vld [tilespmem:s30+$0xBD50]  }
0x20e: {  	v6 =	vld [tilespmem:s30+$0x18550]  }
0x20f: {  	[tilespmem:s30+$0xBD20] =	vst v0;
	v0 =	vadd.f32 v1, v5;
	v1 =	vld [tilespmem:s30+$0xBD60]  }
0x210: {  	v5 =	vld [tilespmem:s30+$0x18560]  }
0x211: {  	[tilespmem:s30+$0xBD30] =	vst v0;
	v0 =	vadd.f32 v4, v3;
	v3 =	vld [tilespmem:s30+$0xBD70]  }
0x212: {  	v4 =	vld [tilespmem:s30+$0x18570]  }
0x213: {  	[tilespmem:s30+$0xBD40] =	vst v0;
	v0 =	vadd.f32 v6, v2;
	v2 =	vld [tilespmem:s30+$0xBD80]  }
0x214: {  	v6 =	vld [tilespmem:s30+$0x18580]  }
0x215: {  	[tilespmem:s30+$0xBD50] =	vst v0;
	v0 =	vadd.f32 v5, v1;
	v1 =	vld [tilespmem:s30+$0xBD90]  }
0x216: {  	v5 =	vld [tilespmem:s30+$0x18590]  }
0x217: {  	[tilespmem:s30+$0xBD60] =	vst v0;
	v0 =	vadd.f32 v4, v3;
	v3 =	vld [tilespmem:s30+$0xBDA0]  }
0x218: {  	v4 =	vld [tilespmem:s30+$0x185A0]  }
0x219: {  	[tilespmem:s30+$0xBD70] =	vst v0;
	v0 =	vadd.f32 v6, v2;
	v2 =	vld [tilespmem:s30+$0xBDB0]  }
0x21a: {  	v6 =	vld [tilespmem:s30+$0x185B0]  }
0x21b: {  	[tilespmem:s30+$0xBD80] =	vst v0;
	v0 =	vadd.f32 v5, v1;
	v1 =	vld [tilespmem:s30+$0xBDC0]  }
0x21c: {  	v5 =	vld [tilespmem:s30+$0x185C0]  }
0x21d: {  	[tilespmem:s30+$0xBD90] =	vst v0;
	v0 =	vadd.f32 v4, v3;
	v3 =	vld [tilespmem:s30+$0xBDD0]  }
0x21e: {  	v4 =	vld [tilespmem:s30+$0x185D0]  }
0x21f: {  	[tilespmem:s30+$0xBDA0] =	vst v0;
	v0 =	vadd.f32 v6, v2;
	v2 =	vld [tilespmem:s30+$0xBDE0]  }
0x220: {  	v6 =	vld [tilespmem:s30+$0x185E0]  }
0x221: {  	[tilespmem:s30+$0xBDB0] =	vst v0;
	v0 =	vadd.f32 v5, v1;
	v1 =	vld [tilespmem:s30+$0xBDF0]  }
0x222: {  	v5 =	vld [tilespmem:s30+$0x185F0]  }
0x223: {  	[tilespmem:s30+$0xBDC0] =	vst v0;
	v0 =	vadd.f32 v4, v3;
	v3 =	vld [tilespmem:s30+$0xBE00]  }
0x224: {  	v4 =	vld [tilespmem:s30+$0x18600]  }
0x225: {  	[tilespmem:s30+$0xBDD0] =	vst v0;
	v0 =	vadd.f32 v6, v2;
	v2 =	vld [tilespmem:s30+$0xBE10]  }
0x226: {  	v6 =	vld [tilespmem:s30+$0x18610]  }
0x227: {  	[tilespmem:s30+$0xBDE0] =	vst v0;
	v0 =	vadd.f32 v5, v1;
	v1 =	vld [tilespmem:s30+$0xBE20]  }
0x228: {  	v5 =	vld [tilespmem:s30+$0x18620]  }
0x229: {  	[tilespmem:s30+$0xBDF0] =	vst v0;
	v0 =	vadd.f32 v4, v3;
	v3 =	vld [tilespmem:s30+$0xBE30]  }
0x22a: {  	v4 =	vld [tilespmem:s30+$0x18630]  }
0x22b: {  	[tilespmem:s30+$0xBE00] =	vst v0;
	v0 =	vadd.f32 v6, v2;
	v2 =	vld [tilespmem:s30+$0xBE40]  }
0x22c: {  	v6 =	vld [tilespmem:s30+$0x18640]  }
0x22d: {  	[tilespmem:s30+$0xBE10] =	vst v0;
	v0 =	vadd.f32 v5, v1;
	v1 =	vld [tilespmem:s30+$0xBE50]  }
0x22e: {  	v5 =	vld [tilespmem:s30+$0x18650]  }
0x22f: {  	[tilespmem:s30+$0xBE20] =	vst v0;
	v0 =	vadd.f32 v4, v3;
	v3 =	vld [tilespmem:s30+$0xBE60]  }
0x230: {  	v4 =	vld [tilespmem:s30+$0x18660]  }
0x231: {  	[tilespmem:s30+$0xBE30] =	vst v0;
	v0 =	vadd.f32 v6, v2;
	v2 =	vld [tilespmem:s30+$0xBE70]  }
0x232: {  	v6 =	vld [tilespmem:s30+$0x18670]  }
0x233: {  	[tilespmem:s30+$0xBE40] =	vst v0;
	v0 =	vadd.f32 v5, v1;
	v1 =	vld [tilespmem:s30+$0xBE80]  }
0x234: {  	v5 =	vld [tilespmem:s30+$0x18680]  }
0x235: {  	[tilespmem:s30+$0xBE50] =	vst v0;
	v0 =	vadd.f32 v4, v3;
	v3 =	vld [tilespmem:s30+$0xBE90]  }
0x236: {  	v4 =	vld [tilespmem:s30+$0x18690]  }
0x237: {  	[tilespmem:s30+$0xBE60] =	vst v0;
	v0 =	vadd.f32 v6, v2;
	v2 =	vld [tilespmem:s30+$0xBEA0]  }
0x238: {  	v6 =	vld [tilespmem:s30+$0x186A0]  }
0x239: {  	[tilespmem:s30+$0xBE70] =	vst v0;
	v0 =	vadd.f32 v5, v1;
	v5 =	vld [tilespmem:s30+$0xBEB0]  }
0x23a: {  	v7 =	vld [tilespmem:s30+$0x186B0]  }
.Ltmp3:
0x23b: {  	[tilespmem:s30+$0xBE80] =	vst v0;
	v3 =	vadd.f32 v4, v3;
	v0 =	vld [tilespmem:s30+$0xBEC0];
	(pc) =	sbr.rel @p0 .LBB2_9-.Ltmp3, $4  }
0x23c: {  	v1 =	vld [tilespmem:s30+$0x186C0]  }
0x23d: {  	[tilespmem:s30+$0xBE90] =	vst v3;
	v4 =	vadd.f32 v6, v2;
	v2 =	vld [tilespmem:s30+$0xBED0]  }
0x23e: {  	v3 =	vld [tilespmem:s30+$0x186D0]  }
0x23f: {  	s0 =	sadd.s32 $0x800, s0;
	[tilespmem:s30+$0xBEA0] =	vst v4;
	v5 =	vadd.f32 v7, v5;
	v4 =	vld [tilespmem:s30+$0xBEE0]  }
0x240: {  	v6 =	vld [tilespmem:s30+$0x186E0];
	_ =	sdelay $0x2  }
0x241: {  	v0 =	vadd.f32 v1, v0  }
0x242: {  	[tilespmem:s30+$0xBEB0] =	vst v5;
	v1 =	vadd.f32 v3, v2  }
0x243: {  	[tilespmem:s30+$0xBEC0] =	vst v0;
	v0 =	vadd.f32 v6, v4  }
0x244: {  	[tilespmem:s30+$0xBED0] =	vst v1  }
0x245: {  	s0 =	sadd.s32 $0x258, s29;
	[tilespmem:s30+$0xBEE0] =	vst v0  }
0x246: {  	[tilespmem:s11], [sflag:$0x1] =	stream.indirect.gather [hbm4b:s1+s10], $0x80, s0, s10, $0xb8;
	[tilespmem:$0x1A900] =	vst v63  }
0x247: {  	s31 =	sadd.s32 $0x2D8, s29  }
0x248: {  	[tilespmem:s13], [sflag:$0x4] =	stream.indirect.gather [hbm4b:s1+s12], $0x80, s31, s12, $0xb8;
	[tilespmem:$0x1A900] =	vst v63  }
0x249: {  	_ =	swait.ge [sflag:s22], $0x4000  }
0x24a: {  	[sflag:s22] =	ssyncset.done $0x0  }
0x24b: {  	s29 =	simm.s32 $0xE200;
	[sflag:s22] =	ssyncadd.s32 $0xFFFFC000  }
0x24c: {  	s30 =	simm.s32 $0x14600;
	v0 =	vld [tilespmem:s29+$0x80]  }
0x24d: {  	v1 =	vld [tilespmem:s30+$0x80]  }
0x24e: {  	v2 =	vld [tilespmem:s29+$0xFFFFFF80]  }
0x24f: {  	v3 =	vld [tilespmem:s30+$0xFFFFFF80]  }
0x250: {  	v4 =	vld [tilespmem:s29+$0x0]  }
0x251: {  	v5 =	vld [tilespmem:s30+$0x0]  }
0x252: {  	v6 =	vld [tilespmem:s29+$0xFFFFFF00];
	v0 =	vadd.f32 v1, v0  }
0x253: {  	v1 =	vld [tilespmem:s30+$0xFFFFFF00]  }
0x254: {  	[tilespmem:s29+$0x80] =	vst v0;
	v0 =	vld [tilespmem:s29+$0x90]  }
0x255: {  	v2 =	vadd.f32 v3, v2;
	v3 =	vld [tilespmem:s30+$0x90]  }
0x256: {  	v7 =	vld [tilespmem:s29+$0xFFFFFF10]  }
0x257: {  	[tilespmem:s29+$0xFFFFFF80] =	vst v2;
	v2 =	vadd.f32 v5, v4;
	v4 =	vld [tilespmem:s29+$0xFFFFFF90]  }
0x258: {  	v5 =	vld [tilespmem:s30+$0xFFFFFF90];
	v1 =	vadd.f32 v1, v6  }
0x259: {  	[tilespmem:s29+$0x0] =	vst v2;
	v2 =	vld [tilespmem:s29+$0x10]  }
0x25a: {  	v6 =	vld [tilespmem:s30+$0x10];
	[tilespmem:s29+$0xFFFFFF00] =	vst v1;
	v0 =	vadd.f32 v3, v0  }
0x25b: {  	v1 =	vld [tilespmem:s30+$0xFFFFFF10]  }
0x25c: {  	[tilespmem:s29+$0x90] =	vst v0;
	v0 =	vld [tilespmem:s29+$0xA0]  }
0x25d: {  	v3 =	vadd.f32 v5, v4;
	v4 =	vld [tilespmem:s30+$0xA0]  }
0x25e: {  	v5 =	vld [tilespmem:s29+$0xFFFFFF20]  }
0x25f: {  	[tilespmem:s29+$0xFFFFFF90] =	vst v3;
	v2 =	vadd.f32 v6, v2;
	v3 =	vld [tilespmem:s29+$0xFFFFFFA0]  }
0x260: {  	v6 =	vld [tilespmem:s30+$0xFFFFFFA0];
	v1 =	vadd.f32 v1, v7  }
0x261: {  	[tilespmem:s29+$0x10] =	vst v2;
	v2 =	vld [tilespmem:s29+$0x20]  }
0x262: {  	v7 =	vld [tilespmem:s30+$0x20];
	[tilespmem:s29+$0xFFFFFF10] =	vst v1;
	v0 =	vadd.f32 v4, v0  }
0x263: {  	v1 =	vld [tilespmem:s30+$0xFFFFFF20]  }
0x264: {  	[tilespmem:s29+$0xA0] =	vst v0;
	v0 =	vld [tilespmem:s29+$0xB0]  }
0x265: {  	v3 =	vadd.f32 v6, v3;
	v4 =	vld [tilespmem:s30+$0xB0]  }
0x266: {  	v6 =	vld [tilespmem:s29+$0xFFFFFF30]  }
0x267: {  	[tilespmem:s29+$0xFFFFFFA0] =	vst v3;
	v2 =	vadd.f32 v7, v2;
	v3 =	vld [tilespmem:s29+$0xFFFFFFB0]  }
0x268: {  	v7 =	vld [tilespmem:s30+$0xFFFFFFB0];
	v1 =	vadd.f32 v1, v5  }
0x269: {  	[tilespmem:s29+$0x20] =	vst v2;
	v2 =	vld [tilespmem:s29+$0x30]  }
0x26a: {  	v5 =	vld [tilespmem:s30+$0x30];
	[tilespmem:s29+$0xFFFFFF20] =	vst v1;
	v0 =	vadd.f32 v4, v0  }
0x26b: {  	v1 =	vld [tilespmem:s30+$0xFFFFFF30]  }
0x26c: {  	[tilespmem:s29+$0xB0] =	vst v0;
	v0 =	vld [tilespmem:s29+$0xC0]  }
0x26d: {  	v3 =	vadd.f32 v7, v3;
	v4 =	vld [tilespmem:s30+$0xC0]  }
0x26e: {  	v7 =	vld [tilespmem:s29+$0xFFFFFF40]  }
0x26f: {  	[tilespmem:s29+$0xFFFFFFB0] =	vst v3;
	v2 =	vadd.f32 v5, v2;
	v3 =	vld [tilespmem:s29+$0xFFFFFFC0]  }
0x270: {  	v5 =	vld [tilespmem:s30+$0xFFFFFFC0];
	v1 =	vadd.f32 v1, v6  }
0x271: {  	[tilespmem:s29+$0x30] =	vst v2;
	v2 =	vld [tilespmem:s29+$0x40]  }
0x272: {  	v6 =	vld [tilespmem:s30+$0x40];
	[tilespmem:s29+$0xFFFFFF30] =	vst v1;
	v0 =	vadd.f32 v4, v0  }
0x273: {  	v1 =	vld [tilespmem:s30+$0xFFFFFF40]  }
0x274: {  	[tilespmem:s29+$0xC0] =	vst v0;
	v0 =	vld [tilespmem:s29+$0xD0]  }
0x275: {  	v3 =	vadd.f32 v5, v3;
	v4 =	vld [tilespmem:s30+$0xD0]  }
0x276: {  	v5 =	vld [tilespmem:s29+$0xFFFFFF50]  }
0x277: {  	[tilespmem:s29+$0xFFFFFFC0] =	vst v3;
	v2 =	vadd.f32 v6, v2;
	v3 =	vld [tilespmem:s29+$0xFFFFFFD0]  }
0x278: {  	v6 =	vld [tilespmem:s30+$0xFFFFFFD0];
	v1 =	vadd.f32 v1, v7  }
0x279: {  	[tilespmem:s29+$0x40] =	vst v2;
	v2 =	vld [tilespmem:s29+$0x50]  }
0x27a: {  	v7 =	vld [tilespmem:s30+$0x50];
	[tilespmem:s29+$0xFFFFFF40] =	vst v1;
	v0 =	vadd.f32 v4, v0  }
0x27b: {  	v1 =	vld [tilespmem:s30+$0xFFFFFF50]  }
0x27c: {  	[tilespmem:s29+$0xD0] =	vst v0;
	v0 =	vld [tilespmem:s29+$0xE0]  }
0x27d: {  	v3 =	vadd.f32 v6, v3;
	v4 =	vld [tilespmem:s30+$0xE0]  }
0x27e: {  	v6 =	vld [tilespmem:s29+$0xFFFFFF60]  }
0x27f: {  	[tilespmem:s29+$0xFFFFFFD0] =	vst v3;
	v2 =	vadd.f32 v7, v2;
	v3 =	vld [tilespmem:s29+$0xFFFFFFE0]  }
0x280: {  	v7 =	vld [tilespmem:s30+$0xFFFFFFE0];
	v1 =	vadd.f32 v1, v5  }
0x281: {  	[tilespmem:s29+$0x50] =	vst v2;
	v2 =	vld [tilespmem:s29+$0x60]  }
0x282: {  	v5 =	vld [tilespmem:s30+$0x60];
	[tilespmem:s29+$0xFFFFFF50] =	vst v1;
	v0 =	vadd.f32 v4, v0  }
0x283: {  	v4 =	vld [tilespmem:s30+$0xFFFFFF60]  }
0x284: {  	v8 =	vld [tilespmem:s29+$0xF0];
	[tilespmem:s29+$0xE0] =	vst v0  }
0x285: {  	v1 =	vadd.f32 v7, v3;
	v7 =	vld [tilespmem:s30+$0xF0]  }
0x286: {  	v0 =	vld [tilespmem:s29+$0xFFFFFF70]  }
0x287: {  	[tilespmem:s29+$0xFFFFFFE0] =	vst v1;
	v2 =	vadd.f32 v5, v2;
	v1 =	vld [tilespmem:s29+$0xFFFFFFF0]  }
0x288: {  	v3 =	vld [tilespmem:s30+$0xFFFFFFF0];
	v4 =	vadd.f32 v4, v6  }
0x289: {  	[tilespmem:s29+$0x60] =	vst v2;
	v2 =	vld [tilespmem:s29+$0x70]  }
0x28a: {  	[tilespmem:s29+$0xFFFFFF60] =	vst v4;
	v4 =	vld [tilespmem:s30+$0x70];
	v6 =	vadd.f32 v7, v8  }
0x28b: {  	s2 =	simm.s32 $0x0;
	s0 =	simm.s32 $0xE400;
	v5 =	vld [tilespmem:s30+$0xFFFFFF70]  }
.LBB2_11:
0x28c: {  	v7 =	vld [tilespmem:s0+$0x80];
	[tilespmem:s29+$0xF0] =	vst v6;
	s30 =	sadd.s32 $0x200, s30  }
0x28d: {  	s2 =	sadd.s32 $0x4, s2;
	v6 =	vld [tilespmem:s30+$0x80];
	v1 =	vadd.f32 v3, v1  }
0x28e: {  	p0 =	slt.u32 s2, $0x7C;
	v3 =	vld [tilespmem:s30+$0xFFFFFF00]  }
0x28f: {  	v8 =	vld [tilespmem:s0+$0xFFFFFF80];
	[tilespmem:s29+$0xFFFFFFF0] =	vst v1;
	v1 =	vadd.f32 v4, v2  }
0x290: {  	v2 =	vld [tilespmem:s30+$0xFFFFFF80];
	v0 =	vadd.f32 v5, v0  }
0x291: {  	v4 =	vld [tilespmem:s0+$0x0];
	[tilespmem:s29+$0x70] =	vst v1  }
0x292: {  	v1 =	vld [tilespmem:s30+$0x0];
	v5 =	vadd.f32 v6, v7;
	[tilespmem:s29+$0xFFFFFF70] =	vst v0;
	s29 =	smov.u32 s0  }
0x293: {  	v0 =	vld [tilespmem:s0+$0xFFFFFF00]  }
0x294: {  	[tilespmem:s0+$0x80] =	vst v5;
	v5 =	vld [tilespmem:s0+$0x90]  }
0x295: {  	v2 =	vadd.f32 v2, v8;
	v6 =	vld [tilespmem:s30+$0x90]  }
0x296: {  	v7 =	vld [tilespmem:s0+$0xFFFFFF10]  }
0x297: {  	[tilespmem:s0+$0xFFFFFF80] =	vst v2;
	v2 =	vld [tilespmem:s0+$0xFFFFFF90];
	v1 =	vadd.f32 v1, v4  }
0x298: {  	v0 =	vadd.f32 v3, v0;
	v3 =	vld [tilespmem:s30+$0xFFFFFF90]  }
0x299: {  	[tilespmem:s0+$0x0] =	vst v1;
	v1 =	vld [tilespmem:s0+$0x10]  }
0x29a: {  	[tilespmem:s0+$0xFFFFFF00] =	vst v0;
	v0 =	vld [tilespmem:s30+$0x10];
	v4 =	vadd.f32 v6, v5  }
0x29b: {  	v5 =	vld [tilespmem:s30+$0xFFFFFF10]  }
0x29c: {  	[tilespmem:s0+$0x90] =	vst v4;
	v4 =	vld [tilespmem:s0+$0xA0]  }
0x29d: {  	v2 =	vadd.f32 v3, v2;
	v3 =	vld [tilespmem:s30+$0xA0]  }
0x29e: {  	v6 =	vld [tilespmem:s0+$0xFFFFFF20]  }
0x29f: {  	[tilespmem:s0+$0xFFFFFF90] =	vst v2;
	v2 =	vld [tilespmem:s0+$0xFFFFFFA0];
	v0 =	vadd.f32 v0, v1  }
0x2a0: {  	v1 =	vadd.f32 v5, v7;
	v5 =	vld [tilespmem:s30+$0xFFFFFFA0]  }
0x2a1: {  	[tilespmem:s0+$0x10] =	vst v0;
	v0 =	vld [tilespmem:s0+$0x20]  }
0x2a2: {  	[tilespmem:s0+$0xFFFFFF10] =	vst v1;
	v1 =	vld [tilespmem:s30+$0x20];
	v3 =	vadd.f32 v3, v4  }
0x2a3: {  	v4 =	vld [tilespmem:s30+$0xFFFFFF20]  }
0x2a4: {  	[tilespmem:s0+$0xA0] =	vst v3;
	v3 =	vld [tilespmem:s0+$0xB0]  }
0x2a5: {  	v2 =	vadd.f32 v5, v2;
	v5 =	vld [tilespmem:s30+$0xB0]  }
0x2a6: {  	v7 =	vld [tilespmem:s0+$0xFFFFFF30]  }
0x2a7: {  	[tilespmem:s0+$0xFFFFFFA0] =	vst v2;
	v2 =	vld [tilespmem:s0+$0xFFFFFFB0];
	v0 =	vadd.f32 v1, v0  }
0x2a8: {  	v1 =	vadd.f32 v4, v6;
	v4 =	vld [tilespmem:s30+$0xFFFFFFB0]  }
0x2a9: {  	[tilespmem:s0+$0x20] =	vst v0;
	v0 =	vld [tilespmem:s0+$0x30]  }
0x2aa: {  	[tilespmem:s0+$0xFFFFFF20] =	vst v1;
	v1 =	vld [tilespmem:s30+$0x30];
	v3 =	vadd.f32 v5, v3  }
0x2ab: {  	v5 =	vld [tilespmem:s30+$0xFFFFFF30]  }
0x2ac: {  	[tilespmem:s0+$0xB0] =	vst v3;
	v3 =	vld [tilespmem:s0+$0xC0]  }
0x2ad: {  	v2 =	vadd.f32 v4, v2;
	v4 =	vld [tilespmem:s30+$0xC0]  }
0x2ae: {  	v6 =	vld [tilespmem:s0+$0xFFFFFF40]  }
0x2af: {  	[tilespmem:s0+$0xFFFFFFB0] =	vst v2;
	v2 =	vld [tilespmem:s0+$0xFFFFFFC0];
	v0 =	vadd.f32 v1, v0  }
0x2b0: {  	v1 =	vadd.f32 v5, v7;
	v5 =	vld [tilespmem:s30+$0xFFFFFFC0]  }
0x2b1: {  	[tilespmem:s0+$0x30] =	vst v0;
	v0 =	vld [tilespmem:s0+$0x40]  }
0x2b2: {  	[tilespmem:s0+$0xFFFFFF30] =	vst v1;
	v1 =	vld [tilespmem:s30+$0x40];
	v3 =	vadd.f32 v4, v3  }
0x2b3: {  	v4 =	vld [tilespmem:s30+$0xFFFFFF40]  }
0x2b4: {  	[tilespmem:s0+$0xC0] =	vst v3;
	v3 =	vld [tilespmem:s0+$0xD0]  }
0x2b5: {  	v2 =	vadd.f32 v5, v2;
	v5 =	vld [tilespmem:s30+$0xD0]  }
0x2b6: {  	v7 =	vld [tilespmem:s0+$0xFFFFFF50]  }
0x2b7: {  	[tilespmem:s0+$0xFFFFFFC0] =	vst v2;
	v2 =	vld [tilespmem:s0+$0xFFFFFFD0];
	v0 =	vadd.f32 v1, v0  }
0x2b8: {  	v1 =	vadd.f32 v4, v6;
	v4 =	vld [tilespmem:s30+$0xFFFFFFD0]  }
0x2b9: {  	[tilespmem:s0+$0x40] =	vst v0;
	v0 =	vld [tilespmem:s0+$0x50]  }
0x2ba: {  	[tilespmem:s0+$0xFFFFFF40] =	vst v1;
	v1 =	vld [tilespmem:s30+$0x50];
	v3 =	vadd.f32 v5, v3  }
0x2bb: {  	v5 =	vld [tilespmem:s30+$0xFFFFFF50]  }
0x2bc: {  	[tilespmem:s0+$0xD0] =	vst v3;
	v3 =	vld [tilespmem:s0+$0xE0]  }
0x2bd: {  	v2 =	vadd.f32 v4, v2;
	v4 =	vld [tilespmem:s30+$0xE0]  }
0x2be: {  	v6 =	vld [tilespmem:s0+$0xFFFFFF60]  }
0x2bf: {  	[tilespmem:s0+$0xFFFFFFD0] =	vst v2;
	v2 =	vld [tilespmem:s0+$0xFFFFFFE0];
	v0 =	vadd.f32 v1, v0  }
0x2c0: {  	v1 =	vadd.f32 v5, v7;
	v5 =	vld [tilespmem:s30+$0xFFFFFFE0]  }
0x2c1: {  	[tilespmem:s0+$0x50] =	vst v0;
	v7 =	vld [tilespmem:s0+$0x60]  }
0x2c2: {  	[tilespmem:s0+$0xFFFFFF50] =	vst v1;
	v8 =	vld [tilespmem:s30+$0x60];
	v0 =	vadd.f32 v4, v3  }
0x2c3: {  	v3 =	vld [tilespmem:s30+$0xFFFFFF60]  }
0x2c4: {  	[tilespmem:s0+$0xE0] =	vst v0;
	v9 =	vld [tilespmem:s0+$0xF0]  }
0x2c5: {  	v1 =	vadd.f32 v5, v2;
	v5 =	vld [tilespmem:s30+$0xF0]  }
0x2c6: {  	v0 =	vld [tilespmem:s0+$0xFFFFFF70]  }
.Ltmp4:
0x2c7: {  	[tilespmem:s0+$0xFFFFFFE0] =	vst v1;
	v1 =	vld [tilespmem:s0+$0xFFFFFFF0];
	v2 =	vadd.f32 v8, v7;
	(pc) =	sbr.rel @p0 .LBB2_11-.Ltmp4, $4  }
0x2c8: {  	v4 =	vadd.f32 v3, v6;
	v3 =	vld [tilespmem:s30+$0xFFFFFFF0]  }
0x2c9: {  	[tilespmem:s0+$0x60] =	vst v2;
	v2 =	vld [tilespmem:s0+$0x70]  }
0x2ca: {  	[tilespmem:s0+$0xFFFFFF60] =	vst v4;
	v4 =	vld [tilespmem:s30+$0x70];
	v6 =	vadd.f32 v5, v9  }
0x2cb: {  	s0 =	sadd.s32 $0x200, s0;
	v5 =	vld [tilespmem:s30+$0xFFFFFF70]  }
0x2cc: {  	_ =	sdelay $0x1  }
0x2cd: {  	v1 =	vadd.f32 v3, v1  }
0x2ce: {  	[tilespmem:s29+$0xF0] =	vst v6;
	v2 =	vadd.f32 v4, v2  }
0x2cf: {  	[tilespmem:s29+$0xFFFFFFF0] =	vst v1;
	v0 =	vadd.f32 v5, v0  }
0x2d0: {  	[tilespmem:s29+$0x70] =	vst v2  }
0x2d1: {  	[tilespmem:s29+$0xFFFFFF70] =	vst v0  }
0x2d2: {  	_ =	swait.ge [sflag:s23], $0x2400  }
0x2d3: {  	[sflag:s23] =	ssyncset.done $0x0  }
0x2d4: {  	s29 =	simm.s32 $0x0;
	[sflag:s23] =	ssyncadd.s32 $0xFFFFDC00  }
0x2d5: {  	v0 =	vld [tilespmem:s29+$0x12100]  }
0x2d6: {  	v1 =	vld [tilespmem:s29+$0x18500]  }
0x2d7: {  	v2 =	vld [tilespmem:s29+$0x12110]  }
0x2d8: {  	v3 =	vld [tilespmem:s29+$0x18510]  }
0x2d9: {  	v4 =	vld [tilespmem:s29+$0x12120]  }
0x2da: {  	v5 =	vld [tilespmem:s29+$0x18520]  }
0x2db: {  	v6 =	vld [tilespmem:s29+$0x18530]  }
0x2dc: {  	v7 =	vld [tilespmem:s29+$0x122F0]  }
0x2dd: {  	v8 =	vld [tilespmem:s29+$0x186F0]  }
0x2de: {  	v9 =	vld [tilespmem:s29+$0x18560]  }
0x2df: {  	v10 =	vld [tilespmem:s29+$0x12180]  }
0x2e0: {  	v11 =	vld [tilespmem:s29+$0x18580]  }
0x2e1: {  	v12 =	vld [tilespmem:s29+$0x12190]  }
0x2e2: {  	v13 =	vld [tilespmem:s29+$0x18590]  }
0x2e3: {  	v14 =	vld [tilespmem:s29+$0x121A0]  }
0x2e4: {  	v45 =	vld [tilespmem:s29+$0x121B0]  }
0x2e5: {  	v15 =	vld [tilespmem:s29+$0x12170]  }
0x2e6: {  	v47 =	vld [tilespmem:s29+$0x121C0]  }
0x2e7: {  	v48 =	vld [tilespmem:s29+$0x185C0]  }
0x2e8: {  	v16 =	vld [tilespmem:s29+$0x18570]  }
0x2e9: {  	v49 =	vld [tilespmem:s29+$0x121D0]  }
0x2ea: {  	v17 =	vld [tilespmem:s29+$0x185D0]  }
0x2eb: {  	v18 =	vld [tilespmem:s29+$0x12200]  }
0x2ec: {  	v19 =	vld [tilespmem:s29+$0x18600]  }
0x2ed: {  	v20 =	vld [tilespmem:s29+$0x12210]  }
0x2ee: {  	v21 =	vld [tilespmem:s29+$0x18610]  }
0x2ef: {  	v22 =	vld [tilespmem:s29+$0x12220]  }
0x2f0: {  	v50 =	vld [tilespmem:s29+$0x18620]  }
0x2f1: {  	v51 =	vld [tilespmem:s29+$0x12230]  }
0x2f2: {  	v23 =	vld [tilespmem:s29+$0x121E0]  }
0x2f3: {  	v53 =	vld [tilespmem:s29+$0x12240]  }
0x2f4: {  	v0 =	vadd.f32 v1, v0;
	v1 =	vld [tilespmem:s29+$0x12130]  }
0x2f5: {  	v54 =	vld [tilespmem:s29+$0x18640]  }
0x2f6: {  	v55 =	vld [tilespmem:s29+$0x185E0]  }
0x2f7: {  	v56 =	vld [tilespmem:s29+$0x12250];
	v10 =	vadd.f32 v11, v10  }
0x2f8: {  	v46 =	vadd.f32 v13, v12;
	[tilespmem:s29+$0x12100] =	vst v0;
	v0 =	vadd.f32 v3, v2;
	v2 =	vld [tilespmem:s29+$0x12140]  }
0x2f9: {  	[tilespmem:s29+$0x12180] =	vst v10;
	v1 =	vadd.f32 v6, v1;
	v6 =	vld [tilespmem:s29+$0x185A0]  }
0x2fa: {  	v18 =	vadd.f32 v19, v18;
	v3 =	vld [tilespmem:s29+$0x18540];
	[tilespmem:s29+$0x12190] =	vst v46  }
0x2fb: {  	v52 =	vadd.f32 v21, v20;
	[tilespmem:s29+$0x12110] =	vst v0;
	v0 =	vadd.f32 v5, v4;
	v4 =	vld [tilespmem:s29+$0x12150]  }
0x2fc: {  	[tilespmem:s29+$0x12200] =	vst v18;
	v5 =	vld [tilespmem:s29+$0x18550]  }
0x2fd: {  	v57 =	vld [tilespmem:s29+$0x121F0];
	v7 =	vadd.f32 v8, v7;
	[tilespmem:s29+$0x12210] =	vst v52  }
0x2fe: {  	[tilespmem:s29+$0x12120] =	vst v0;
	v0 =	vld [tilespmem:s29+$0x12160];
	v6 =	vadd.f32 v6, v14  }
0x2ff: {  	v58 =	vld [tilespmem:s29+$0x12260];
	[tilespmem:s29+$0x122F0] =	vst v7  }
0x300: {  	v2 =	vadd.f32 v3, v2;
	[tilespmem:s29+$0x121A0] =	vst v6;
	v6 =	vld [tilespmem:s29+$0x18630]  }
0x301: {  	[tilespmem:s29+$0x12130] =	vst v1;
	v1 =	vld [tilespmem:s29+$0x185B0];
	v4 =	vadd.f32 v5, v4  }
0x302: {  	v59 =	vld [tilespmem:s29+$0x18660];
	[tilespmem:s29+$0x12140] =	vst v2;
	v14 =	vadd.f32 v50, v22  }
0x303: {  	v5 =	vld [tilespmem:s29+$0x12280];
	v0 =	vadd.f32 v9, v0;
	[tilespmem:s29+$0x12150] =	vst v4  }
0x304: {  	v2 =	vld [tilespmem:s29+$0x18680];
	v4 =	vadd.f32 v16, v15;
	[tilespmem:s29+$0x12220] =	vst v14  }
0x305: {  	v60 =	vld [tilespmem:s29+$0x18690];
	[tilespmem:s29+$0x12160] =	vst v0;
	v6 =	vadd.f32 v6, v51  }
0x306: {  	v7 =	vld [tilespmem:s29+$0x12290];
	v1 =	vadd.f32 v1, v45;
	[tilespmem:s29+$0x12170] =	vst v4  }
0x307: {  	v0 =	vadd.f32 v48, v47;
	[tilespmem:s29+$0x12230] =	vst v6;
	v6 =	vld [tilespmem:s29+$0x185F0]  }
0x308: {  	v61 =	vld [tilespmem:s29+$0x122A0];
	v4 =	vadd.f32 v17, v49;
	[tilespmem:s29+$0x121B0] =	vst v1  }
0x309: {  	v63 =	vld [tilespmem:s29+$0x18670];
	v2 =	vadd.f32 v2, v5;
	[tilespmem:s29+$0x121C0] =	vst v0  }
0x30a: {  	v1 =	vld [tilespmem:s29+$0x18650];
	v0 =	vadd.f32 v55, v23;
	[tilespmem:s29+$0x121D0] =	vst v4  }
0x30b: {  	v3 =	vld [tilespmem:s29+$0x12270];
	[tilespmem:s29+$0x12280] =	vst v2;
	v2 =	vadd.f32 v60, v7  }
0x30c: {  	v62 =	vld [tilespmem:s29+$0x186A0];
	[tilespmem:s29+$0x121E0] =	vst v0;
	v0 =	vadd.f32 v6, v57  }
0x30d: {  	v5 =	vld [tilespmem:s29+$0x186B0];
	[tilespmem:s29+$0x12290] =	vst v2;
	v6 =	vadd.f32 v54, v53  }
0x30e: {  	v4 =	vld [tilespmem:s29+$0x122B0];
	v7 =	vadd.f32 v59, v58;
	[tilespmem:s29+$0x121F0] =	vst v0  }
0x30f: {  	v0 =	vld [tilespmem:s29+$0x122C0];
	[tilespmem:s29+$0x12240] =	vst v6;
	v6 =	vadd.f32 v1, v56  }
0x310: {  	[tilespmem:s29+$0x12260] =	vst v7;
	v7 =	vadd.f32 v63, v3;
	v1 =	vld [tilespmem:s29+$0x186C0]  }
0x311: {  	v2 =	vld [tilespmem:s29+$0x122D0];
	[tilespmem:s29+$0x12250] =	vst v6;
	v6 =	vadd.f32 v62, v61  }
0x312: {  	v3 =	vld [tilespmem:s29+$0x186D0];
	[tilespmem:s29+$0x12270] =	vst v7  }
0x313: {  	s30 =	simm.s32 $0x80;
	s0 =	simm.s32 $0x800;
	v5 =	vadd.f32 v5, v4;
	v4 =	vld [tilespmem:s29+$0x122E0];
	[tilespmem:s29+$0x122A0] =	vst v6  }
.LBB2_13:
0x314: {  	s2 =	sshra.s32 s0, $0x2;
	v6 =	vld [tilespmem:s29+$0x186E0]  }
0x315: {  	s30 =	sadd.s32 $0x4, s30;
	v7 =	vld [tilespmem:s2+$0x122F0];
	[tilespmem:s29+$0x122B0] =	vst v5;
	v0 =	vadd.f32 v1, v0  }
0x316: {  	p0 =	slt.u32 s30, $0xC4;
	v1 =	vld [tilespmem:s2+$0x186F0]  }
0x317: {  	v5 =	vld [tilespmem:s2+$0x12100];
	[tilespmem:s29+$0x122C0] =	vst v0;
	v0 =	vadd.f32 v3, v2  }
0x318: {  	v2 =	vld [tilespmem:s2+$0x18500]  }
0x319: {  	v3 =	vld [tilespmem:s2+$0x12110];
	[tilespmem:s29+$0x122D0] =	vst v0;
	v0 =	vadd.f32 v6, v4  }
0x31a: {  	v4 =	vld [tilespmem:s2+$0x18510]  }
0x31b: {  	v6 =	vld [tilespmem:s2+$0x12120];
	v1 =	vadd.f32 v1, v7;
	[tilespmem:s29+$0x122E0] =	vst v0;
	s29 =	smov.u32 s2  }
0x31c: {  	v0 =	vld [tilespmem:s29+$0x18520]  }
0x31d: {  	v2 =	vadd.f32 v2, v5;
	v5 =	vld [tilespmem:s29+$0x12130];
	[tilespmem:s29+$0x122F0] =	vst v1  }
0x31e: {  	v1 =	vld [tilespmem:s29+$0x18530]  }
0x31f: {  	[tilespmem:s29+$0x12100] =	vst v2;
	v2 =	vadd.f32 v4, v3;
	v3 =	vld [tilespmem:s29+$0x12140]  }
0x320: {  	v4 =	vld [tilespmem:s29+$0x18540]  }
0x321: {  	[tilespmem:s29+$0x12110] =	vst v2;
	v0 =	vadd.f32 v0, v6;
	v2 =	vld [tilespmem:s29+$0x12150]  }
0x322: {  	v6 =	vld [tilespmem:s29+$0x18550]  }
0x323: {  	[tilespmem:s29+$0x12120] =	vst v0;
	v0 =	vadd.f32 v1, v5;
	v1 =	vld [tilespmem:s29+$0x12160]  }
0x324: {  	v5 =	vld [tilespmem:s29+$0x18560]  }
0x325: {  	[tilespmem:s29+$0x12130] =	vst v0;
	v0 =	vadd.f32 v4, v3;
	v3 =	vld [tilespmem:s29+$0x12170]  }
0x326: {  	v4 =	vld [tilespmem:s29+$0x18570]  }
0x327: {  	[tilespmem:s29+$0x12140] =	vst v0;
	v0 =	vadd.f32 v6, v2;
	v2 =	vld [tilespmem:s29+$0x12180]  }
0x328: {  	v6 =	vld [tilespmem:s29+$0x18580]  }
0x329: {  	[tilespmem:s29+$0x12150] =	vst v0;
	v0 =	vadd.f32 v5, v1;
	v1 =	vld [tilespmem:s29+$0x12190]  }
0x32a: {  	v5 =	vld [tilespmem:s29+$0x18590]  }
0x32b: {  	[tilespmem:s29+$0x12160] =	vst v0;
	v0 =	vadd.f32 v4, v3;
	v3 =	vld [tilespmem:s29+$0x121A0]  }
0x32c: {  	v4 =	vld [tilespmem:s29+$0x185A0]  }
0x32d: {  	[tilespmem:s29+$0x12170] =	vst v0;
	v0 =	vadd.f32 v6, v2;
	v2 =	vld [tilespmem:s29+$0x121B0]  }
0x32e: {  	v6 =	vld [tilespmem:s29+$0x185B0]  }
0x32f: {  	[tilespmem:s29+$0x12180] =	vst v0;
	v0 =	vadd.f32 v5, v1;
	v1 =	vld [tilespmem:s29+$0x121C0]  }
0x330: {  	v5 =	vld [tilespmem:s29+$0x185C0]  }
0x331: {  	[tilespmem:s29+$0x12190] =	vst v0;
	v0 =	vadd.f32 v4, v3;
	v3 =	vld [tilespmem:s29+$0x121D0]  }
0x332: {  	v4 =	vld [tilespmem:s29+$0x185D0]  }
0x333: {  	[tilespmem:s29+$0x121A0] =	vst v0;
	v0 =	vadd.f32 v6, v2;
	v2 =	vld [tilespmem:s29+$0x121E0]  }
0x334: {  	v6 =	vld [tilespmem:s29+$0x185E0]  }
0x335: {  	[tilespmem:s29+$0x121B0] =	vst v0;
	v0 =	vadd.f32 v5, v1;
	v1 =	vld [tilespmem:s29+$0x121F0]  }
0x336: {  	v5 =	vld [tilespmem:s29+$0x185F0]  }
0x337: {  	[tilespmem:s29+$0x121C0] =	vst v0;
	v0 =	vadd.f32 v4, v3;
	v3 =	vld [tilespmem:s29+$0x12200]  }
0x338: {  	v4 =	vld [tilespmem:s29+$0x18600]  }
0x339: {  	[tilespmem:s29+$0x121D0] =	vst v0;
	v0 =	vadd.f32 v6, v2;
	v2 =	vld [tilespmem:s29+$0x12210]  }
0x33a: {  	v6 =	vld [tilespmem:s29+$0x18610]  }
0x33b: {  	[tilespmem:s29+$0x121E0] =	vst v0;
	v0 =	vadd.f32 v5, v1;
	v1 =	vld [tilespmem:s29+$0x12220]  }
0x33c: {  	v5 =	vld [tilespmem:s29+$0x18620]  }
0x33d: {  	[tilespmem:s29+$0x121F0] =	vst v0;
	v0 =	vadd.f32 v4, v3;
	v3 =	vld [tilespmem:s29+$0x12230]  }
0x33e: {  	v4 =	vld [tilespmem:s29+$0x18630]  }
0x33f: {  	[tilespmem:s29+$0x12200] =	vst v0;
	v0 =	vadd.f32 v6, v2;
	v2 =	vld [tilespmem:s29+$0x12240]  }
0x340: {  	v6 =	vld [tilespmem:s29+$0x18640]  }
0x341: {  	[tilespmem:s29+$0x12210] =	vst v0;
	v0 =	vadd.f32 v5, v1;
	v1 =	vld [tilespmem:s29+$0x12250]  }
0x342: {  	v5 =	vld [tilespmem:s29+$0x18650]  }
0x343: {  	[tilespmem:s29+$0x12220] =	vst v0;
	v0 =	vadd.f32 v4, v3;
	v3 =	vld [tilespmem:s29+$0x12260]  }
0x344: {  	v4 =	vld [tilespmem:s29+$0x18660]  }
0x345: {  	[tilespmem:s29+$0x12230] =	vst v0;
	v0 =	vadd.f32 v6, v2;
	v2 =	vld [tilespmem:s29+$0x12270]  }
0x346: {  	v6 =	vld [tilespmem:s29+$0x18670]  }
0x347: {  	[tilespmem:s29+$0x12240] =	vst v0;
	v0 =	vadd.f32 v5, v1;
	v1 =	vld [tilespmem:s29+$0x12280]  }
0x348: {  	v5 =	vld [tilespmem:s29+$0x18680]  }
0x349: {  	[tilespmem:s29+$0x12250] =	vst v0;
	v0 =	vadd.f32 v4, v3;
	v3 =	vld [tilespmem:s29+$0x12290]  }
0x34a: {  	v4 =	vld [tilespmem:s29+$0x18690]  }
0x34b: {  	[tilespmem:s29+$0x12260] =	vst v0;
	v0 =	vadd.f32 v6, v2;
	v2 =	vld [tilespmem:s29+$0x122A0]  }
0x34c: {  	v6 =	vld [tilespmem:s29+$0x186A0]  }
0x34d: {  	[tilespmem:s29+$0x12270] =	vst v0;
	v0 =	vadd.f32 v5, v1;
	v5 =	vld [tilespmem:s29+$0x122B0]  }
0x34e: {  	v7 =	vld [tilespmem:s29+$0x186B0]  }
.Ltmp5:
0x34f: {  	[tilespmem:s29+$0x12280] =	vst v0;
	v3 =	vadd.f32 v4, v3;
	v0 =	vld [tilespmem:s29+$0x122C0];
	(pc) =	sbr.rel @p0 .LBB2_13-.Ltmp5, $4  }
0x350: {  	v1 =	vld [tilespmem:s29+$0x186C0]  }
0x351: {  	[tilespmem:s29+$0x12290] =	vst v3;
	v4 =	vadd.f32 v6, v2;
	v2 =	vld [tilespmem:s29+$0x122D0]  }
0x352: {  	v3 =	vld [tilespmem:s29+$0x186D0]  }
0x353: {  	s0 =	sadd.s32 $0x800, s0;
	[tilespmem:s29+$0x122A0] =	vst v4;
	v5 =	vadd.f32 v7, v5;
	v4 =	vld [tilespmem:s29+$0x122E0]  }
0x354: {  	v6 =	vld [tilespmem:s29+$0x186E0]  }
0x355: {  	s28 =	sadd.s32 $0x1, s28  }
0x356: {  	p0 =	sne.s32 s28, $0xA  }
.Ltmp6:
0x357: {  	v0 =	vadd.f32 v1, v0;
	(pc) =	sbr.rel @p0 .LBB2_2-.Ltmp6, $4  }
0x358: {  	[tilespmem:s29+$0x122B0] =	vst v5;
	v62 =	vadd.f32 v3, v2  }
0x359: {  	[tilespmem:s29+$0x122C0] =	vst v0;
	v63 =	vadd.f32 v6, v4  }
0x35a: {  	[tilespmem:s29+$0x122D0] =	vst v62  }
0x35b: {  	[tilespmem:s29+$0x122E0] =	vst v63  }
0x35c: {  	[tilespmem:s14], [sflag:$0x2] =	stream.indirect.gather [hbm4b:s1+s10], $0x80, s24, s10, $0xb8;
	[tilespmem:$0x1A900] =	vst v63  }
0x35d: {  	_ = 	snop  }
0x35e: {  	[tilespmem:s15], [sflag:$0x5] =	stream.indirect.gather [hbm4b:s1+s12], $0x80, s25, s12, $0xb8;
	[tilespmem:$0x1A900] =	vst v63  }
0x35f: {  	_ =	swait.ge [sflag:s16], $0x4000  }
0x360: {  	[sflag:s16] =	ssyncset.done $0x0  }
0x361: {  	s28 =	simm.s32 $0x1A00;
	[sflag:s16] =	ssyncadd.s32 $0xFFFFC000  }
0x362: {  	s29 =	simm.s32 $0x14600;
	v0 =	vld [tilespmem:s28+$0x80]  }
0x363: {  	v1 =	vld [tilespmem:s29+$0x80]  }
0x364: {  	v2 =	vld [tilespmem:s28+$0xFFFFFF80]  }
0x365: {  	v3 =	vld [tilespmem:s29+$0xFFFFFF80]  }
0x366: {  	v4 =	vld [tilespmem:s28+$0x0]  }
0x367: {  	v5 =	vld [tilespmem:s29+$0x0]  }
0x368: {  	v6 =	vld [tilespmem:s28+$0xFFFFFF00];
	v0 =	vadd.f32 v1, v0  }
0x369: {  	v1 =	vld [tilespmem:s29+$0xFFFFFF00]  }
0x36a: {  	[tilespmem:s28+$0x80] =	vst v0;
	v0 =	vld [tilespmem:s28+$0x90]  }
0x36b: {  	v2 =	vadd.f32 v3, v2;
	v3 =	vld [tilespmem:s29+$0x90]  }
0x36c: {  	v7 =	vld [tilespmem:s28+$0xFFFFFF10]  }
0x36d: {  	[tilespmem:s28+$0xFFFFFF80] =	vst v2;
	v2 =	vadd.f32 v5, v4;
	v4 =	vld [tilespmem:s28+$0xFFFFFF90]  }
0x36e: {  	v5 =	vld [tilespmem:s29+$0xFFFFFF90];
	v1 =	vadd.f32 v1, v6  }
0x36f: {  	[tilespmem:s28+$0x0] =	vst v2;
	v2 =	vld [tilespmem:s28+$0x10]  }
0x370: {  	v6 =	vld [tilespmem:s29+$0x10];
	[tilespmem:s28+$0xFFFFFF00] =	vst v1;
	v0 =	vadd.f32 v3, v0  }
0x371: {  	v1 =	vld [tilespmem:s29+$0xFFFFFF10]  }
0x372: {  	[tilespmem:s28+$0x90] =	vst v0;
	v0 =	vld [tilespmem:s28+$0xA0]  }
0x373: {  	v3 =	vadd.f32 v5, v4;
	v4 =	vld [tilespmem:s29+$0xA0]  }
0x374: {  	v5 =	vld [tilespmem:s28+$0xFFFFFF20]  }
0x375: {  	[tilespmem:s28+$0xFFFFFF90] =	vst v3;
	v2 =	vadd.f32 v6, v2;
	v3 =	vld [tilespmem:s28+$0xFFFFFFA0]  }
0x376: {  	v6 =	vld [tilespmem:s29+$0xFFFFFFA0];
	v1 =	vadd.f32 v1, v7  }
0x377: {  	[tilespmem:s28+$0x10] =	vst v2;
	v2 =	vld [tilespmem:s28+$0x20]  }
0x378: {  	v7 =	vld [tilespmem:s29+$0x20];
	[tilespmem:s28+$0xFFFFFF10] =	vst v1;
	v0 =	vadd.f32 v4, v0  }
0x379: {  	v1 =	vld [tilespmem:s29+$0xFFFFFF20]  }
0x37a: {  	[tilespmem:s28+$0xA0] =	vst v0;
	v0 =	vld [tilespmem:s28+$0xB0]  }
0x37b: {  	v3 =	vadd.f32 v6, v3;
	v4 =	vld [tilespmem:s29+$0xB0]  }
0x37c: {  	v6 =	vld [tilespmem:s28+$0xFFFFFF30]  }
0x37d: {  	[tilespmem:s28+$0xFFFFFFA0] =	vst v3;
	v2 =	vadd.f32 v7, v2;
	v3 =	vld [tilespmem:s28+$0xFFFFFFB0]  }
0x37e: {  	v7 =	vld [tilespmem:s29+$0xFFFFFFB0];
	v1 =	vadd.f32 v1, v5  }
0x37f: {  	[tilespmem:s28+$0x20] =	vst v2;
	v2 =	vld [tilespmem:s28+$0x30]  }
0x380: {  	v5 =	vld [tilespmem:s29+$0x30];
	[tilespmem:s28+$0xFFFFFF20] =	vst v1;
	v0 =	vadd.f32 v4, v0  }
0x381: {  	v1 =	vld [tilespmem:s29+$0xFFFFFF30]  }
0x382: {  	[tilespmem:s28+$0xB0] =	vst v0;
	v0 =	vld [tilespmem:s28+$0xC0]  }
0x383: {  	v3 =	vadd.f32 v7, v3;
	v4 =	vld [tilespmem:s29+$0xC0]  }
0x384: {  	v7 =	vld [tilespmem:s28+$0xFFFFFF40]  }
0x385: {  	[tilespmem:s28+$0xFFFFFFB0] =	vst v3;
	v2 =	vadd.f32 v5, v2;
	v3 =	vld [tilespmem:s28+$0xFFFFFFC0]  }
0x386: {  	v5 =	vld [tilespmem:s29+$0xFFFFFFC0];
	v1 =	vadd.f32 v1, v6  }
0x387: {  	[tilespmem:s28+$0x30] =	vst v2;
	v2 =	vld [tilespmem:s28+$0x40]  }
0x388: {  	v6 =	vld [tilespmem:s29+$0x40];
	[tilespmem:s28+$0xFFFFFF30] =	vst v1;
	v0 =	vadd.f32 v4, v0  }
0x389: {  	v1 =	vld [tilespmem:s29+$0xFFFFFF40]  }
0x38a: {  	[tilespmem:s28+$0xC0] =	vst v0;
	v0 =	vld [tilespmem:s28+$0xD0]  }
0x38b: {  	v3 =	vadd.f32 v5, v3;
	v4 =	vld [tilespmem:s29+$0xD0]  }
0x38c: {  	v5 =	vld [tilespmem:s28+$0xFFFFFF50]  }
0x38d: {  	[tilespmem:s28+$0xFFFFFFC0] =	vst v3;
	v2 =	vadd.f32 v6, v2;
	v3 =	vld [tilespmem:s28+$0xFFFFFFD0]  }
0x38e: {  	v6 =	vld [tilespmem:s29+$0xFFFFFFD0];
	v1 =	vadd.f32 v1, v7  }
0x38f: {  	[tilespmem:s28+$0x40] =	vst v2;
	v2 =	vld [tilespmem:s28+$0x50]  }
0x390: {  	v7 =	vld [tilespmem:s29+$0x50];
	[tilespmem:s28+$0xFFFFFF40] =	vst v1;
	v0 =	vadd.f32 v4, v0  }
0x391: {  	v1 =	vld [tilespmem:s29+$0xFFFFFF50]  }
0x392: {  	[tilespmem:s28+$0xD0] =	vst v0;
	v0 =	vld [tilespmem:s28+$0xE0]  }
0x393: {  	v3 =	vadd.f32 v6, v3;
	v4 =	vld [tilespmem:s29+$0xE0]  }
0x394: {  	v6 =	vld [tilespmem:s28+$0xFFFFFF60]  }
0x395: {  	[tilespmem:s28+$0xFFFFFFD0] =	vst v3;
	v2 =	vadd.f32 v7, v2;
	v3 =	vld [tilespmem:s28+$0xFFFFFFE0]  }
0x396: {  	v7 =	vld [tilespmem:s29+$0xFFFFFFE0];
	v1 =	vadd.f32 v1, v5  }
0x397: {  	[tilespmem:s28+$0x50] =	vst v2;
	v2 =	vld [tilespmem:s28+$0x60]  }
0x398: {  	v5 =	vld [tilespmem:s29+$0x60];
	[tilespmem:s28+$0xFFFFFF50] =	vst v1;
	v0 =	vadd.f32 v4, v0  }
0x399: {  	v4 =	vld [tilespmem:s29+$0xFFFFFF60]  }
0x39a: {  	v8 =	vld [tilespmem:s28+$0xF0];
	[tilespmem:s28+$0xE0] =	vst v0  }
0x39b: {  	v1 =	vadd.f32 v7, v3;
	v7 =	vld [tilespmem:s29+$0xF0]  }
0x39c: {  	v0 =	vld [tilespmem:s28+$0xFFFFFF70]  }
0x39d: {  	[tilespmem:s28+$0xFFFFFFE0] =	vst v1;
	v2 =	vadd.f32 v5, v2;
	v1 =	vld [tilespmem:s28+$0xFFFFFFF0]  }
0x39e: {  	v3 =	vld [tilespmem:s29+$0xFFFFFFF0];
	v4 =	vadd.f32 v4, v6  }
0x39f: {  	[tilespmem:s28+$0x60] =	vst v2;
	v2 =	vld [tilespmem:s28+$0x70]  }
0x3a0: {  	[tilespmem:s28+$0xFFFFFF60] =	vst v4;
	v4 =	vld [tilespmem:s29+$0x70];
	v6 =	vadd.f32 v7, v8  }
0x3a1: {  	s2 =	simm.s32 $0x0;
	s0 =	simm.s32 $0x1C00;
	v5 =	vld [tilespmem:s29+$0xFFFFFF70]  }
.LBB2_16:
0x3a2: {  	v7 =	vld [tilespmem:s0+$0x80];
	[tilespmem:s28+$0xF0] =	vst v6;
	s29 =	sadd.s32 $0x200, s29  }
0x3a3: {  	s2 =	sadd.s32 $0x4, s2;
	v6 =	vld [tilespmem:s29+$0x80];
	v1 =	vadd.f32 v3, v1  }
0x3a4: {  	p0 =	slt.u32 s2, $0x7C;
	v3 =	vld [tilespmem:s29+$0xFFFFFF00]  }
0x3a5: {  	v8 =	vld [tilespmem:s0+$0xFFFFFF80];
	[tilespmem:s28+$0xFFFFFFF0] =	vst v1;
	v1 =	vadd.f32 v4, v2  }
0x3a6: {  	v2 =	vld [tilespmem:s29+$0xFFFFFF80];
	v0 =	vadd.f32 v5, v0  }
0x3a7: {  	v4 =	vld [tilespmem:s0+$0x0];
	[tilespmem:s28+$0x70] =	vst v1  }
0x3a8: {  	v1 =	vld [tilespmem:s29+$0x0];
	v5 =	vadd.f32 v6, v7;
	[tilespmem:s28+$0xFFFFFF70] =	vst v0;
	s28 =	smov.u32 s0  }
0x3a9: {  	v0 =	vld [tilespmem:s0+$0xFFFFFF00]  }
0x3aa: {  	[tilespmem:s0+$0x80] =	vst v5;
	v5 =	vld [tilespmem:s0+$0x90]  }
0x3ab: {  	v2 =	vadd.f32 v2, v8;
	v6 =	vld [tilespmem:s29+$0x90]  }
0x3ac: {  	v7 =	vld [tilespmem:s0+$0xFFFFFF10]  }
0x3ad: {  	[tilespmem:s0+$0xFFFFFF80] =	vst v2;
	v2 =	vld [tilespmem:s0+$0xFFFFFF90];
	v1 =	vadd.f32 v1, v4  }
0x3ae: {  	v0 =	vadd.f32 v3, v0;
	v3 =	vld [tilespmem:s29+$0xFFFFFF90]  }
0x3af: {  	[tilespmem:s0+$0x0] =	vst v1;
	v1 =	vld [tilespmem:s0+$0x10]  }
0x3b0: {  	[tilespmem:s0+$0xFFFFFF00] =	vst v0;
	v0 =	vld [tilespmem:s29+$0x10];
	v4 =	vadd.f32 v6, v5  }
0x3b1: {  	v5 =	vld [tilespmem:s29+$0xFFFFFF10]  }
0x3b2: {  	[tilespmem:s0+$0x90] =	vst v4;
	v4 =	vld [tilespmem:s0+$0xA0]  }
0x3b3: {  	v2 =	vadd.f32 v3, v2;
	v3 =	vld [tilespmem:s29+$0xA0]  }
0x3b4: {  	v6 =	vld [tilespmem:s0+$0xFFFFFF20]  }
0x3b5: {  	[tilespmem:s0+$0xFFFFFF90] =	vst v2;
	v2 =	vld [tilespmem:s0+$0xFFFFFFA0];
	v0 =	vadd.f32 v0, v1  }
0x3b6: {  	v1 =	vadd.f32 v5, v7;
	v5 =	vld [tilespmem:s29+$0xFFFFFFA0]  }
0x3b7: {  	[tilespmem:s0+$0x10] =	vst v0;
	v0 =	vld [tilespmem:s0+$0x20]  }
0x3b8: {  	[tilespmem:s0+$0xFFFFFF10] =	vst v1;
	v1 =	vld [tilespmem:s29+$0x20];
	v3 =	vadd.f32 v3, v4  }
0x3b9: {  	v4 =	vld [tilespmem:s29+$0xFFFFFF20]  }
0x3ba: {  	[tilespmem:s0+$0xA0] =	vst v3;
	v3 =	vld [tilespmem:s0+$0xB0]  }
0x3bb: {  	v2 =	vadd.f32 v5, v2;
	v5 =	vld [tilespmem:s29+$0xB0]  }
0x3bc: {  	v7 =	vld [tilespmem:s0+$0xFFFFFF30]  }
0x3bd: {  	[tilespmem:s0+$0xFFFFFFA0] =	vst v2;
	v2 =	vld [tilespmem:s0+$0xFFFFFFB0];
	v0 =	vadd.f32 v1, v0  }
0x3be: {  	v1 =	vadd.f32 v4, v6;
	v4 =	vld [tilespmem:s29+$0xFFFFFFB0]  }
0x3bf: {  	[tilespmem:s0+$0x20] =	vst v0;
	v0 =	vld [tilespmem:s0+$0x30]  }
0x3c0: {  	[tilespmem:s0+$0xFFFFFF20] =	vst v1;
	v1 =	vld [tilespmem:s29+$0x30];
	v3 =	vadd.f32 v5, v3  }
0x3c1: {  	v5 =	vld [tilespmem:s29+$0xFFFFFF30]  }
0x3c2: {  	[tilespmem:s0+$0xB0] =	vst v3;
	v3 =	vld [tilespmem:s0+$0xC0]  }
0x3c3: {  	v2 =	vadd.f32 v4, v2;
	v4 =	vld [tilespmem:s29+$0xC0]  }
0x3c4: {  	v6 =	vld [tilespmem:s0+$0xFFFFFF40]  }
0x3c5: {  	[tilespmem:s0+$0xFFFFFFB0] =	vst v2;
	v2 =	vld [tilespmem:s0+$0xFFFFFFC0];
	v0 =	vadd.f32 v1, v0  }
0x3c6: {  	v1 =	vadd.f32 v5, v7;
	v5 =	vld [tilespmem:s29+$0xFFFFFFC0]  }
0x3c7: {  	[tilespmem:s0+$0x30] =	vst v0;
	v0 =	vld [tilespmem:s0+$0x40]  }
0x3c8: {  	[tilespmem:s0+$0xFFFFFF30] =	vst v1;
	v1 =	vld [tilespmem:s29+$0x40];
	v3 =	vadd.f32 v4, v3  }
0x3c9: {  	v4 =	vld [tilespmem:s29+$0xFFFFFF40]  }
0x3ca: {  	[tilespmem:s0+$0xC0] =	vst v3;
	v3 =	vld [tilespmem:s0+$0xD0]  }
0x3cb: {  	v2 =	vadd.f32 v5, v2;
	v5 =	vld [tilespmem:s29+$0xD0]  }
0x3cc: {  	v7 =	vld [tilespmem:s0+$0xFFFFFF50]  }
0x3cd: {  	[tilespmem:s0+$0xFFFFFFC0] =	vst v2;
	v2 =	vld [tilespmem:s0+$0xFFFFFFD0];
	v0 =	vadd.f32 v1, v0  }
0x3ce: {  	v1 =	vadd.f32 v4, v6;
	v4 =	vld [tilespmem:s29+$0xFFFFFFD0]  }
0x3cf: {  	[tilespmem:s0+$0x40] =	vst v0;
	v0 =	vld [tilespmem:s0+$0x50]  }
0x3d0: {  	[tilespmem:s0+$0xFFFFFF40] =	vst v1;
	v1 =	vld [tilespmem:s29+$0x50];
	v3 =	vadd.f32 v5, v3  }
0x3d1: {  	v5 =	vld [tilespmem:s29+$0xFFFFFF50]  }
0x3d2: {  	[tilespmem:s0+$0xD0] =	vst v3;
	v3 =	vld [tilespmem:s0+$0xE0]  }
0x3d3: {  	v2 =	vadd.f32 v4, v2;
	v4 =	vld [tilespmem:s29+$0xE0]  }
0x3d4: {  	v6 =	vld [tilespmem:s0+$0xFFFFFF60]  }
0x3d5: {  	[tilespmem:s0+$0xFFFFFFD0] =	vst v2;
	v2 =	vld [tilespmem:s0+$0xFFFFFFE0];
	v0 =	vadd.f32 v1, v0  }
0x3d6: {  	v1 =	vadd.f32 v5, v7;
	v5 =	vld [tilespmem:s29+$0xFFFFFFE0]  }
0x3d7: {  	[tilespmem:s0+$0x50] =	vst v0;
	v7 =	vld [tilespmem:s0+$0x60]  }
0x3d8: {  	[tilespmem:s0+$0xFFFFFF50] =	vst v1;
	v8 =	vld [tilespmem:s29+$0x60];
	v0 =	vadd.f32 v4, v3  }
0x3d9: {  	v3 =	vld [tilespmem:s29+$0xFFFFFF60]  }
0x3da: {  	[tilespmem:s0+$0xE0] =	vst v0;
	v9 =	vld [tilespmem:s0+$0xF0]  }
0x3db: {  	v1 =	vadd.f32 v5, v2;
	v5 =	vld [tilespmem:s29+$0xF0]  }
0x3dc: {  	v0 =	vld [tilespmem:s0+$0xFFFFFF70]  }
.Ltmp7:
0x3dd: {  	[tilespmem:s0+$0xFFFFFFE0] =	vst v1;
	v1 =	vld [tilespmem:s0+$0xFFFFFFF0];
	v2 =	vadd.f32 v8, v7;
	(pc) =	sbr.rel @p0 .LBB2_16-.Ltmp7, $4  }
0x3de: {  	v4 =	vadd.f32 v3, v6;
	v3 =	vld [tilespmem:s29+$0xFFFFFFF0]  }
0x3df: {  	[tilespmem:s0+$0x60] =	vst v2;
	v2 =	vld [tilespmem:s0+$0x70]  }
0x3e0: {  	[tilespmem:s0+$0xFFFFFF60] =	vst v4;
	v4 =	vld [tilespmem:s29+$0x70];
	v6 =	vadd.f32 v5, v9  }
0x3e1: {  	s0 =	sadd.s32 $0x200, s0;
	v5 =	vld [tilespmem:s29+$0xFFFFFF70]  }
0x3e2: {  	_ =	sdelay $0x1  }
0x3e3: {  	v1 =	vadd.f32 v3, v1  }
0x3e4: {  	[tilespmem:s28+$0xF0] =	vst v6;
	v2 =	vadd.f32 v4, v2  }
0x3e5: {  	[tilespmem:s28+$0xFFFFFFF0] =	vst v1;
	v0 =	vadd.f32 v5, v0  }
0x3e6: {  	[tilespmem:s28+$0x70] =	vst v2  }
0x3e7: {  	[tilespmem:s28+$0xFFFFFF70] =	vst v0  }
0x3e8: {  	_ =	swait.ge [sflag:s17], $0x2400  }
0x3e9: {  	[sflag:s17] =	ssyncset.done $0x0  }
0x3ea: {  	s28 =	simm.s32 $0x0;
	[sflag:s17] =	ssyncadd.s32 $0xFFFFDC00  }
0x3eb: {  	v0 =	vld [tilespmem:s28+$0x5900]  }
0x3ec: {  	v1 =	vld [tilespmem:s28+$0x18500]  }
0x3ed: {  	v2 =	vld [tilespmem:s28+$0x5910]  }
0x3ee: {  	v3 =	vld [tilespmem:s28+$0x18510]  }
0x3ef: {  	v4 =	vld [tilespmem:s28+$0x5920]  }
0x3f0: {  	v5 =	vld [tilespmem:s28+$0x18520]  }
0x3f1: {  	v6 =	vld [tilespmem:s28+$0x18530]  }
0x3f2: {  	v7 =	vld [tilespmem:s28+$0x5AF0]  }
0x3f3: {  	v8 =	vld [tilespmem:s28+$0x186F0]  }
0x3f4: {  	v9 =	vld [tilespmem:s28+$0x18560]  }
0x3f5: {  	v10 =	vld [tilespmem:s28+$0x5980]  }
0x3f6: {  	v11 =	vld [tilespmem:s28+$0x18580]  }
0x3f7: {  	v12 =	vld [tilespmem:s28+$0x5990]  }
0x3f8: {  	v13 =	vld [tilespmem:s28+$0x18590]  }
0x3f9: {  	v14 =	vld [tilespmem:s28+$0x59A0]  }
0x3fa: {  	v45 =	vld [tilespmem:s28+$0x59B0]  }
0x3fb: {  	v15 =	vld [tilespmem:s28+$0x5970]  }
0x3fc: {  	v47 =	vld [tilespmem:s28+$0x59C0]  }
0x3fd: {  	v48 =	vld [tilespmem:s28+$0x185C0]  }
0x3fe: {  	v16 =	vld [tilespmem:s28+$0x18570]  }
0x3ff: {  	v49 =	vld [tilespmem:s28+$0x59D0]  }
0x400: {  	v17 =	vld [tilespmem:s28+$0x185D0]  }
0x401: {  	v18 =	vld [tilespmem:s28+$0x5A00]  }
0x402: {  	v19 =	vld [tilespmem:s28+$0x18600]  }
0x403: {  	v20 =	vld [tilespmem:s28+$0x5A10]  }
0x404: {  	v21 =	vld [tilespmem:s28+$0x18610]  }
0x405: {  	v22 =	vld [tilespmem:s28+$0x5A20]  }
0x406: {  	v50 =	vld [tilespmem:s28+$0x18620]  }
0x407: {  	v51 =	vld [tilespmem:s28+$0x5A30]  }
0x408: {  	v23 =	vld [tilespmem:s28+$0x59E0]  }
0x409: {  	v53 =	vld [tilespmem:s28+$0x5A40]  }
0x40a: {  	v0 =	vadd.f32 v1, v0;
	v1 =	vld [tilespmem:s28+$0x5930]  }
0x40b: {  	v54 =	vld [tilespmem:s28+$0x18640]  }
0x40c: {  	v55 =	vld [tilespmem:s28+$0x185E0]  }
0x40d: {  	v56 =	vld [tilespmem:s28+$0x5A50];
	v10 =	vadd.f32 v11, v10  }
0x40e: {  	v46 =	vadd.f32 v13, v12;
	[tilespmem:s28+$0x5900] =	vst v0;
	v0 =	vadd.f32 v3, v2;
	v2 =	vld [tilespmem:s28+$0x5940]  }
0x40f: {  	[tilespmem:s28+$0x5980] =	vst v10;
	v1 =	vadd.f32 v6, v1;
	v6 =	vld [tilespmem:s28+$0x185A0]  }
0x410: {  	v18 =	vadd.f32 v19, v18;
	v3 =	vld [tilespmem:s28+$0x18540];
	[tilespmem:s28+$0x5990] =	vst v46  }
0x411: {  	v52 =	vadd.f32 v21, v20;
	[tilespmem:s28+$0x5910] =	vst v0;
	v0 =	vadd.f32 v5, v4;
	v4 =	vld [tilespmem:s28+$0x5950]  }
0x412: {  	[tilespmem:s28+$0x5A00] =	vst v18;
	v5 =	vld [tilespmem:s28+$0x18550]  }
0x413: {  	v57 =	vld [tilespmem:s28+$0x59F0];
	v7 =	vadd.f32 v8, v7;
	[tilespmem:s28+$0x5A10] =	vst v52  }
0x414: {  	[tilespmem:s28+$0x5920] =	vst v0;
	v0 =	vld [tilespmem:s28+$0x5960];
	v6 =	vadd.f32 v6, v14  }
0x415: {  	v58 =	vld [tilespmem:s28+$0x5A60];
	[tilespmem:s28+$0x5AF0] =	vst v7  }
0x416: {  	v2 =	vadd.f32 v3, v2;
	[tilespmem:s28+$0x59A0] =	vst v6;
	v6 =	vld [tilespmem:s28+$0x18630]  }
0x417: {  	[tilespmem:s28+$0x5930] =	vst v1;
	v1 =	vld [tilespmem:s28+$0x185B0];
	v4 =	vadd.f32 v5, v4  }
0x418: {  	v59 =	vld [tilespmem:s28+$0x18660];
	[tilespmem:s28+$0x5940] =	vst v2;
	v14 =	vadd.f32 v50, v22  }
0x419: {  	v5 =	vld [tilespmem:s28+$0x5A80];
	v0 =	vadd.f32 v9, v0;
	[tilespmem:s28+$0x5950] =	vst v4  }
0x41a: {  	v2 =	vld [tilespmem:s28+$0x18680];
	v4 =	vadd.f32 v16, v15;
	[tilespmem:s28+$0x5A20] =	vst v14  }
0x41b: {  	v60 =	vld [tilespmem:s28+$0x18690];
	[tilespmem:s28+$0x5960] =	vst v0;
	v6 =	vadd.f32 v6, v51  }
0x41c: {  	v7 =	vld [tilespmem:s28+$0x5A90];
	v1 =	vadd.f32 v1, v45;
	[tilespmem:s28+$0x5970] =	vst v4  }
0x41d: {  	v0 =	vadd.f32 v48, v47;
	[tilespmem:s28+$0x5A30] =	vst v6;
	v6 =	vld [tilespmem:s28+$0x185F0]  }
0x41e: {  	v61 =	vld [tilespmem:s28+$0x5AA0];
	v4 =	vadd.f32 v17, v49;
	[tilespmem:s28+$0x59B0] =	vst v1  }
0x41f: {  	v63 =	vld [tilespmem:s28+$0x18670];
	v2 =	vadd.f32 v2, v5;
	[tilespmem:s28+$0x59C0] =	vst v0  }
0x420: {  	v1 =	vld [tilespmem:s28+$0x18650];
	v0 =	vadd.f32 v55, v23;
	[tilespmem:s28+$0x59D0] =	vst v4  }
0x421: {  	v3 =	vld [tilespmem:s28+$0x5A70];
	[tilespmem:s28+$0x5A80] =	vst v2;
	v2 =	vadd.f32 v60, v7  }
0x422: {  	v62 =	vld [tilespmem:s28+$0x186A0];
	[tilespmem:s28+$0x59E0] =	vst v0;
	v0 =	vadd.f32 v6, v57  }
0x423: {  	v5 =	vld [tilespmem:s28+$0x186B0];
	[tilespmem:s28+$0x5A90] =	vst v2;
	v6 =	vadd.f32 v54, v53  }
0x424: {  	v4 =	vld [tilespmem:s28+$0x5AB0];
	v7 =	vadd.f32 v59, v58;
	[tilespmem:s28+$0x59F0] =	vst v0  }
0x425: {  	v0 =	vld [tilespmem:s28+$0x5AC0];
	[tilespmem:s28+$0x5A40] =	vst v6;
	v6 =	vadd.f32 v1, v56  }
0x426: {  	[tilespmem:s28+$0x5A60] =	vst v7;
	v7 =	vadd.f32 v63, v3;
	v1 =	vld [tilespmem:s28+$0x186C0]  }
0x427: {  	v2 =	vld [tilespmem:s28+$0x5AD0];
	[tilespmem:s28+$0x5A50] =	vst v6;
	v6 =	vadd.f32 v62, v61  }
0x428: {  	v3 =	vld [tilespmem:s28+$0x186D0];
	[tilespmem:s28+$0x5A70] =	vst v7  }
0x429: {  	s29 =	simm.s32 $0x80;
	s0 =	simm.s32 $0x800;
	v5 =	vadd.f32 v5, v4;
	v4 =	vld [tilespmem:s28+$0x5AE0];
	[tilespmem:s28+$0x5AA0] =	vst v6  }
.LBB2_18:
0x42a: {  	s2 =	sshra.s32 s0, $0x2;
	v6 =	vld [tilespmem:s28+$0x186E0]  }
0x42b: {  	s29 =	sadd.s32 $0x4, s29;
	v7 =	vld [tilespmem:s2+$0x5AF0];
	[tilespmem:s28+$0x5AB0] =	vst v5;
	v0 =	vadd.f32 v1, v0  }
0x42c: {  	p0 =	slt.u32 s29, $0xC4;
	v1 =	vld [tilespmem:s2+$0x186F0]  }
0x42d: {  	v5 =	vld [tilespmem:s2+$0x5900];
	[tilespmem:s28+$0x5AC0] =	vst v0;
	v0 =	vadd.f32 v3, v2  }
0x42e: {  	v2 =	vld [tilespmem:s2+$0x18500]  }
0x42f: {  	v3 =	vld [tilespmem:s2+$0x5910];
	[tilespmem:s28+$0x5AD0] =	vst v0;
	v0 =	vadd.f32 v6, v4  }
0x430: {  	v4 =	vld [tilespmem:s2+$0x18510]  }
0x431: {  	v6 =	vld [tilespmem:s2+$0x5920];
	v1 =	vadd.f32 v1, v7;
	[tilespmem:s28+$0x5AE0] =	vst v0;
	s28 =	smov.u32 s2  }
0x432: {  	v0 =	vld [tilespmem:s28+$0x18520]  }
0x433: {  	v2 =	vadd.f32 v2, v5;
	v5 =	vld [tilespmem:s28+$0x5930];
	[tilespmem:s28+$0x5AF0] =	vst v1  }
0x434: {  	v1 =	vld [tilespmem:s28+$0x18530]  }
0x435: {  	[tilespmem:s28+$0x5900] =	vst v2;
	v2 =	vadd.f32 v4, v3;
	v3 =	vld [tilespmem:s28+$0x5940]  }
0x436: {  	v4 =	vld [tilespmem:s28+$0x18540]  }
0x437: {  	[tilespmem:s28+$0x5910] =	vst v2;
	v0 =	vadd.f32 v0, v6;
	v2 =	vld [tilespmem:s28+$0x5950]  }
0x438: {  	v6 =	vld [tilespmem:s28+$0x18550]  }
0x439: {  	[tilespmem:s28+$0x5920] =	vst v0;
	v0 =	vadd.f32 v1, v5;
	v1 =	vld [tilespmem:s28+$0x5960]  }
0x43a: {  	v5 =	vld [tilespmem:s28+$0x18560]  }
0x43b: {  	[tilespmem:s28+$0x5930] =	vst v0;
	v0 =	vadd.f32 v4, v3;
	v3 =	vld [tilespmem:s28+$0x5970]  }
0x43c: {  	v4 =	vld [tilespmem:s28+$0x18570]  }
0x43d: {  	[tilespmem:s28+$0x5940] =	vst v0;
	v0 =	vadd.f32 v6, v2;
	v2 =	vld [tilespmem:s28+$0x5980]  }
0x43e: {  	v6 =	vld [tilespmem:s28+$0x18580]  }
0x43f: {  	[tilespmem:s28+$0x5950] =	vst v0;
	v0 =	vadd.f32 v5, v1;
	v1 =	vld [tilespmem:s28+$0x5990]  }
0x440: {  	v5 =	vld [tilespmem:s28+$0x18590]  }
0x441: {  	[tilespmem:s28+$0x5960] =	vst v0;
	v0 =	vadd.f32 v4, v3;
	v3 =	vld [tilespmem:s28+$0x59A0]  }
0x442: {  	v4 =	vld [tilespmem:s28+$0x185A0]  }
0x443: {  	[tilespmem:s28+$0x5970] =	vst v0;
	v0 =	vadd.f32 v6, v2;
	v2 =	vld [tilespmem:s28+$0x59B0]  }
0x444: {  	v6 =	vld [tilespmem:s28+$0x185B0]  }
0x445: {  	[tilespmem:s28+$0x5980] =	vst v0;
	v0 =	vadd.f32 v5, v1;
	v1 =	vld [tilespmem:s28+$0x59C0]  }
0x446: {  	v5 =	vld [tilespmem:s28+$0x185C0]  }
0x447: {  	[tilespmem:s28+$0x5990] =	vst v0;
	v0 =	vadd.f32 v4, v3;
	v3 =	vld [tilespmem:s28+$0x59D0]  }
0x448: {  	v4 =	vld [tilespmem:s28+$0x185D0]  }
0x449: {  	[tilespmem:s28+$0x59A0] =	vst v0;
	v0 =	vadd.f32 v6, v2;
	v2 =	vld [tilespmem:s28+$0x59E0]  }
0x44a: {  	v6 =	vld [tilespmem:s28+$0x185E0]  }
0x44b: {  	[tilespmem:s28+$0x59B0] =	vst v0;
	v0 =	vadd.f32 v5, v1;
	v1 =	vld [tilespmem:s28+$0x59F0]  }
0x44c: {  	v5 =	vld [tilespmem:s28+$0x185F0]  }
0x44d: {  	[tilespmem:s28+$0x59C0] =	vst v0;
	v0 =	vadd.f32 v4, v3;
	v3 =	vld [tilespmem:s28+$0x5A00]  }
0x44e: {  	v4 =	vld [tilespmem:s28+$0x18600]  }
0x44f: {  	[tilespmem:s28+$0x59D0] =	vst v0;
	v0 =	vadd.f32 v6, v2;
	v2 =	vld [tilespmem:s28+$0x5A10]  }
0x450: {  	v6 =	vld [tilespmem:s28+$0x18610]  }
0x451: {  	[tilespmem:s28+$0x59E0] =	vst v0;
	v0 =	vadd.f32 v5, v1;
	v1 =	vld [tilespmem:s28+$0x5A20]  }
0x452: {  	v5 =	vld [tilespmem:s28+$0x18620]  }
0x453: {  	[tilespmem:s28+$0x59F0] =	vst v0;
	v0 =	vadd.f32 v4, v3;
	v3 =	vld [tilespmem:s28+$0x5A30]  }
0x454: {  	v4 =	vld [tilespmem:s28+$0x18630]  }
0x455: {  	[tilespmem:s28+$0x5A00] =	vst v0;
	v0 =	vadd.f32 v6, v2;
	v2 =	vld [tilespmem:s28+$0x5A40]  }
0x456: {  	v6 =	vld [tilespmem:s28+$0x18640]  }
0x457: {  	[tilespmem:s28+$0x5A10] =	vst v0;
	v0 =	vadd.f32 v5, v1;
	v1 =	vld [tilespmem:s28+$0x5A50]  }
0x458: {  	v5 =	vld [tilespmem:s28+$0x18650]  }
0x459: {  	[tilespmem:s28+$0x5A20] =	vst v0;
	v0 =	vadd.f32 v4, v3;
	v3 =	vld [tilespmem:s28+$0x5A60]  }
0x45a: {  	v4 =	vld [tilespmem:s28+$0x18660]  }
0x45b: {  	[tilespmem:s28+$0x5A30] =	vst v0;
	v0 =	vadd.f32 v6, v2;
	v2 =	vld [tilespmem:s28+$0x5A70]  }
0x45c: {  	v6 =	vld [tilespmem:s28+$0x18670]  }
0x45d: {  	[tilespmem:s28+$0x5A40] =	vst v0;
	v0 =	vadd.f32 v5, v1;
	v1 =	vld [tilespmem:s28+$0x5A80]  }
0x45e: {  	v5 =	vld [tilespmem:s28+$0x18680]  }
0x45f: {  	[tilespmem:s28+$0x5A50] =	vst v0;
	v0 =	vadd.f32 v4, v3;
	v3 =	vld [tilespmem:s28+$0x5A90]  }
0x460: {  	v4 =	vld [tilespmem:s28+$0x18690]  }
0x461: {  	[tilespmem:s28+$0x5A60] =	vst v0;
	v0 =	vadd.f32 v6, v2;
	v2 =	vld [tilespmem:s28+$0x5AA0]  }
0x462: {  	v6 =	vld [tilespmem:s28+$0x186A0]  }
0x463: {  	[tilespmem:s28+$0x5A70] =	vst v0;
	v0 =	vadd.f32 v5, v1;
	v5 =	vld [tilespmem:s28+$0x5AB0]  }
0x464: {  	v7 =	vld [tilespmem:s28+$0x186B0]  }
.Ltmp8:
0x465: {  	[tilespmem:s28+$0x5A80] =	vst v0;
	v3 =	vadd.f32 v4, v3;
	v0 =	vld [tilespmem:s28+$0x5AC0];
	(pc) =	sbr.rel @p0 .LBB2_18-.Ltmp8, $4  }
0x466: {  	v1 =	vld [tilespmem:s28+$0x186C0]  }
0x467: {  	[tilespmem:s28+$0x5A90] =	vst v3;
	v4 =	vadd.f32 v6, v2;
	v2 =	vld [tilespmem:s28+$0x5AD0]  }
0x468: {  	v3 =	vld [tilespmem:s28+$0x186D0]  }
0x469: {  	s0 =	sadd.s32 $0x800, s0;
	[tilespmem:s28+$0x5AA0] =	vst v4;
	v5 =	vadd.f32 v7, v5;
	v4 =	vld [tilespmem:s28+$0x5AE0]  }
0x46a: {  	v6 =	vld [tilespmem:s28+$0x186E0];
	_ =	sdelay $0x2  }
0x46b: {  	v0 =	vadd.f32 v1, v0  }
0x46c: {  	[tilespmem:s28+$0x5AB0] =	vst v5;
	v1 =	vadd.f32 v3, v2  }
0x46d: {  	[tilespmem:s28+$0x5AC0] =	vst v0;
	v0 =	vadd.f32 v6, v4  }
0x46e: {  	[tilespmem:s28+$0x5AD0] =	vst v1  }
0x46f: {  	[tilespmem:s28+$0x5AE0] =	vst v0  }
0x470: {  	_ =	swait.ge [sflag:s20], $0x4000  }
0x471: {  	[sflag:s20] =	ssyncset.done $0x0  }
0x472: {  	s28 =	simm.s32 $0x7E00;
	[sflag:s20] =	ssyncadd.s32 $0xFFFFC000  }
0x473: {  	s29 =	simm.s32 $0x14600;
	v0 =	vld [tilespmem:s28+$0x80]  }
0x474: {  	v1 =	vld [tilespmem:s29+$0x80]  }
0x475: {  	v2 =	vld [tilespmem:s28+$0xFFFFFF80]  }
0x476: {  	v3 =	vld [tilespmem:s29+$0xFFFFFF80]  }
0x477: {  	v4 =	vld [tilespmem:s28+$0x0]  }
0x478: {  	v5 =	vld [tilespmem:s29+$0x0]  }
0x479: {  	v6 =	vld [tilespmem:s28+$0xFFFFFF00];
	v0 =	vadd.f32 v1, v0  }
0x47a: {  	v1 =	vld [tilespmem:s29+$0xFFFFFF00]  }
0x47b: {  	[tilespmem:s28+$0x80] =	vst v0;
	v0 =	vld [tilespmem:s28+$0x90]  }
0x47c: {  	v2 =	vadd.f32 v3, v2;
	v3 =	vld [tilespmem:s29+$0x90]  }
0x47d: {  	v7 =	vld [tilespmem:s28+$0xFFFFFF10]  }
0x47e: {  	[tilespmem:s28+$0xFFFFFF80] =	vst v2;
	v2 =	vadd.f32 v5, v4;
	v4 =	vld [tilespmem:s28+$0xFFFFFF90]  }
0x47f: {  	v5 =	vld [tilespmem:s29+$0xFFFFFF90];
	v1 =	vadd.f32 v1, v6  }
0x480: {  	[tilespmem:s28+$0x0] =	vst v2;
	v2 =	vld [tilespmem:s28+$0x10]  }
0x481: {  	v6 =	vld [tilespmem:s29+$0x10];
	[tilespmem:s28+$0xFFFFFF00] =	vst v1;
	v0 =	vadd.f32 v3, v0  }
0x482: {  	v1 =	vld [tilespmem:s29+$0xFFFFFF10]  }
0x483: {  	[tilespmem:s28+$0x90] =	vst v0;
	v0 =	vld [tilespmem:s28+$0xA0]  }
0x484: {  	v3 =	vadd.f32 v5, v4;
	v4 =	vld [tilespmem:s29+$0xA0]  }
0x485: {  	v5 =	vld [tilespmem:s28+$0xFFFFFF20]  }
0x486: {  	[tilespmem:s28+$0xFFFFFF90] =	vst v3;
	v2 =	vadd.f32 v6, v2;
	v3 =	vld [tilespmem:s28+$0xFFFFFFA0]  }
0x487: {  	v6 =	vld [tilespmem:s29+$0xFFFFFFA0];
	v1 =	vadd.f32 v1, v7  }
0x488: {  	[tilespmem:s28+$0x10] =	vst v2;
	v2 =	vld [tilespmem:s28+$0x20]  }
0x489: {  	v7 =	vld [tilespmem:s29+$0x20];
	[tilespmem:s28+$0xFFFFFF10] =	vst v1;
	v0 =	vadd.f32 v4, v0  }
0x48a: {  	v1 =	vld [tilespmem:s29+$0xFFFFFF20]  }
0x48b: {  	[tilespmem:s28+$0xA0] =	vst v0;
	v0 =	vld [tilespmem:s28+$0xB0]  }
0x48c: {  	v3 =	vadd.f32 v6, v3;
	v4 =	vld [tilespmem:s29+$0xB0]  }
0x48d: {  	v6 =	vld [tilespmem:s28+$0xFFFFFF30]  }
0x48e: {  	[tilespmem:s28+$0xFFFFFFA0] =	vst v3;
	v2 =	vadd.f32 v7, v2;
	v3 =	vld [tilespmem:s28+$0xFFFFFFB0]  }
0x48f: {  	v7 =	vld [tilespmem:s29+$0xFFFFFFB0];
	v1 =	vadd.f32 v1, v5  }
0x490: {  	[tilespmem:s28+$0x20] =	vst v2;
	v2 =	vld [tilespmem:s28+$0x30]  }
0x491: {  	v5 =	vld [tilespmem:s29+$0x30];
	[tilespmem:s28+$0xFFFFFF20] =	vst v1;
	v0 =	vadd.f32 v4, v0  }
0x492: {  	v1 =	vld [tilespmem:s29+$0xFFFFFF30]  }
0x493: {  	[tilespmem:s28+$0xB0] =	vst v0;
	v0 =	vld [tilespmem:s28+$0xC0]  }
0x494: {  	v3 =	vadd.f32 v7, v3;
	v4 =	vld [tilespmem:s29+$0xC0]  }
0x495: {  	v7 =	vld [tilespmem:s28+$0xFFFFFF40]  }
0x496: {  	[tilespmem:s28+$0xFFFFFFB0] =	vst v3;
	v2 =	vadd.f32 v5, v2;
	v3 =	vld [tilespmem:s28+$0xFFFFFFC0]  }
0x497: {  	v5 =	vld [tilespmem:s29+$0xFFFFFFC0];
	v1 =	vadd.f32 v1, v6  }
0x498: {  	[tilespmem:s28+$0x30] =	vst v2;
	v2 =	vld [tilespmem:s28+$0x40]  }
0x499: {  	v6 =	vld [tilespmem:s29+$0x40];
	[tilespmem:s28+$0xFFFFFF30] =	vst v1;
	v0 =	vadd.f32 v4, v0  }
0x49a: {  	v1 =	vld [tilespmem:s29+$0xFFFFFF40]  }
0x49b: {  	[tilespmem:s28+$0xC0] =	vst v0;
	v0 =	vld [tilespmem:s28+$0xD0]  }
0x49c: {  	v3 =	vadd.f32 v5, v3;
	v4 =	vld [tilespmem:s29+$0xD0]  }
0x49d: {  	v5 =	vld [tilespmem:s28+$0xFFFFFF50]  }
0x49e: {  	[tilespmem:s28+$0xFFFFFFC0] =	vst v3;
	v2 =	vadd.f32 v6, v2;
	v3 =	vld [tilespmem:s28+$0xFFFFFFD0]  }
0x49f: {  	v6 =	vld [tilespmem:s29+$0xFFFFFFD0];
	v1 =	vadd.f32 v1, v7  }
0x4a0: {  	[tilespmem:s28+$0x40] =	vst v2;
	v2 =	vld [tilespmem:s28+$0x50]  }
0x4a1: {  	v7 =	vld [tilespmem:s29+$0x50];
	[tilespmem:s28+$0xFFFFFF40] =	vst v1;
	v0 =	vadd.f32 v4, v0  }
0x4a2: {  	v1 =	vld [tilespmem:s29+$0xFFFFFF50]  }
0x4a3: {  	[tilespmem:s28+$0xD0] =	vst v0;
	v0 =	vld [tilespmem:s28+$0xE0]  }
0x4a4: {  	v3 =	vadd.f32 v6, v3;
	v4 =	vld [tilespmem:s29+$0xE0]  }
0x4a5: {  	v6 =	vld [tilespmem:s28+$0xFFFFFF60]  }
0x4a6: {  	[tilespmem:s28+$0xFFFFFFD0] =	vst v3;
	v2 =	vadd.f32 v7, v2;
	v3 =	vld [tilespmem:s28+$0xFFFFFFE0]  }
0x4a7: {  	v7 =	vld [tilespmem:s29+$0xFFFFFFE0];
	v1 =	vadd.f32 v1, v5  }
0x4a8: {  	[tilespmem:s28+$0x50] =	vst v2;
	v2 =	vld [tilespmem:s28+$0x60]  }
0x4a9: {  	v5 =	vld [tilespmem:s29+$0x60];
	[tilespmem:s28+$0xFFFFFF50] =	vst v1;
	v0 =	vadd.f32 v4, v0  }
0x4aa: {  	v4 =	vld [tilespmem:s29+$0xFFFFFF60]  }
0x4ab: {  	v8 =	vld [tilespmem:s28+$0xF0];
	[tilespmem:s28+$0xE0] =	vst v0  }
0x4ac: {  	v1 =	vadd.f32 v7, v3;
	v7 =	vld [tilespmem:s29+$0xF0]  }
0x4ad: {  	v0 =	vld [tilespmem:s28+$0xFFFFFF70]  }
0x4ae: {  	[tilespmem:s28+$0xFFFFFFE0] =	vst v1;
	v2 =	vadd.f32 v5, v2;
	v1 =	vld [tilespmem:s28+$0xFFFFFFF0]  }
0x4af: {  	v3 =	vld [tilespmem:s29+$0xFFFFFFF0];
	v4 =	vadd.f32 v4, v6  }
0x4b0: {  	[tilespmem:s28+$0x60] =	vst v2;
	v2 =	vld [tilespmem:s28+$0x70]  }
0x4b1: {  	[tilespmem:s28+$0xFFFFFF60] =	vst v4;
	v4 =	vld [tilespmem:s29+$0x70];
	v6 =	vadd.f32 v7, v8  }
0x4b2: {  	s2 =	simm.s32 $0x0;
	s0 =	simm.s32 $0x8000;
	v5 =	vld [tilespmem:s29+$0xFFFFFF70]  }
.LBB2_20:
0x4b3: {  	v7 =	vld [tilespmem:s0+$0x80];
	[tilespmem:s28+$0xF0] =	vst v6;
	s29 =	sadd.s32 $0x200, s29  }
0x4b4: {  	s2 =	sadd.s32 $0x4, s2;
	v6 =	vld [tilespmem:s29+$0x80];
	v1 =	vadd.f32 v3, v1  }
0x4b5: {  	p0 =	slt.u32 s2, $0x7C;
	v3 =	vld [tilespmem:s29+$0xFFFFFF00]  }
0x4b6: {  	v8 =	vld [tilespmem:s0+$0xFFFFFF80];
	[tilespmem:s28+$0xFFFFFFF0] =	vst v1;
	v1 =	vadd.f32 v4, v2  }
0x4b7: {  	v2 =	vld [tilespmem:s29+$0xFFFFFF80];
	v0 =	vadd.f32 v5, v0  }
0x4b8: {  	v4 =	vld [tilespmem:s0+$0x0];
	[tilespmem:s28+$0x70] =	vst v1  }
0x4b9: {  	v1 =	vld [tilespmem:s29+$0x0];
	v5 =	vadd.f32 v6, v7;
	[tilespmem:s28+$0xFFFFFF70] =	vst v0;
	s28 =	smov.u32 s0  }
0x4ba: {  	v0 =	vld [tilespmem:s0+$0xFFFFFF00]  }
0x4bb: {  	[tilespmem:s0+$0x80] =	vst v5;
	v5 =	vld [tilespmem:s0+$0x90]  }
0x4bc: {  	v2 =	vadd.f32 v2, v8;
	v6 =	vld [tilespmem:s29+$0x90]  }
0x4bd: {  	v7 =	vld [tilespmem:s0+$0xFFFFFF10]  }
0x4be: {  	[tilespmem:s0+$0xFFFFFF80] =	vst v2;
	v2 =	vld [tilespmem:s0+$0xFFFFFF90];
	v1 =	vadd.f32 v1, v4  }
0x4bf: {  	v0 =	vadd.f32 v3, v0;
	v3 =	vld [tilespmem:s29+$0xFFFFFF90]  }
0x4c0: {  	[tilespmem:s0+$0x0] =	vst v1;
	v1 =	vld [tilespmem:s0+$0x10]  }
0x4c1: {  	[tilespmem:s0+$0xFFFFFF00] =	vst v0;
	v0 =	vld [tilespmem:s29+$0x10];
	v4 =	vadd.f32 v6, v5  }
0x4c2: {  	v5 =	vld [tilespmem:s29+$0xFFFFFF10]  }
0x4c3: {  	[tilespmem:s0+$0x90] =	vst v4;
	v4 =	vld [tilespmem:s0+$0xA0]  }
0x4c4: {  	v2 =	vadd.f32 v3, v2;
	v3 =	vld [tilespmem:s29+$0xA0]  }
0x4c5: {  	v6 =	vld [tilespmem:s0+$0xFFFFFF20]  }
0x4c6: {  	[tilespmem:s0+$0xFFFFFF90] =	vst v2;
	v2 =	vld [tilespmem:s0+$0xFFFFFFA0];
	v0 =	vadd.f32 v0, v1  }
0x4c7: {  	v1 =	vadd.f32 v5, v7;
	v5 =	vld [tilespmem:s29+$0xFFFFFFA0]  }
0x4c8: {  	[tilespmem:s0+$0x10] =	vst v0;
	v0 =	vld [tilespmem:s0+$0x20]  }
0x4c9: {  	[tilespmem:s0+$0xFFFFFF10] =	vst v1;
	v1 =	vld [tilespmem:s29+$0x20];
	v3 =	vadd.f32 v3, v4  }
0x4ca: {  	v4 =	vld [tilespmem:s29+$0xFFFFFF20]  }
0x4cb: {  	[tilespmem:s0+$0xA0] =	vst v3;
	v3 =	vld [tilespmem:s0+$0xB0]  }
0x4cc: {  	v2 =	vadd.f32 v5, v2;
	v5 =	vld [tilespmem:s29+$0xB0]  }
0x4cd: {  	v7 =	vld [tilespmem:s0+$0xFFFFFF30]  }
0x4ce: {  	[tilespmem:s0+$0xFFFFFFA0] =	vst v2;
	v2 =	vld [tilespmem:s0+$0xFFFFFFB0];
	v0 =	vadd.f32 v1, v0  }
0x4cf: {  	v1 =	vadd.f32 v4, v6;
	v4 =	vld [tilespmem:s29+$0xFFFFFFB0]  }
0x4d0: {  	[tilespmem:s0+$0x20] =	vst v0;
	v0 =	vld [tilespmem:s0+$0x30]  }
0x4d1: {  	[tilespmem:s0+$0xFFFFFF20] =	vst v1;
	v1 =	vld [tilespmem:s29+$0x30];
	v3 =	vadd.f32 v5, v3  }
0x4d2: {  	v5 =	vld [tilespmem:s29+$0xFFFFFF30]  }
0x4d3: {  	[tilespmem:s0+$0xB0] =	vst v3;
	v3 =	vld [tilespmem:s0+$0xC0]  }
0x4d4: {  	v2 =	vadd.f32 v4, v2;
	v4 =	vld [tilespmem:s29+$0xC0]  }
0x4d5: {  	v6 =	vld [tilespmem:s0+$0xFFFFFF40]  }
0x4d6: {  	[tilespmem:s0+$0xFFFFFFB0] =	vst v2;
	v2 =	vld [tilespmem:s0+$0xFFFFFFC0];
	v0 =	vadd.f32 v1, v0  }
0x4d7: {  	v1 =	vadd.f32 v5, v7;
	v5 =	vld [tilespmem:s29+$0xFFFFFFC0]  }
0x4d8: {  	[tilespmem:s0+$0x30] =	vst v0;
	v0 =	vld [tilespmem:s0+$0x40]  }
0x4d9: {  	[tilespmem:s0+$0xFFFFFF30] =	vst v1;
	v1 =	vld [tilespmem:s29+$0x40];
	v3 =	vadd.f32 v4, v3  }
0x4da: {  	v4 =	vld [tilespmem:s29+$0xFFFFFF40]  }
0x4db: {  	[tilespmem:s0+$0xC0] =	vst v3;
	v3 =	vld [tilespmem:s0+$0xD0]  }
0x4dc: {  	v2 =	vadd.f32 v5, v2;
	v5 =	vld [tilespmem:s29+$0xD0]  }
0x4dd: {  	v7 =	vld [tilespmem:s0+$0xFFFFFF50]  }
0x4de: {  	[tilespmem:s0+$0xFFFFFFC0] =	vst v2;
	v2 =	vld [tilespmem:s0+$0xFFFFFFD0];
	v0 =	vadd.f32 v1, v0  }
0x4df: {  	v1 =	vadd.f32 v4, v6;
	v4 =	vld [tilespmem:s29+$0xFFFFFFD0]  }
0x4e0: {  	[tilespmem:s0+$0x40] =	vst v0;
	v0 =	vld [tilespmem:s0+$0x50]  }
0x4e1: {  	[tilespmem:s0+$0xFFFFFF40] =	vst v1;
	v1 =	vld [tilespmem:s29+$0x50];
	v3 =	vadd.f32 v5, v3  }
0x4e2: {  	v5 =	vld [tilespmem:s29+$0xFFFFFF50]  }
0x4e3: {  	[tilespmem:s0+$0xD0] =	vst v3;
	v3 =	vld [tilespmem:s0+$0xE0]  }
0x4e4: {  	v2 =	vadd.f32 v4, v2;
	v4 =	vld [tilespmem:s29+$0xE0]  }
0x4e5: {  	v6 =	vld [tilespmem:s0+$0xFFFFFF60]  }
0x4e6: {  	[tilespmem:s0+$0xFFFFFFD0] =	vst v2;
	v2 =	vld [tilespmem:s0+$0xFFFFFFE0];
	v0 =	vadd.f32 v1, v0  }
0x4e7: {  	v1 =	vadd.f32 v5, v7;
	v5 =	vld [tilespmem:s29+$0xFFFFFFE0]  }
0x4e8: {  	[tilespmem:s0+$0x50] =	vst v0;
	v7 =	vld [tilespmem:s0+$0x60]  }
0x4e9: {  	[tilespmem:s0+$0xFFFFFF50] =	vst v1;
	v8 =	vld [tilespmem:s29+$0x60];
	v0 =	vadd.f32 v4, v3  }
0x4ea: {  	v3 =	vld [tilespmem:s29+$0xFFFFFF60]  }
0x4eb: {  	[tilespmem:s0+$0xE0] =	vst v0;
	v9 =	vld [tilespmem:s0+$0xF0]  }
0x4ec: {  	v1 =	vadd.f32 v5, v2;
	v5 =	vld [tilespmem:s29+$0xF0]  }
0x4ed: {  	v0 =	vld [tilespmem:s0+$0xFFFFFF70]  }
.Ltmp9:
0x4ee: {  	[tilespmem:s0+$0xFFFFFFE0] =	vst v1;
	v1 =	vld [tilespmem:s0+$0xFFFFFFF0];
	v2 =	vadd.f32 v8, v7;
	(pc) =	sbr.rel @p0 .LBB2_20-.Ltmp9, $4  }
0x4ef: {  	v4 =	vadd.f32 v3, v6;
	v3 =	vld [tilespmem:s29+$0xFFFFFFF0]  }
0x4f0: {  	[tilespmem:s0+$0x60] =	vst v2;
	v2 =	vld [tilespmem:s0+$0x70]  }
0x4f1: {  	[tilespmem:s0+$0xFFFFFF60] =	vst v4;
	v4 =	vld [tilespmem:s29+$0x70];
	v6 =	vadd.f32 v5, v9  }
0x4f2: {  	s0 =	sadd.s32 $0x200, s0;
	v5 =	vld [tilespmem:s29+$0xFFFFFF70]  }
0x4f3: {  	_ =	sdelay $0x1  }
0x4f4: {  	v1 =	vadd.f32 v3, v1  }
0x4f5: {  	[tilespmem:s28+$0xF0] =	vst v6;
	v2 =	vadd.f32 v4, v2  }
0x4f6: {  	[tilespmem:s28+$0xFFFFFFF0] =	vst v1;
	v0 =	vadd.f32 v5, v0  }
0x4f7: {  	[tilespmem:s28+$0x70] =	vst v2  }
0x4f8: {  	[tilespmem:s28+$0xFFFFFF70] =	vst v0  }
0x4f9: {  	_ =	swait.ge [sflag:s21], $0x2400  }
0x4fa: {  	[sflag:s21] =	ssyncset.done $0x0  }
0x4fb: {  	s28 =	simm.s32 $0x0;
	[sflag:s21] =	ssyncadd.s32 $0xFFFFDC00  }
0x4fc: {  	v0 =	vld [tilespmem:s28+$0xBD00]  }
0x4fd: {  	v1 =	vld [tilespmem:s28+$0x18500]  }
0x4fe: {  	v2 =	vld [tilespmem:s28+$0xBD10]  }
0x4ff: {  	v3 =	vld [tilespmem:s28+$0x18510]  }
0x500: {  	v4 =	vld [tilespmem:s28+$0xBD20]  }
0x501: {  	v5 =	vld [tilespmem:s28+$0x18520]  }
0x502: {  	v6 =	vld [tilespmem:s28+$0x18530]  }
0x503: {  	v7 =	vld [tilespmem:s28+$0xBEF0]  }
0x504: {  	v8 =	vld [tilespmem:s28+$0x186F0]  }
0x505: {  	v9 =	vld [tilespmem:s28+$0x18560]  }
0x506: {  	v10 =	vld [tilespmem:s28+$0xBD80]  }
0x507: {  	v11 =	vld [tilespmem:s28+$0x18580]  }
0x508: {  	v12 =	vld [tilespmem:s28+$0xBD90]  }
0x509: {  	v13 =	vld [tilespmem:s28+$0x18590]  }
0x50a: {  	v14 =	vld [tilespmem:s28+$0xBDA0]  }
0x50b: {  	v45 =	vld [tilespmem:s28+$0xBDB0]  }
0x50c: {  	v15 =	vld [tilespmem:s28+$0xBD70]  }
0x50d: {  	v47 =	vld [tilespmem:s28+$0xBDC0]  }
0x50e: {  	v48 =	vld [tilespmem:s28+$0x185C0]  }
0x50f: {  	v16 =	vld [tilespmem:s28+$0x18570]  }
0x510: {  	v49 =	vld [tilespmem:s28+$0xBDD0]  }
0x511: {  	v17 =	vld [tilespmem:s28+$0x185D0]  }
0x512: {  	v18 =	vld [tilespmem:s28+$0xBE00]  }
0x513: {  	v19 =	vld [tilespmem:s28+$0x18600]  }
0x514: {  	v20 =	vld [tilespmem:s28+$0xBE10]  }
0x515: {  	v21 =	vld [tilespmem:s28+$0x18610]  }
0x516: {  	v22 =	vld [tilespmem:s28+$0xBE20]  }
0x517: {  	v50 =	vld [tilespmem:s28+$0x18620]  }
0x518: {  	v51 =	vld [tilespmem:s28+$0xBE30]  }
0x519: {  	v23 =	vld [tilespmem:s28+$0xBDE0]  }
0x51a: {  	v53 =	vld [tilespmem:s28+$0xBE40]  }
0x51b: {  	v0 =	vadd.f32 v1, v0;
	v1 =	vld [tilespmem:s28+$0xBD30]  }
0x51c: {  	v54 =	vld [tilespmem:s28+$0x18640]  }
0x51d: {  	v55 =	vld [tilespmem:s28+$0x185E0]  }
0x51e: {  	v56 =	vld [tilespmem:s28+$0xBE50];
	v10 =	vadd.f32 v11, v10  }
0x51f: {  	v46 =	vadd.f32 v13, v12;
	[tilespmem:s28+$0xBD00] =	vst v0;
	v0 =	vadd.f32 v3, v2;
	v2 =	vld [tilespmem:s28+$0xBD40]  }
0x520: {  	[tilespmem:s28+$0xBD80] =	vst v10;
	v1 =	vadd.f32 v6, v1;
	v6 =	vld [tilespmem:s28+$0x185A0]  }
0x521: {  	v18 =	vadd.f32 v19, v18;
	v3 =	vld [tilespmem:s28+$0x18540];
	[tilespmem:s28+$0xBD90] =	vst v46  }
0x522: {  	v52 =	vadd.f32 v21, v20;
	[tilespmem:s28+$0xBD10] =	vst v0;
	v0 =	vadd.f32 v5, v4;
	v4 =	vld [tilespmem:s28+$0xBD50]  }
0x523: {  	[tilespmem:s28+$0xBE00] =	vst v18;
	v5 =	vld [tilespmem:s28+$0x18550]  }
0x524: {  	v57 =	vld [tilespmem:s28+$0xBDF0];
	v7 =	vadd.f32 v8, v7;
	[tilespmem:s28+$0xBE10] =	vst v52  }
0x525: {  	[tilespmem:s28+$0xBD20] =	vst v0;
	v0 =	vld [tilespmem:s28+$0xBD60];
	v6 =	vadd.f32 v6, v14  }
0x526: {  	v58 =	vld [tilespmem:s28+$0xBE60];
	[tilespmem:s28+$0xBEF0] =	vst v7  }
0x527: {  	v2 =	vadd.f32 v3, v2;
	[tilespmem:s28+$0xBDA0] =	vst v6;
	v6 =	vld [tilespmem:s28+$0x18630]  }
0x528: {  	[tilespmem:s28+$0xBD30] =	vst v1;
	v1 =	vld [tilespmem:s28+$0x185B0];
	v4 =	vadd.f32 v5, v4  }
0x529: {  	v59 =	vld [tilespmem:s28+$0x18660];
	[tilespmem:s28+$0xBD40] =	vst v2;
	v14 =	vadd.f32 v50, v22  }
0x52a: {  	v5 =	vld [tilespmem:s28+$0xBE80];
	v0 =	vadd.f32 v9, v0;
	[tilespmem:s28+$0xBD50] =	vst v4  }
0x52b: {  	v2 =	vld [tilespmem:s28+$0x18680];
	v4 =	vadd.f32 v16, v15;
	[tilespmem:s28+$0xBE20] =	vst v14  }
0x52c: {  	v60 =	vld [tilespmem:s28+$0x18690];
	[tilespmem:s28+$0xBD60] =	vst v0;
	v6 =	vadd.f32 v6, v51  }
0x52d: {  	v7 =	vld [tilespmem:s28+$0xBE90];
	v1 =	vadd.f32 v1, v45;
	[tilespmem:s28+$0xBD70] =	vst v4  }
0x52e: {  	v0 =	vadd.f32 v48, v47;
	[tilespmem:s28+$0xBE30] =	vst v6;
	v6 =	vld [tilespmem:s28+$0x185F0]  }
0x52f: {  	v61 =	vld [tilespmem:s28+$0xBEA0];
	v4 =	vadd.f32 v17, v49;
	[tilespmem:s28+$0xBDB0] =	vst v1  }
0x530: {  	v63 =	vld [tilespmem:s28+$0x18670];
	v2 =	vadd.f32 v2, v5;
	[tilespmem:s28+$0xBDC0] =	vst v0  }
0x531: {  	v1 =	vld [tilespmem:s28+$0x18650];
	v0 =	vadd.f32 v55, v23;
	[tilespmem:s28+$0xBDD0] =	vst v4  }
0x532: {  	v3 =	vld [tilespmem:s28+$0xBE70];
	[tilespmem:s28+$0xBE80] =	vst v2;
	v2 =	vadd.f32 v60, v7  }
0x533: {  	v62 =	vld [tilespmem:s28+$0x186A0];
	[tilespmem:s28+$0xBDE0] =	vst v0;
	v0 =	vadd.f32 v6, v57  }
0x534: {  	v5 =	vld [tilespmem:s28+$0x186B0];
	[tilespmem:s28+$0xBE90] =	vst v2;
	v6 =	vadd.f32 v54, v53  }
0x535: {  	v4 =	vld [tilespmem:s28+$0xBEB0];
	v7 =	vadd.f32 v59, v58;
	[tilespmem:s28+$0xBDF0] =	vst v0  }
0x536: {  	v0 =	vld [tilespmem:s28+$0xBEC0];
	[tilespmem:s28+$0xBE40] =	vst v6;
	v6 =	vadd.f32 v1, v56  }
0x537: {  	[tilespmem:s28+$0xBE60] =	vst v7;
	v7 =	vadd.f32 v63, v3;
	v1 =	vld [tilespmem:s28+$0x186C0]  }
0x538: {  	v2 =	vld [tilespmem:s28+$0xBED0];
	[tilespmem:s28+$0xBE50] =	vst v6;
	v6 =	vadd.f32 v62, v61  }
0x539: {  	v3 =	vld [tilespmem:s28+$0x186D0];
	[tilespmem:s28+$0xBE70] =	vst v7  }
0x53a: {  	s29 =	simm.s32 $0x80;
	s0 =	simm.s32 $0x800;
	v5 =	vadd.f32 v5, v4;
	v4 =	vld [tilespmem:s28+$0xBEE0];
	[tilespmem:s28+$0xBEA0] =	vst v6  }
.LBB2_22:
0x53b: {  	s2 =	sshra.s32 s0, $0x2;
	v6 =	vld [tilespmem:s28+$0x186E0]  }
0x53c: {  	s29 =	sadd.s32 $0x4, s29;
	v7 =	vld [tilespmem:s2+$0xBEF0];
	[tilespmem:s28+$0xBEB0] =	vst v5;
	v0 =	vadd.f32 v1, v0  }
0x53d: {  	p0 =	slt.u32 s29, $0xC4;
	v1 =	vld [tilespmem:s2+$0x186F0]  }
0x53e: {  	v5 =	vld [tilespmem:s2+$0xBD00];
	[tilespmem:s28+$0xBEC0] =	vst v0;
	v0 =	vadd.f32 v3, v2  }
0x53f: {  	v2 =	vld [tilespmem:s2+$0x18500]  }
0x540: {  	v3 =	vld [tilespmem:s2+$0xBD10];
	[tilespmem:s28+$0xBED0] =	vst v0;
	v0 =	vadd.f32 v6, v4  }
0x541: {  	v4 =	vld [tilespmem:s2+$0x18510]  }
0x542: {  	v6 =	vld [tilespmem:s2+$0xBD20];
	v1 =	vadd.f32 v1, v7;
	[tilespmem:s28+$0xBEE0] =	vst v0;
	s28 =	smov.u32 s2  }
0x543: {  	v0 =	vld [tilespmem:s28+$0x18520]  }
0x544: {  	v2 =	vadd.f32 v2, v5;
	v5 =	vld [tilespmem:s28+$0xBD30];
	[tilespmem:s28+$0xBEF0] =	vst v1  }
0x545: {  	v1 =	vld [tilespmem:s28+$0x18530]  }
0x546: {  	[tilespmem:s28+$0xBD00] =	vst v2;
	v2 =	vadd.f32 v4, v3;
	v3 =	vld [tilespmem:s28+$0xBD40]  }
0x547: {  	v4 =	vld [tilespmem:s28+$0x18540]  }
0x548: {  	[tilespmem:s28+$0xBD10] =	vst v2;
	v0 =	vadd.f32 v0, v6;
	v2 =	vld [tilespmem:s28+$0xBD50]  }
0x549: {  	v6 =	vld [tilespmem:s28+$0x18550]  }
0x54a: {  	[tilespmem:s28+$0xBD20] =	vst v0;
	v0 =	vadd.f32 v1, v5;
	v1 =	vld [tilespmem:s28+$0xBD60]  }
0x54b: {  	v5 =	vld [tilespmem:s28+$0x18560]  }
0x54c: {  	[tilespmem:s28+$0xBD30] =	vst v0;
	v0 =	vadd.f32 v4, v3;
	v3 =	vld [tilespmem:s28+$0xBD70]  }
0x54d: {  	v4 =	vld [tilespmem:s28+$0x18570]  }
0x54e: {  	[tilespmem:s28+$0xBD40] =	vst v0;
	v0 =	vadd.f32 v6, v2;
	v2 =	vld [tilespmem:s28+$0xBD80]  }
0x54f: {  	v6 =	vld [tilespmem:s28+$0x18580]  }
0x550: {  	[tilespmem:s28+$0xBD50] =	vst v0;
	v0 =	vadd.f32 v5, v1;
	v1 =	vld [tilespmem:s28+$0xBD90]  }
0x551: {  	v5 =	vld [tilespmem:s28+$0x18590]  }
0x552: {  	[tilespmem:s28+$0xBD60] =	vst v0;
	v0 =	vadd.f32 v4, v3;
	v3 =	vld [tilespmem:s28+$0xBDA0]  }
0x553: {  	v4 =	vld [tilespmem:s28+$0x185A0]  }
0x554: {  	[tilespmem:s28+$0xBD70] =	vst v0;
	v0 =	vadd.f32 v6, v2;
	v2 =	vld [tilespmem:s28+$0xBDB0]  }
0x555: {  	v6 =	vld [tilespmem:s28+$0x185B0]  }
0x556: {  	[tilespmem:s28+$0xBD80] =	vst v0;
	v0 =	vadd.f32 v5, v1;
	v1 =	vld [tilespmem:s28+$0xBDC0]  }
0x557: {  	v5 =	vld [tilespmem:s28+$0x185C0]  }
0x558: {  	[tilespmem:s28+$0xBD90] =	vst v0;
	v0 =	vadd.f32 v4, v3;
	v3 =	vld [tilespmem:s28+$0xBDD0]  }
0x559: {  	v4 =	vld [tilespmem:s28+$0x185D0]  }
0x55a: {  	[tilespmem:s28+$0xBDA0] =	vst v0;
	v0 =	vadd.f32 v6, v2;
	v2 =	vld [tilespmem:s28+$0xBDE0]  }
0x55b: {  	v6 =	vld [tilespmem:s28+$0x185E0]  }
0x55c: {  	[tilespmem:s28+$0xBDB0] =	vst v0;
	v0 =	vadd.f32 v5, v1;
	v1 =	vld [tilespmem:s28+$0xBDF0]  }
0x55d: {  	v5 =	vld [tilespmem:s28+$0x185F0]  }
0x55e: {  	[tilespmem:s28+$0xBDC0] =	vst v0;
	v0 =	vadd.f32 v4, v3;
	v3 =	vld [tilespmem:s28+$0xBE00]  }
0x55f: {  	v4 =	vld [tilespmem:s28+$0x18600]  }
0x560: {  	[tilespmem:s28+$0xBDD0] =	vst v0;
	v0 =	vadd.f32 v6, v2;
	v2 =	vld [tilespmem:s28+$0xBE10]  }
0x561: {  	v6 =	vld [tilespmem:s28+$0x18610]  }
0x562: {  	[tilespmem:s28+$0xBDE0] =	vst v0;
	v0 =	vadd.f32 v5, v1;
	v1 =	vld [tilespmem:s28+$0xBE20]  }
0x563: {  	v5 =	vld [tilespmem:s28+$0x18620]  }
0x564: {  	[tilespmem:s28+$0xBDF0] =	vst v0;
	v0 =	vadd.f32 v4, v3;
	v3 =	vld [tilespmem:s28+$0xBE30]  }
0x565: {  	v4 =	vld [tilespmem:s28+$0x18630]  }
0x566: {  	[tilespmem:s28+$0xBE00] =	vst v0;
	v0 =	vadd.f32 v6, v2;
	v2 =	vld [tilespmem:s28+$0xBE40]  }
0x567: {  	v6 =	vld [tilespmem:s28+$0x18640]  }
0x568: {  	[tilespmem:s28+$0xBE10] =	vst v0;
	v0 =	vadd.f32 v5, v1;
	v1 =	vld [tilespmem:s28+$0xBE50]  }
0x569: {  	v5 =	vld [tilespmem:s28+$0x18650]  }
0x56a: {  	[tilespmem:s28+$0xBE20] =	vst v0;
	v0 =	vadd.f32 v4, v3;
	v3 =	vld [tilespmem:s28+$0xBE60]  }
0x56b: {  	v4 =	vld [tilespmem:s28+$0x18660]  }
0x56c: {  	[tilespmem:s28+$0xBE30] =	vst v0;
	v0 =	vadd.f32 v6, v2;
	v2 =	vld [tilespmem:s28+$0xBE70]  }
0x56d: {  	v6 =	vld [tilespmem:s28+$0x18670]  }
0x56e: {  	[tilespmem:s28+$0xBE40] =	vst v0;
	v0 =	vadd.f32 v5, v1;
	v1 =	vld [tilespmem:s28+$0xBE80]  }
0x56f: {  	v5 =	vld [tilespmem:s28+$0x18680]  }
0x570: {  	[tilespmem:s28+$0xBE50] =	vst v0;
	v0 =	vadd.f32 v4, v3;
	v3 =	vld [tilespmem:s28+$0xBE90]  }
0x571: {  	v4 =	vld [tilespmem:s28+$0x18690]  }
0x572: {  	[tilespmem:s28+$0xBE60] =	vst v0;
	v0 =	vadd.f32 v6, v2;
	v2 =	vld [tilespmem:s28+$0xBEA0]  }
0x573: {  	v6 =	vld [tilespmem:s28+$0x186A0]  }
0x574: {  	[tilespmem:s28+$0xBE70] =	vst v0;
	v0 =	vadd.f32 v5, v1;
	v5 =	vld [tilespmem:s28+$0xBEB0]  }
0x575: {  	v7 =	vld [tilespmem:s28+$0x186B0]  }
.Ltmp10:
0x576: {  	[tilespmem:s28+$0xBE80] =	vst v0;
	v3 =	vadd.f32 v4, v3;
	v0 =	vld [tilespmem:s28+$0xBEC0];
	(pc) =	sbr.rel @p0 .LBB2_22-.Ltmp10, $4  }
0x577: {  	v1 =	vld [tilespmem:s28+$0x186C0]  }
0x578: {  	[tilespmem:s28+$0xBE90] =	vst v3;
	v4 =	vadd.f32 v6, v2;
	v2 =	vld [tilespmem:s28+$0xBED0]  }
0x579: {  	v3 =	vld [tilespmem:s28+$0x186D0]  }
0x57a: {  	s0 =	sadd.s32 $0x800, s0;
	[tilespmem:s28+$0xBEA0] =	vst v4;
	v5 =	vadd.f32 v7, v5;
	v4 =	vld [tilespmem:s28+$0xBEE0]  }
0x57b: {  	v6 =	vld [tilespmem:s28+$0x186E0];
	_ =	sdelay $0x2  }
0x57c: {  	v0 =	vadd.f32 v1, v0  }
0x57d: {  	[tilespmem:s28+$0xBEB0] =	vst v5;
	v62 =	vadd.f32 v3, v2  }
0x57e: {  	s26 =	sadd.s32 $0x1, s26;
	[tilespmem:s28+$0xBEC0] =	vst v0;
	v63 =	vadd.f32 v6, v4  }
0x57f: {  	p0 =	sne.s32 s26, s7;
	[tilespmem:s28+$0xBED0] =	vst v62  }
.Ltmp11:
0x580: {  	[tilespmem:s28+$0xBEE0] =	vst v63;
	(pc) =	sbr.rel @p0 .LBB2_1-.Ltmp11, $4  }
0x581: {  	[hbm4b:s6+s4] =	stream.linear.scatter [tilespmem:s11], [sflag:$0x7], $0x6400, $0x38;
	[tilespmem:$0x1A900] =	vst v63  }
0x582: {  	_ =	swait.ge [sflag:s8], $0x6400  }
0x583: {  	[sflag:s8] =	ssyncset.done $0x0  }
0x584: {  	[sflag:s8] =	ssyncadd.s32 $0xFFFF9C00  }
0x585: {  	_ =	sfence.sel $0x180000  }
0x586: {  	[bflag:$0x0] =	sbarrier.arrive $0xFFFF  }
0x587: {  	_ =	strace $0x90000047  }
0x588: {  	s0 =	stileid.u32;
	[bflag:$0x2] =	sbarrier.arrive $0xFFFF  }
0x589: {  	p0 =	sne.s32 s0, $0x0;
	s0 =	rddreg [dreg:$0x4]  }
0x58a: {  	s0 =	sadd.s32 @!p0 $0x100000, s0  }
0x58b: {  	[sflag:s0] =	ssyncadd.tile.s32 @!p0 $0x1;
	_ =	shalt  }
.Lfunc_end2:
_tile_overlayer_lowered:
.L_overlay_start_2:
0x58c: {  	(tag) =	ssettag $0x2  }
0x58d: {  	s0 =	rddreg [dreg:$0x0];
	s2 =	stileid.u32  }
0x58e: {  	s1 =	rddreg [dreg:$0x1];
	p0 =	sne.s32 s2, $0x0  }
0x58f: {  	s3 =	rddreg [dreg:$0x2];
	[bflag:$0x3] =	sbarrier.arrive $0xFFFF;
	s2 =	simm.s32 @!p0 $0x1C07  }
0x590: {  	[timem:s3], [sflag:s2] =	dma.local @!p0 [hbm:s0], s1  }
0x591: {  	s0 =	simm.s32 @!p0 $0x7  }
0x592: {  	_ =	swait.ge @!p0 [sflag:s0], s1  }
0x593: {  	s1 =	ssub.s32 @!p0 $0x0, s1;
	[sflag:s0] =	ssyncset.done @!p0 $0x0  }
0x594: {  	[sflag:s0] =	ssyncadd.s32 @!p0 s1  }
0x595: {  	[bflag:$0x3] =	sbarrier.arrive $0xFFFF  }
0x596: {  	_ =	shalt  }

</sc_bundles>
